<compile_context>
chip_gen: v7x
topology: tpu7x:2x2x1
jax: 0.10.2.dev20260603
libtpu: 0.0.44.dev20260713+nightly
codegen_flags: <defaults>
</compile_context>

<pallas_src>
import jax
import jax.numpy as jnp
from jax import lax
from jax.experimental import pallas as pl
from jax.experimental.pallas import tpu as pltpu
from jax.experimental.pallas import tpu_sc as plsc

_NC = 2
_NS = 16
_NW = _NC * _NS
_LANES = 128
_BLK = 256
_NPAD = 10240
_G = 64


def _tc_in_proj(xpad, Wl, Wr):
    nblk = xpad.shape[0] // _BLK
    H = Wl.shape[1]

    def body(x_ref, wl_ref, wr_ref, p_ref, xr_ref):
        xb = x_ref[...]
        p_ref[...] = jnp.dot(xb, wl_ref[...], preferred_element_type=jnp.float32)
        xr_ref[...] = jnp.dot(xb, wr_ref[...], preferred_element_type=jnp.float32)

    return pl.pallas_call(
        body,
        grid=(nblk,),
        in_specs=[
            pl.BlockSpec((_BLK, xpad.shape[1]), lambda i: (i, 0)),
            pl.BlockSpec(Wl.shape, lambda i: (0, 0)),
            pl.BlockSpec(Wr.shape, lambda i: (0, 0)),
        ],
        out_specs=[
            pl.BlockSpec((_BLK, H), lambda i: (i, 0)),
            pl.BlockSpec((_BLK, H), lambda i: (i, 0)),
        ],
        out_shape=[
            jax.ShapeDtypeStruct((xpad.shape[0], H), jnp.float32),
            jax.ShapeDtypeStruct((xpad.shape[0], H), jnp.float32),
        ],
    )(xpad, Wl, Wr)


def _sc_scatter_sum(P, srcR, dstR, z128):
    nchunk = srcR.shape[0]
    rwk = nchunk // _NW
    rp = _NPAD // _NS
    mesh = plsc.VectorSubcoreMesh(core_axis_name="c", subcore_axis_name="s")

    grp = 8
    ngrp = rwk // grp

    def body(P_hbm, srcI, dstI, zfull, outS,
             accum, idx_s, idx_d, rows0, rows1, sem0, sem1, ssem0, ssem1):
        c = lax.axis_index("c")
        s = lax.axis_index("s")
        wid = c * _NS + s
        pltpu.sync_copy(zfull.at[pl.ds(s * rp, rp)],
                        accum.at[pl.ds(s * rp, rp)])
        plsc.subcore_barrier()

        bufs = ((rows0, sem0, ssem0), (rows1, sem1, ssem1))

        def group(g, carry):
            rowbase = wid * rwk + g * grp
            pltpu.sync_copy(srcI.at[pl.ds(rowbase, grp)], idx_s)
            pltpu.sync_copy(dstI.at[pl.ds(rowbase, grp)], idx_d)
            gd = [None, None]
            sd = [None, None]
            gd[0] = pltpu.async_copy(P_hbm.at[idx_s.at[0]], rows0, sem0)
            for j in range(grp):
                b = j % 2
                rv, _, ss = bufs[b]
                if j + 1 < grp:
                    nb = (j + 1) % 2
                    rn, gs, _ = bufs[nb]
                    if sd[nb] is not None:
                        sd[nb].wait()
                        sd[nb] = None
                    gd[nb] = pltpu.async_copy(P_hbm.at[idx_s.at[j + 1]], rn, gs)
                gd[b].wait()
                sd[b] = pltpu.async_copy(rv, accum.at[idx_d.at[j]], ss,
                                         add=True)
            for b in range(2):
                if sd[b] is not None:
                    sd[b].wait()
            return carry

        lax.fori_loop(0, ngrp, group, 0)
        plsc.subcore_barrier()
        sl = pl.ds(s * rp, rp)
        pltpu.sync_copy(accum.at[sl], outS.at[c, sl])

    fn = pl.kernel(
        body,
        out_type=jax.ShapeDtypeStruct((_NC, _NPAD, 128), jnp.float32),
        mesh=mesh,
        scratch_types=[
            pltpu.VMEM_SHARED((_NPAD, 128), jnp.float32),
            pltpu.VMEM((grp, _LANES), jnp.int32),
            pltpu.VMEM((grp, _LANES), jnp.int32),
            pltpu.VMEM((_LANES, 128), jnp.float32),
            pltpu.VMEM((_LANES, 128), jnp.float32),
            pltpu.SemaphoreType.DMA,
            pltpu.SemaphoreType.DMA,
            pltpu.SemaphoreType.DMA,
            pltpu.SemaphoreType.DMA,
        ],
    )
    return fn(P, srcR, dstR, z128)


def _sc_degree(dstR, ones128, z128):
    nchunk = dstR.shape[0]
    rwk = nchunk // _NW
    rp = _NPAD // _NS
    mesh = plsc.VectorSubcoreMesh(core_axis_name="c", subcore_axis_name="s")

    grp = 8
    ngrp = rwk // grp

    def body(dstI, onesh, zfull, outD, dacc, idx_d, ones_v):
        c = lax.axis_index("c")
        s = lax.axis_index("s")
        wid = c * _NS + s
        pltpu.sync_copy(zfull.at[pl.ds(s * rp, rp)],
                        dacc.at[pl.ds(s * rp, rp)])
        pltpu.sync_copy(onesh, ones_v)
        plsc.subcore_barrier()

        def group(g, carry):
            rowbase = wid * rwk + g * grp
            pltpu.sync_copy(dstI.at[pl.ds(rowbase, grp)], idx_d)
            for j in range(grp):
                pltpu.sync_copy(ones_v, dacc.at[idx_d.at[j]], add=True)
            return carry

        lax.fori_loop(0, ngrp, group, 0)
        plsc.subcore_barrier()
        sl = pl.ds(s * rp, rp)
        pltpu.sync_copy(dacc.at[sl], outD.at[c, sl])

    fn = pl.kernel(
        body,
        out_type=jax.ShapeDtypeStruct((_NC, _NPAD, 128), jnp.float32),
        mesh=mesh,
        scratch_types=[
            pltpu.VMEM_SHARED((_NPAD, 128), jnp.float32),
            pltpu.VMEM((grp, _LANES), jnp.int32),
            pltpu.VMEM((_LANES, 128), jnp.float32),
        ],
    )
    return fn(dstR, ones128, z128)


def _tc_combine_mid(Sp, degp, XR, b1r, Wl2, Wr2):
    nblk = _NPAD // _BLK
    H = Wl2.shape[0]

    def body(s_ref, d_ref, xr_ref, b_ref, wl_ref, wr_ref, p_ref, xr2_ref):
        ssum = s_ref[0] + s_ref[1]
        deg = d_ref[0] + d_ref[1]
        inv = 1.0 / jnp.maximum(deg, 1.0)
        h = jnp.maximum(ssum * inv + b_ref[...] + xr_ref[...], 0.0)
        p_ref[...] = jnp.dot(h, wl_ref[...], preferred_element_type=jnp.float32)
        xr2_ref[...] = jnp.dot(h, wr_ref[...], preferred_element_type=jnp.float32)

    return pl.pallas_call(
        body,
        grid=(nblk,),
        in_specs=[
            pl.BlockSpec((2, _BLK, H), lambda i: (0, i, 0)),
            pl.BlockSpec((2, _BLK, 1), lambda i: (0, i, 0)),
            pl.BlockSpec((_BLK, H), lambda i: (i, 0)),
            pl.BlockSpec((1, H), lambda i: (0, 0)),
            pl.BlockSpec((H, H), lambda i: (0, 0)),
            pl.BlockSpec((H, H), lambda i: (0, 0)),
        ],
        out_specs=[
            pl.BlockSpec((_BLK, H), lambda i: (i, 0)),
            pl.BlockSpec((_BLK, H), lambda i: (i, 0)),
        ],
        out_shape=[
            jax.ShapeDtypeStruct((_NPAD, H), jnp.float32),
            jax.ShapeDtypeStruct((_NPAD, H), jnp.float32),
        ],
    )(Sp, degp, XR, b1r, Wl2, Wr2)


def _tc_combine_pool_head(Sp, degp, XR, b2r, batchR, Wp, bp, C):
    nblk = _NPAD // _BLK
    H = XR.shape[1]

    def body(s_ref, d_ref, xr_ref, b_ref, bt_ref, wp_ref, bp_ref, out_ref, scr):
        i = pl.program_id(0)

        @pl.when(i == 0)
        def _init():
            scr[...] = jnp.full((_G, 128), -jnp.inf, dtype=jnp.float32)

        ssum = s_ref[0] + s_ref[1]
        deg = d_ref[0] + d_ref[1]
        inv = 1.0 / jnp.maximum(deg, 1.0)
        h = jnp.maximum(ssum * inv + b_ref[...] + xr_ref[...], 0.0)

        bt = bt_ref[...]
        g_lo = jnp.min(bt)
        g_hi = jnp.minimum(jnp.max(bt), _G - 1)
        row_g = lax.broadcasted_iota(jnp.int32, (_G, 128), 0)

        def upd(g, carry):
            m = bt == g
            v = jnp.max(jnp.where(m, h, -jnp.inf), axis=0, keepdims=True)
            upd_mat = jnp.where(row_g == g, v, -jnp.inf)
            scr[...] = jnp.maximum(scr[...], upd_mat)
            return carry

        lax.fori_loop(g_lo, g_hi + 1, upd, 0)

        @pl.when(i == nblk - 1)
        def _head():
            pooled = scr[...]
            logits = (jnp.dot(pooled, wp_ref[...],
                              preferred_element_type=jnp.float32)
                      + bp_ref[...])
            colmask = lax.broadcasted_iota(jnp.int32, (_G, 128), 1) < C
            lm = jnp.where(colmask, logits, -jnp.inf)
            mx = jnp.max(lm, axis=1, keepdims=True)
            se = jnp.sum(jnp.where(colmask, jnp.exp(lm - mx), 0.0),
                         axis=1, keepdims=True)
            out_ref[...] = lm - (jnp.log(se) + mx)

    return pl.pallas_call(
        body,
        grid=(nblk,),
        in_specs=[
            pl.BlockSpec((2, _BLK, H), lambda i: (0, i, 0)),
            pl.BlockSpec((2, _BLK, 1), lambda i: (0, i, 0)),
            pl.BlockSpec((_BLK, H), lambda i: (i, 0)),
            pl.BlockSpec((1, H), lambda i: (0, 0)),
            pl.BlockSpec((_BLK, 1), lambda i: (i, 0)),
            pl.BlockSpec((H, 128), lambda i: (0, 0)),
            pl.BlockSpec((1, 128), lambda i: (0, 0)),
        ],
        out_specs=pl.BlockSpec((_G, 128), lambda i: (0, 0)),
        out_shape=jax.ShapeDtypeStruct((_G, 128), jnp.float32),
        scratch_shapes=[pltpu.VMEM((_G, 128), jnp.float32)],
    )(Sp, degp, XR, b2r, batchR, Wp, bp)


def kernel(x, edge_index, batch, Wl1, Wr1, b1, Wl2, Wr2, b2, W_out, b_out):
    N, F = x.shape
    H = Wl1.shape[1]
    C = W_out.shape[1]
    E = edge_index.shape[1]

    xpad = jnp.pad(x, ((0, _NPAD - N), (0, 0)))
    epad = (-E) % (_NW * _LANES * 8)
    src = jnp.concatenate([edge_index[0], jnp.zeros((epad,), jnp.int32)])
    dst = jnp.concatenate([edge_index[1], jnp.full((epad,), N, jnp.int32)])
    srcR = src.astype(jnp.int32).reshape(-1, _LANES)
    dstR = dst.astype(jnp.int32).reshape(-1, _LANES)
    z128 = jnp.zeros((_NPAD, 128), jnp.float32)
    ones128 = jnp.ones((_LANES, 128), jnp.float32)
    batchR = jnp.pad(batch.astype(jnp.int32), (0, _NPAD - N),
                     constant_values=_G)[:, None]
    b1r = b1.reshape(1, H)
    b2r = b2.reshape(1, H)
    Wp = jnp.pad(W_out, ((0, 0), (0, 128 - C)))
    bp = jnp.pad(b_out, (0, 128 - C)).reshape(1, 128)

    degp = _sc_degree(dstR, ones128, z128)[:, :, 0:1]

    P1, XR1 = _tc_in_proj(xpad, Wl1, Wr1)
    S1 = _sc_scatter_sum(P1, srcR, dstR, z128)
    P2, XR2 = _tc_combine_mid(S1, degp, XR1, b1r, Wl2, Wr2)

    S2 = _sc_scatter_sum(P2, srcR, dstR, z128)
    outp = _tc_combine_pool_head(S2, degp, XR2, b2r, batchR, Wp, bp, C)
    return outp[:, :C]

# --- scband reference (transcript-rebuilt; emitter-appended) ---
"""Pipeline reference for scband-multi-layer-gnn-22557168239476 (READ-ONLY COPY).

The authoritative reference and input builder live on the scoring server;
editing this copy changes nothing except your own understanding.
"""

import jax, jax.numpy as jnp
import numpy as np

N, E, F, H, C, G = 10000, 320000, 128, 128, 2, 64

def setup_inputs(seed: int = 0) -> dict:
    key = jax.random.key(seed)
    ks = jax.random.split(key, 12)
    x = jax.random.normal(ks[0], (N, F), dtype=jnp.float32)
    edge_index = jax.random.randint(ks[1], (2, E), 0, N)
    batch = jnp.sort(jax.random.randint(ks[2], (N,), 0, G))
    s_f = 1.0 / np.sqrt(F)
    s_h = 1.0 / np.sqrt(H)
    Wl1 = jax.random.normal(ks[3], (F, H), dtype=jnp.float32) * s_f
    Wr1 = jax.random.normal(ks[4], (F, H), dtype=jnp.float32) * s_f
    b1 = jnp.zeros((H,), dtype=jnp.float32)
    Wl2 = jax.random.normal(ks[5], (H, H), dtype=jnp.float32) * s_h
    Wr2 = jax.random.normal(ks[6], (H, H), dtype=jnp.float32) * s_h
    b2 = jnp.zeros((H,), dtype=jnp.float32)
    W_out = jax.random.normal(ks[7], (H, C), dtype=jnp.float32) * s_h
    b_out = jnp.zeros((C,), dtype=jnp.float32)
    return {"x": x, "edge_index": edge_index, "batch": batch,
            "Wl1": Wl1, "Wr1": Wr1, "b1": b1,
            "Wl2": Wl2, "Wr2": Wr2, "b2": b2,
            "W_out": W_out, "b_out": b_out}

def _sage_conv(x, edge_index, Wl, Wr, b):
    # PyG SAGEConv (mean aggr): out = lin_l(mean_neighbors) + lin_r(x)
    src = edge_index[0]
    dst = edge_index[1]
    n = x.shape[0]
    msgs = jnp.take(x, src, axis=0)
    summed = jax.ops.segment_sum(msgs, dst, num_segments=n)
    deg = jax.ops.segment_sum(jnp.ones((src.shape[0],), dtype=x.dtype), dst, num_segments=n)
    mean = summed / jnp.clip(deg, 1.0)[:, None]
    return mean @ Wl + b + x @ Wr

def reference(x, edge_index, batch, Wl1, Wr1, b1, Wl2, Wr2, b2, W_out, b_out):
    # layer 1 (dropout is identity in eval mode)
    h = jax.nn.relu(_sage_conv(x, edge_index, Wl1, Wr1, b1))
    # layer 2
    h = jax.nn.relu(_sage_conv(h, edge_index, Wl2, Wr2, b2))
    # global max pool over graphs
    pooled = jax.ops.segment_max(h, batch, num_segments=G)
    logits = pooled @ W_out + b_out
    return jax.nn.log_softmax(logits, axis=-1)

if __name__ == "__main__":
    import jax
    _d = setup_inputs()
    print(jax.jit(kernel)(*tuple(_d.values())))

</pallas_src>

<mosaic_0001>
#map = affine_map<(d0, d1) -> (0, 0)>
#map1 = affine_map<(d0, d1) -> (0, 0, 0)>
module attributes {stable_mosaic.version = 14 : i64} {
  func.func @body(%arg0: i32, %arg1: i32, %arg2: memref<10240x128xf32, #tpu.memory_space<hbm>>, %arg3: memref<2560x128xi32, #tpu.memory_space<hbm>>, %arg4: memref<2560x128xi32, #tpu.memory_space<hbm>>, %arg5: memref<10240x128xf32, #tpu.memory_space<hbm>>, %arg6: memref<2x10240x128xf32, #tpu.memory_space<hbm>>, %arg7: memref<10240x128xf32, #tpu.memory_space<vmem_shared>>, %arg8: memref<8x128xi32, #tpu.memory_space<vmem>>, %arg9: memref<8x128xi32, #tpu.memory_space<vmem>>, %arg10: memref<128x128xf32, #tpu.memory_space<vmem>>, %arg11: memref<128x128xf32, #tpu.memory_space<vmem>>, %arg12: memref<!tpu.dma_semaphore, #tpu.memory_space<semaphore_mem>>, %arg13: memref<!tpu.dma_semaphore, #tpu.memory_space<semaphore_mem>>, %arg14: memref<!tpu.dma_semaphore, #tpu.memory_space<semaphore_mem>>, %arg15: memref<!tpu.dma_semaphore, #tpu.memory_space<semaphore_mem>>) attributes {dimension_semantics = [#tpu.dimension_semantics<core_parallel>, #tpu.dimension_semantics<subcore_parallel>], iteration_bounds = array<i64: 2, 16>, scalar_prefetch = 0 : i64, scratch_operands = 9 : i64, tpu.core_type = #tpu.core_type<sc_vector_subcore>, window_params = [{transform_indices = #map}, {transform_indices = #map}, {transform_indices = #map}, {transform_indices = #map}, {transform_indices = #map1}]} {
    %mul3A = arith.constant 16 : i32
    %mul3A_0 = arith.muli %arg0, %mul3A : i32
    %add3A = arith.addi %mul3A_0, %arg1 : i32
    %mul3A_1 = arith.constant 640 : i32
    %mul3A_2 = arith.muli %arg1, %mul3A_1 : i32
    %mul3A_3 = arith.constant 640 : i32
    %mul3A_4 = arith.muli %arg1, %mul3A_3 : i32
    "tpu.region"() ({
      %run_scoped3A = tpu.sem_alloc : memref<!tpu.dma_semaphore, #tpu.memory_space<semaphore_mem>>
      %dma_start3A = arith.constant 0 : i32
      %dma_start3A_13 = tpu.memref_slice %arg7[%mul3A_4, %dma_start3A] : memref<10240x128xf32, #tpu.memory_space<vmem_shared>> -> memref<640x128xf32, #tpu.memory_space<vmem_shared>>
      %dma_start3A_14 = arith.constant 0 : i32
      %dma_start3A_15 = tpu.memref_slice %arg5[%mul3A_2, %dma_start3A_14] : memref<10240x128xf32, #tpu.memory_space<hbm>> -> memref<640x128xf32, #tpu.memory_space<hbm>>
      tpu.enqueue_dma source(%dma_start3A_15 : memref<640x128xf32, #tpu.memory_space<hbm>>) target(%dma_start3A_13 : memref<640x128xf32, #tpu.memory_space<vmem_shared>>) target_semaphore(%run_scoped3A : memref<!tpu.dma_semaphore, #tpu.memory_space<semaphore_mem>>)
      %dma_wait3A = arith.constant 0 : i32
      %dma_wait3A_16 = tpu.memref_slice %arg7[%mul3A_4, %dma_wait3A] : memref<10240x128xf32, #tpu.memory_space<vmem_shared>> -> memref<640x128xf32, #tpu.memory_space<vmem_shared>>
      %dma_wait3A_17 = arith.constant 0 : i32
      %dma_wait3A_18 = tpu.memref_slice %arg5[%mul3A_2, %dma_wait3A_17] : memref<10240x128xf32, #tpu.memory_space<hbm>> -> memref<640x128xf32, #tpu.memory_space<hbm>>
      tpu.wait_dma2 semaphore(%run_scoped3A : memref<!tpu.dma_semaphore, #tpu.memory_space<semaphore_mem>>) src(%dma_wait3A_18 : memref<640x128xf32, #tpu.memory_space<hbm>>) dst(%dma_wait3A_16 : memref<640x128xf32, #tpu.memory_space<vmem_shared>>)
      tpu.yield
    }) : () -> ()
    %barrier3A = arith.constant 0 : index
    tpu.barrier barrier_id(%barrier3A)
    %scan3A = arith.constant 0 : i32
    %scan3A_5 = arith.constant 0 : i32
    %scan3A_6 = arith.constant 10 : i32
    %scan3A_7 = arith.addi %scan3A_5, %scan3A_6 : i32
    %scan3A_8 = arith.constant 1 : i32
    scf.for %scan3A_13 = %scan3A_5 to %scan3A_7 step %scan3A_8  : i32 {
      %mul3A_14 = arith.constant 80 : i32
      %mul3A_15 = arith.muli %add3A, %mul3A_14 : i32
      %mul3A_16 = arith.constant 8 : i32
      %mul3A_17 = arith.muli %scan3A_13, %mul3A_16 : i32
      %add3A_18 = arith.addi %mul3A_15, %mul3A_17 : i32
      "tpu.region"() ({
        %run_scoped3A = tpu.sem_alloc : memref<!tpu.dma_semaphore, #tpu.memory_space<semaphore_mem>>
        %dma_start3A_241 = arith.constant 0 : i32
        %dma_start3A_242 = tpu.memref_slice %arg3[%add3A_18, %dma_start3A_241] : memref<2560x128xi32, #tpu.memory_space<hbm>> -> memref<8x128xi32, #tpu.memory_space<hbm>>
        %dma_start3A_243 = arith.constant 0 : i32
        %dma_start3A_244 = tpu.memref_slice %arg3[%add3A_18, %dma_start3A_243] : memref<2560x128xi32, #tpu.memory_space<hbm>> -> memref<8x128xi32, #tpu.memory_space<hbm>>
        tpu.enqueue_dma source(%dma_start3A_244 : memref<8x128xi32, #tpu.memory_space<hbm>>) target(%arg8 : memref<8x128xi32, #tpu.memory_space<vmem>>) target_semaphore(%run_scoped3A : memref<!tpu.dma_semaphore, #tpu.memory_space<semaphore_mem>>)
        %dma_wait3A_245 = arith.constant 0 : i32
        %dma_wait3A_246 = tpu.memref_slice %arg3[%add3A_18, %dma_wait3A_245] : memref<2560x128xi32, #tpu.memory_space<hbm>> -> memref<8x128xi32, #tpu.memory_space<hbm>>
        %dma_wait3A_247 = arith.constant 0 : i32
        %dma_wait3A_248 = tpu.memref_slice %arg3[%add3A_18, %dma_wait3A_247] : memref<2560x128xi32, #tpu.memory_space<hbm>> -> memref<8x128xi32, #tpu.memory_space<hbm>>
        tpu.wait_dma2 semaphore(%run_scoped3A : memref<!tpu.dma_semaphore, #tpu.memory_space<semaphore_mem>>) src(%dma_wait3A_248 : memref<8x128xi32, #tpu.memory_space<hbm>>) dst(%arg8 : memref<8x128xi32, #tpu.memory_space<vmem>>)
        tpu.yield
      }) : () -> ()
      "tpu.region"() ({
        %run_scoped3A = tpu.sem_alloc : memref<!tpu.dma_semaphore, #tpu.memory_space<semaphore_mem>>
        %dma_start3A_241 = arith.constant 0 : i32
        %dma_start3A_242 = tpu.memref_slice %arg4[%add3A_18, %dma_start3A_241] : memref<2560x128xi32, #tpu.memory_space<hbm>> -> memref<8x128xi32, #tpu.memory_space<hbm>>
        %dma_start3A_243 = arith.constant 0 : i32
        %dma_start3A_244 = tpu.memref_slice %arg4[%add3A_18, %dma_start3A_243] : memref<2560x128xi32, #tpu.memory_space<hbm>> -> memref<8x128xi32, #tpu.memory_space<hbm>>
        tpu.enqueue_dma source(%dma_start3A_244 : memref<8x128xi32, #tpu.memory_space<hbm>>) target(%arg9 : memref<8x128xi32, #tpu.memory_space<vmem>>) target_semaphore(%run_scoped3A : memref<!tpu.dma_semaphore, #tpu.memory_space<semaphore_mem>>)
        %dma_wait3A_245 = arith.constant 0 : i32
        %dma_wait3A_246 = tpu.memref_slice %arg4[%add3A_18, %dma_wait3A_245] : memref<2560x128xi32, #tpu.memory_space<hbm>> -> memref<8x128xi32, #tpu.memory_space<hbm>>
        %dma_wait3A_247 = arith.constant 0 : i32
        %dma_wait3A_248 = tpu.memref_slice %arg4[%add3A_18, %dma_wait3A_247] : memref<2560x128xi32, #tpu.memory_space<hbm>> -> memref<8x128xi32, #tpu.memory_space<hbm>>
        tpu.wait_dma2 semaphore(%run_scoped3A : memref<!tpu.dma_semaphore, #tpu.memory_space<semaphore_mem>>) src(%dma_wait3A_248 : memref<8x128xi32, #tpu.memory_space<hbm>>) dst(%arg9 : memref<8x128xi32, #tpu.memory_space<vmem>>)
        tpu.yield
      }) : () -> ()
      %dma_start3A = arith.constant 0 : i32
      %dma_start3A_19 = arith.constant 0 : i32
      %dma_start3A_20 = tpu.memref_slice %arg8[%dma_start3A, %dma_start3A_19] : memref<8x128xi32, #tpu.memory_space<vmem>> -> memref<1x128xi32, #tpu.memory_space<vmem>>
      %dma_start3A_21 = tpu.memref_squeeze %dma_start3A_20 : memref<1x128xi32, #tpu.memory_space<vmem>> -> memref<128xi32, #tpu.memory_space<vmem>>
      %dma_start3A_22 = arith.constant 0 : i32
      %dma_start3A_23 = arith.constant 0 : i32
      %dma_start3A_24 = tpu.memref_slice %arg2[%dma_start3A_22, %dma_start3A_23] : memref<10240x128xf32, #tpu.memory_space<hbm>> -> memref<10240x128xf32, #tpu.memory_space<hbm>>
      tpu.enqueue_indirect_dma source(%dma_start3A_24 : memref<10240x128xf32, #tpu.memory_space<hbm>>) target(%arg10 : memref<128x128xf32, #tpu.memory_space<vmem>>) offsets(%dma_start3A_21 : memref<128xi32, #tpu.memory_space<vmem>>) semaphore(%arg12 : memref<!tpu.dma_semaphore, #tpu.memory_space<semaphore_mem>>)
      %dma_start3A_25 = arith.constant 1 : i32
      %dma_start3A_26 = arith.constant 0 : i32
      %dma_start3A_27 = tpu.memref_slice %arg8[%dma_start3A_25, %dma_start3A_26] : memref<8x128xi32, #tpu.memory_space<vmem>> -> memref<1x128xi32, #tpu.memory_space<vmem>>
      %dma_start3A_28 = tpu.memref_squeeze %dma_start3A_27 : memref<1x128xi32, #tpu.memory_space<vmem>> -> memref<128xi32, #tpu.memory_space<vmem>>
      %dma_start3A_29 = arith.constant 0 : i32
      %dma_start3A_30 = arith.constant 0 : i32
      %dma_start3A_31 = tpu.memref_slice %arg2[%dma_start3A_29, %dma_start3A_30] : memref<10240x128xf32, #tpu.memory_space<hbm>> -> memref<10240x128xf32, #tpu.memory_space<hbm>>
      tpu.enqueue_indirect_dma source(%dma_start3A_31 : memref<10240x128xf32, #tpu.memory_space<hbm>>) target(%arg11 : memref<128x128xf32, #tpu.memory_space<vmem>>) offsets(%dma_start3A_28 : memref<128xi32, #tpu.memory_space<vmem>>) semaphore(%arg13 : memref<!tpu.dma_semaphore, #tpu.memory_space<semaphore_mem>>)
      %dma_wait3A = arith.constant 0 : i32
      %dma_wait3A_32 = arith.constant 0 : i32
      %dma_wait3A_33 = tpu.memref_slice %arg8[%dma_wait3A, %dma_wait3A_32] : memref<8x128xi32, #tpu.memory_space<vmem>> -> memref<1x128xi32, #tpu.memory_space<vmem>>
      %dma_wait3A_34 = tpu.memref_squeeze %dma_wait3A_33 : memref<1x128xi32, #tpu.memory_space<vmem>> -> memref<128xi32, #tpu.memory_space<vmem>>
      %dma_wait3A_35 = arith.constant 0 : i32
      %dma_wait3A_36 = arith.constant 0 : i32
      %dma_wait3A_37 = tpu.memref_slice %arg2[%dma_wait3A_35, %dma_wait3A_36] : memref<10240x128xf32, #tpu.memory_space<hbm>> -> memref<10240x128xf32, #tpu.memory_space<hbm>>
      tpu.wait_indirect_dma semaphore(%arg12 : memref<!tpu.dma_semaphore, #tpu.memory_space<semaphore_mem>>) src(%dma_wait3A_37 : memref<10240x128xf32, #tpu.memory_space<hbm>>) dst(%arg10 : memref<128x128xf32, #tpu.memory_space<vmem>>)
      %dma_start3A_38 = arith.constant 0 : i32
      %dma_start3A_39 = arith.constant 0 : i32
      %dma_start3A_40 = tpu.memref_slice %arg9[%dma_start3A_38, %dma_start3A_39] : memref<8x128xi32, #tpu.memory_space<vmem>> -> memref<1x128xi32, #tpu.memory_space<vmem>>
      %dma_start3A_41 = tpu.memref_squeeze %dma_start3A_40 : memref<1x128xi32, #tpu.memory_space<vmem>> -> memref<128xi32, #tpu.memory_space<vmem>>
      %dma_start3A_42 = arith.constant 0 : i32
      %dma_start3A_43 = arith.constant 0 : i32
      %dma_start3A_44 = tpu.memref_slice %arg7[%dma_start3A_42, %dma_start3A_43] : memref<10240x128xf32, #tpu.memory_space<vmem_shared>> -> memref<10240x128xf32, #tpu.memory_space<vmem_shared>>
      tpu.enqueue_indirect_dma source(%arg10 : memref<128x128xf32, #tpu.memory_space<vmem>>) target(%dma_start3A_44 : memref<10240x128xf32, #tpu.memory_space<vmem_shared>>) offsets(%dma_start3A_41 : memref<128xi32, #tpu.memory_space<vmem>>) semaphore(%arg14 : memref<!tpu.dma_semaphore, #tpu.memory_space<semaphore_mem>>) {add = true}
      %dma_wait3A_45 = arith.constant 0 : i32
      %dma_wait3A_46 = arith.constant 0 : i32
      %dma_wait3A_47 = tpu.memref_slice %arg9[%dma_wait3A_45, %dma_wait3A_46] : memref<8x128xi32, #tpu.memory_space<vmem>> -> memref<1x128xi32, #tpu.memory_space<vmem>>
      %dma_wait3A_48 = tpu.memref_squeeze %dma_wait3A_47 : memref<1x128xi32, #tpu.memory_space<vmem>> -> memref<128xi32, #tpu.memory_space<vmem>>
      %dma_wait3A_49 = arith.constant 0 : i32
      %dma_wait3A_50 = arith.constant 0 : i32
      %dma_wait3A_51 = tpu.memref_slice %arg7[%dma_wait3A_49, %dma_wait3A_50] : memref<10240x128xf32, #tpu.memory_space<vmem_shared>> -> memref<10240x128xf32, #tpu.memory_space<vmem_shared>>
      tpu.wait_indirect_dma semaphore(%arg14 : memref<!tpu.dma_semaphore, #tpu.memory_space<semaphore_mem>>) src(%arg10 : memref<128x128xf32, #tpu.memory_space<vmem>>) dst(%dma_wait3A_51 : memref<10240x128xf32, #tpu.memory_space<vmem_shared>>)
      %dma_start3A_52 = arith.constant 2 : i32
      %dma_start3A_53 = arith.constant 0 : i32
      %dma_start3A_54 = tpu.memref_slice %arg8[%dma_start3A_52, %dma_start3A_53] : memref<8x128xi32, #tpu.memory_space<vmem>> -> memref<1x128xi32, #tpu.memory_space<vmem>>
      %dma_start3A_55 = tpu.memref_squeeze %dma_start3A_54 : memref<1x128xi32, #tpu.memory_space<vmem>> -> memref<128xi32, #tpu.memory_space<vmem>>
      %dma_start3A_56 = arith.constant 0 : i32
      %dma_start3A_57 = arith.constant 0 : i32
      %dma_start3A_58 = tpu.memref_slice %arg2[%dma_start3A_56, %dma_start3A_57] : memref<10240x128xf32, #tpu.memory_space<hbm>> -> memref<10240x128xf32, #tpu.memory_space<hbm>>
      tpu.enqueue_indirect_dma source(%dma_start3A_58 : memref<10240x128xf32, #tpu.memory_space<hbm>>) target(%arg10 : memref<128x128xf32, #tpu.memory_space<vmem>>) offsets(%dma_start3A_55 : memref<128xi32, #tpu.memory_space<vmem>>) semaphore(%arg12 : memref<!tpu.dma_semaphore, #tpu.memory_space<semaphore_mem>>)
      %dma_wait3A_59 = arith.constant 1 : i32
      %dma_wait3A_60 = arith.constant 0 : i32
      %dma_wait3A_61 = tpu.memref_slice %arg8[%dma_wait3A_59, %dma_wait3A_60] : memref<8x128xi32, #tpu.memory_space<vmem>> -> memref<1x128xi32, #tpu.memory_space<vmem>>
      %dma_wait3A_62 = tpu.memref_squeeze %dma_wait3A_61 : memref<1x128xi32, #tpu.memory_space<vmem>> -> memref<128xi32, #tpu.memory_space<vmem>>
      %dma_wait3A_63 = arith.constant 0 : i32
      %dma_wait3A_64 = arith.constant 0 : i32
      %dma_wait3A_65 = tpu.memref_slice %arg2[%dma_wait3A_63, %dma_wait3A_64] : memref<10240x128xf32, #tpu.memory_space<hbm>> -> memref<10240x128xf32, #tpu.memory_space<hbm>>
      tpu.wait_indirect_dma semaphore(%arg13 : memref<!tpu.dma_semaphore, #tpu.memory_space<semaphore_mem>>) src(%dma_wait3A_65 : memref<10240x128xf32, #tpu.memory_space<hbm>>) dst(%arg11 : memref<128x128xf32, #tpu.memory_space<vmem>>)
      %dma_start3A_66 = arith.constant 1 : i32
      %dma_start3A_67 = arith.constant 0 : i32
      %dma_start3A_68 = tpu.memref_slice %arg9[%dma_start3A_66, %dma_start3A_67] : memref<8x128xi32, #tpu.memory_space<vmem>> -> memref<1x128xi32, #tpu.memory_space<vmem>>
      %dma_start3A_69 = tpu.memref_squeeze %dma_start3A_68 : memref<1x128xi32, #tpu.memory_space<vmem>> -> memref<128xi32, #tpu.memory_space<vmem>>
      %dma_start3A_70 = arith.constant 0 : i32
      %dma_start3A_71 = arith.constant 0 : i32
      %dma_start3A_72 = tpu.memref_slice %arg7[%dma_start3A_70, %dma_start3A_71] : memref<10240x128xf32, #tpu.memory_space<vmem_shared>> -> memref<10240x128xf32, #tpu.memory_space<vmem_shared>>
      tpu.enqueue_indirect_dma source(%arg11 : memref<128x128xf32, #tpu.memory_space<vmem>>) target(%dma_start3A_72 : memref<10240x128xf32, #tpu.memory_space<vmem_shared>>) offsets(%dma_start3A_69 : memref<128xi32, #tpu.memory_space<vmem>>) semaphore(%arg15 : memref<!tpu.dma_semaphore, #tpu.memory_space<semaphore_mem>>) {add = true}
      %dma_wait3A_73 = arith.constant 1 : i32
      %dma_wait3A_74 = arith.constant 0 : i32
      %dma_wait3A_75 = tpu.memref_slice %arg9[%dma_wait3A_73, %dma_wait3A_74] : memref<8x128xi32, #tpu.memory_space<vmem>> -> memref<1x128xi32, #tpu.memory_space<vmem>>
      %dma_wait3A_76 = tpu.memref_squeeze %dma_wait3A_75 : memref<1x128xi32, #tpu.memory_space<vmem>> -> memref<128xi32, #tpu.memory_space<vmem>>
      %dma_wait3A_77 = arith.constant 0 : i32
      %dma_wait3A_78 = arith.constant 0 : i32
      %dma_wait3A_79 = tpu.memref_slice %arg7[%dma_wait3A_77, %dma_wait3A_78] : memref<10240x128xf32, #tpu.memory_space<vmem_shared>> -> memref<10240x128xf32, #tpu.memory_space<vmem_shared>>
      tpu.wait_indirect_dma semaphore(%arg15 : memref<!tpu.dma_semaphore, #tpu.memory_space<semaphore_mem>>) src(%arg11 : memref<128x128xf32, #tpu.memory_space<vmem>>) dst(%dma_wait3A_79 : memref<10240x128xf32, #tpu.memory_space<vmem_shared>>)
      %dma_start3A_80 = arith.constant 3 : i32
      %dma_start3A_81 = arith.constant 0 : i32
      %dma_start3A_82 = tpu.memref_slice %arg8[%dma_start3A_80, %dma_start3A_81] : memref<8x128xi32, #tpu.memory_space<vmem>> -> memref<1x128xi32, #tpu.memory_space<vmem>>
      %dma_start3A_83 = tpu.memref_squeeze %dma_start3A_82 : memref<1x128xi32, #tpu.memory_space<vmem>> -> memref<128xi32, #tpu.memory_space<vmem>>
      %dma_start3A_84 = arith.constant 0 : i32
      %dma_start3A_85 = arith.constant 0 : i32
      %dma_start3A_86 = tpu.memref_slice %arg2[%dma_start3A_84, %dma_start3A_85] : memref<10240x128xf32, #tpu.memory_space<hbm>> -> memref<10240x128xf32, #tpu.memory_space<hbm>>
      tpu.enqueue_indirect_dma source(%dma_start3A_86 : memref<10240x128xf32, #tpu.memory_space<hbm>>) target(%arg11 : memref<128x128xf32, #tpu.memory_space<vmem>>) offsets(%dma_start3A_83 : memref<128xi32, #tpu.memory_space<vmem>>) semaphore(%arg13 : memref<!tpu.dma_semaphore, #tpu.memory_space<semaphore_mem>>)
      %dma_wait3A_87 = arith.constant 2 : i32
      %dma_wait3A_88 = arith.constant 0 : i32
      %dma_wait3A_89 = tpu.memref_slice %arg8[%dma_wait3A_87, %dma_wait3A_88] : memref<8x128xi32, #tpu.memory_space<vmem>> -> memref<1x128xi32, #tpu.memory_space<vmem>>
      %dma_wait3A_90 = tpu.memref_squeeze %dma_wait3A_89 : memref<1x128xi32, #tpu.memory_space<vmem>> -> memref<128xi32, #tpu.memory_space<vmem>>
      %dma_wait3A_91 = arith.constant 0 : i32
      %dma_wait3A_92 = arith.constant 0 : i32
      %dma_wait3A_93 = tpu.memref_slice %arg2[%dma_wait3A_91, %dma_wait3A_92] : memref<10240x128xf32, #tpu.memory_space<hbm>> -> memref<10240x128xf32, #tpu.memory_space<hbm>>
      tpu.wait_indirect_dma semaphore(%arg12 : memref<!tpu.dma_semaphore, #tpu.memory_space<semaphore_mem>>) src(%dma_wait3A_93 : memref<10240x128xf32, #tpu.memory_space<hbm>>) dst(%arg10 : memref<128x128xf32, #tpu.memory_space<vmem>>)
      %dma_start3A_94 = arith.constant 2 : i32
      %dma_start3A_95 = arith.constant 0 : i32
      %dma_start3A_96 = tpu.memref_slice %arg9[%dma_start3A_94, %dma_start3A_95] : memref<8x128xi32, #tpu.memory_space<vmem>> -> memref<1x128xi32, #tpu.memory_space<vmem>>
      %dma_start3A_97 = tpu.memref_squeeze %dma_start3A_96 : memref<1x128xi32, #tpu.memory_space<vmem>> -> memref<128xi32, #tpu.memory_space<vmem>>
      %dma_start3A_98 = arith.constant 0 : i32
      %dma_start3A_99 = arith.constant 0 : i32
      %dma_start3A_100 = tpu.memref_slice %arg7[%dma_start3A_98, %dma_start3A_99] : memref<10240x128xf32, #tpu.memory_space<vmem_shared>> -> memref<10240x128xf32, #tpu.memory_space<vmem_shared>>
      tpu.enqueue_indirect_dma source(%arg10 : memref<128x128xf32, #tpu.memory_space<vmem>>) target(%dma_start3A_100 : memref<10240x128xf32, #tpu.memory_space<vmem_shared>>) offsets(%dma_start3A_97 : memref<128xi32, #tpu.memory_space<vmem>>) semaphore(%arg14 : memref<!tpu.dma_semaphore, #tpu.memory_space<semaphore_mem>>) {add = true}
      %dma_wait3A_101 = arith.constant 2 : i32
      %dma_wait3A_102 = arith.constant 0 : i32
      %dma_wait3A_103 = tpu.memref_slice %arg9[%dma_wait3A_101, %dma_wait3A_102] : memref<8x128xi32, #tpu.memory_space<vmem>> -> memref<1x128xi32, #tpu.memory_space<vmem>>
      %dma_wait3A_104 = tpu.memref_squeeze %dma_wait3A_103 : memref<1x128xi32, #tpu.memory_space<vmem>> -> memref<128xi32, #tpu.memory_space<vmem>>
      %dma_wait3A_105 = arith.constant 0 : i32
      %dma_wait3A_106 = arith.constant 0 : i32
      %dma_wait3A_107 = tpu.memref_slice %arg7[%dma_wait3A_105, %dma_wait3A_106] : memref<10240x128xf32, #tpu.memory_space<vmem_shared>> -> memref<10240x128xf32, #tpu.memory_space<vmem_shared>>
      tpu.wait_indirect_dma semaphore(%arg14 : memref<!tpu.dma_semaphore, #tpu.memory_space<semaphore_mem>>) src(%arg10 : memref<128x128xf32, #tpu.memory_space<vmem>>) dst(%dma_wait3A_107 : memref<10240x128xf32, #tpu.memory_space<vmem_shared>>)
      %dma_start3A_108 = arith.constant 4 : i32
      %dma_start3A_109 = arith.constant 0 : i32
      %dma_start3A_110 = tpu.memref_slice %arg8[%dma_start3A_108, %dma_start3A_109] : memref<8x128xi32, #tpu.memory_space<vmem>> -> memref<1x128xi32, #tpu.memory_space<vmem>>
      %dma_start3A_111 = tpu.memref_squeeze %dma_start3A_110 : memref<1x128xi32, #tpu.memory_space<vmem>> -> memref<128xi32, #tpu.memory_space<vmem>>
      %dma_start3A_112 = arith.constant 0 : i32
      %dma_start3A_113 = arith.constant 0 : i32
      %dma_start3A_114 = tpu.memref_slice %arg2[%dma_start3A_112, %dma_start3A_113] : memref<10240x128xf32, #tpu.memory_space<hbm>> -> memref<10240x128xf32, #tpu.memory_space<hbm>>
      tpu.enqueue_indirect_dma source(%dma_start3A_114 : memref<10240x128xf32, #tpu.memory_space<hbm>>) target(%arg10 : memref<128x128xf32, #tpu.memory_space<vmem>>) offsets(%dma_start3A_111 : memref<128xi32, #tpu.memory_space<vmem>>) semaphore(%arg12 : memref<!tpu.dma_semaphore, #tpu.memory_space<semaphore_mem>>)
      %dma_wait3A_115 = arith.constant 3 : i32
      %dma_wait3A_116 = arith.constant 0 : i32
      %dma_wait3A_117 = tpu.memref_slice %arg8[%dma_wait3A_115, %dma_wait3A_116] : memref<8x128xi32, #tpu.memory_space<vmem>> -> memref<1x128xi32, #tpu.memory_space<vmem>>
      %dma_wait3A_118 = tpu.memref_squeeze %dma_wait3A_117 : memref<1x128xi32, #tpu.memory_space<vmem>> -> memref<128xi32, #tpu.memory_space<vmem>>
      %dma_wait3A_119 = arith.constant 0 : i32
      %dma_wait3A_120 = arith.constant 0 : i32
      %dma_wait3A_121 = tpu.memref_slice %arg2[%dma_wait3A_119, %dma_wait3A_120] : memref<10240x128xf32, #tpu.memory_space<hbm>> -> memref<10240x128xf32, #tpu.memory_space<hbm>>
      tpu.wait_indirect_dma semaphore(%arg13 : memref<!tpu.dma_semaphore, #tpu.memory_space<semaphore_mem>>) src(%dma_wait3A_121 : memref<10240x128xf32, #tpu.memory_space<hbm>>) dst(%arg11 : memref<128x128xf32, #tpu.memory_space<vmem>>)
      %dma_start3A_122 = arith.constant 3 : i32
      %dma_start3A_123 = arith.constant 0 : i32
      %dma_start3A_124 = tpu.memref_slice %arg9[%dma_start3A_122, %dma_start3A_123] : memref<8x128xi32, #tpu.memory_space<vmem>> -> memref<1x128xi32, #tpu.memory_space<vmem>>
      %dma_start3A_125 = tpu.memref_squeeze %dma_start3A_124 : memref<1x128xi32, #tpu.memory_space<vmem>> -> memref<128xi32, #tpu.memory_space<vmem>>
      %dma_start3A_126 = arith.constant 0 : i32
      %dma_start3A_127 = arith.constant 0 : i32
      %dma_start3A_128 = tpu.memref_slice %arg7[%dma_start3A_126, %dma_start3A_127] : memref<10240x128xf32, #tpu.memory_space<vmem_shared>> -> memref<10240x128xf32, #tpu.memory_space<vmem_shared>>
      tpu.enqueue_indirect_dma source(%arg11 : memref<128x128xf32, #tpu.memory_space<vmem>>) target(%dma_start3A_128 : memref<10240x128xf32, #tpu.memory_space<vmem_shared>>) offsets(%dma_start3A_125 : memref<128xi32, #tpu.memory_space<vmem>>) semaphore(%arg15 : memref<!tpu.dma_semaphore, #tpu.memory_space<semaphore_mem>>) {add = true}
      %dma_wait3A_129 = arith.constant 3 : i32
      %dma_wait3A_130 = arith.constant 0 : i32
      %dma_wait3A_131 = tpu.memref_slice %arg9[%dma_wait3A_129, %dma_wait3A_130] : memref<8x128xi32, #tpu.memory_space<vmem>> -> memref<1x128xi32, #tpu.memory_space<vmem>>
      %dma_wait3A_132 = tpu.memref_squeeze %dma_wait3A_131 : memref<1x128xi32, #tpu.memory_space<vmem>> -> memref<128xi32, #tpu.memory_space<vmem>>
      %dma_wait3A_133 = arith.constant 0 : i32
      %dma_wait3A_134 = arith.constant 0 : i32
      %dma_wait3A_135 = tpu.memref_slice %arg7[%dma_wait3A_133, %dma_wait3A_134] : memref<10240x128xf32, #tpu.memory_space<vmem_shared>> -> memref<10240x128xf32, #tpu.memory_space<vmem_shared>>
      tpu.wait_indirect_dma semaphore(%arg15 : memref<!tpu.dma_semaphore, #tpu.memory_space<semaphore_mem>>) src(%arg11 : memref<128x128xf32, #tpu.memory_space<vmem>>) dst(%dma_wait3A_135 : memref<10240x128xf32, #tpu.memory_space<vmem_shared>>)
      %dma_start3A_136 = arith.constant 5 : i32
      %dma_start3A_137 = arith.constant 0 : i32
      %dma_start3A_138 = tpu.memref_slice %arg8[%dma_start3A_136, %dma_start3A_137] : memref<8x128xi32, #tpu.memory_space<vmem>> -> memref<1x128xi32, #tpu.memory_space<vmem>>
      %dma_start3A_139 = tpu.memref_squeeze %dma_start3A_138 : memref<1x128xi32, #tpu.memory_space<vmem>> -> memref<128xi32, #tpu.memory_space<vmem>>
      %dma_start3A_140 = arith.constant 0 : i32
      %dma_start3A_141 = arith.constant 0 : i32
      %dma_start3A_142 = tpu.memref_slice %arg2[%dma_start3A_140, %dma_start3A_141] : memref<10240x128xf32, #tpu.memory_space<hbm>> -> memref<10240x128xf32, #tpu.memory_space<hbm>>
      tpu.enqueue_indirect_dma source(%dma_start3A_142 : memref<10240x128xf32, #tpu.memory_space<hbm>>) target(%arg11 : memref<128x128xf32, #tpu.memory_space<vmem>>) offsets(%dma_start3A_139 : memref<128xi32, #tpu.memory_space<vmem>>) semaphore(%arg13 : memref<!tpu.dma_semaphore, #tpu.memory_space<semaphore_mem>>)
      %dma_wait3A_143 = arith.constant 4 : i32
      %dma_wait3A_144 = arith.constant 0 : i32
      %dma_wait3A_145 = tpu.memref_slice %arg8[%dma_wait3A_143, %dma_wait3A_144] : memref<8x128xi32, #tpu.memory_space<vmem>> -> memref<1x128xi32, #tpu.memory_space<vmem>>
      %dma_wait3A_146 = tpu.memref_squeeze %dma_wait3A_145 : memref<1x128xi32, #tpu.memory_space<vmem>> -> memref<128xi32, #tpu.memory_space<vmem>>
      %dma_wait3A_147 = arith.constant 0 : i32
      %dma_wait3A_148 = arith.constant 0 : i32
      %dma_wait3A_149 = tpu.memref_slice %arg2[%dma_wait3A_147, %dma_wait3A_148] : memref<10240x128xf32, #tpu.memory_space<hbm>> -> memref<10240x128xf32, #tpu.memory_space<hbm>>
      tpu.wait_indirect_dma semaphore(%arg12 : memref<!tpu.dma_semaphore, #tpu.memory_space<semaphore_mem>>) src(%dma_wait3A_149 : memref<10240x128xf32, #tpu.memory_space<hbm>>) dst(%arg10 : memref<128x128xf32, #tpu.memory_space<vmem>>)
      %dma_start3A_150 = arith.constant 4 : i32
      %dma_start3A_151 = arith.constant 0 : i32
      %dma_start3A_152 = tpu.memref_slice %arg9[%dma_start3A_150, %dma_start3A_151] : memref<8x128xi32, #tpu.memory_space<vmem>> -> memref<1x128xi32, #tpu.memory_space<vmem>>
      %dma_start3A_153 = tpu.memref_squeeze %dma_start3A_152 : memref<1x128xi32, #tpu.memory_space<vmem>> -> memref<128xi32, #tpu.memory_space<vmem>>
      %dma_start3A_154 = arith.constant 0 : i32
      %dma_start3A_155 = arith.constant 0 : i32
      %dma_start3A_156 = tpu.memref_slice %arg7[%dma_start3A_154, %dma_start3A_155] : memref<10240x128xf32, #tpu.memory_space<vmem_shared>> -> memref<10240x128xf32, #tpu.memory_space<vmem_shared>>
      tpu.enqueue_indirect_dma source(%arg10 : memref<128x128xf32, #tpu.memory_space<vmem>>) target(%dma_start3A_156 : memref<10240x128xf32, #tpu.memory_space<vmem_shared>>) offsets(%dma_start3A_153 : memref<128xi32, #tpu.memory_space<vmem>>) semaphore(%arg14 : memref<!tpu.dma_semaphore, #tpu.memory_space<semaphore_mem>>) {add = true}
      %dma_wait3A_157 = arith.constant 4 : i32
      %dma_wait3A_158 = arith.constant 0 : i32
      %dma_wait3A_159 = tpu.memref_slice %arg9[%dma_wait3A_157, %dma_wait3A_158] : memref<8x128xi32, #tpu.memory_space<vmem>> -> memref<1x128xi32, #tpu.memory_space<vmem>>
      %dma_wait3A_160 = tpu.memref_squeeze %dma_wait3A_159 : memref<1x128xi32, #tpu.memory_space<vmem>> -> memref<128xi32, #tpu.memory_space<vmem>>
      %dma_wait3A_161 = arith.constant 0 : i32
      %dma_wait3A_162 = arith.constant 0 : i32
      %dma_wait3A_163 = tpu.memref_slice %arg7[%dma_wait3A_161, %dma_wait3A_162] : memref<10240x128xf32, #tpu.memory_space<vmem_shared>> -> memref<10240x128xf32, #tpu.memory_space<vmem_shared>>
      tpu.wait_indirect_dma semaphore(%arg14 : memref<!tpu.dma_semaphore, #tpu.memory_space<semaphore_mem>>) src(%arg10 : memref<128x128xf32, #tpu.memory_space<vmem>>) dst(%dma_wait3A_163 : memref<10240x128xf32, #tpu.memory_space<vmem_shared>>)
      %dma_start3A_164 = arith.constant 6 : i32
      %dma_start3A_165 = arith.constant 0 : i32
      %dma_start3A_166 = tpu.memref_slice %arg8[%dma_start3A_164, %dma_start3A_165] : memref<8x128xi32, #tpu.memory_space<vmem>> -> memref<1x128xi32, #tpu.memory_space<vmem>>
      %dma_start3A_167 = tpu.memref_squeeze %dma_start3A_166 : memref<1x128xi32, #tpu.memory_space<vmem>> -> memref<128xi32, #tpu.memory_space<vmem>>
      %dma_start3A_168 = arith.constant 0 : i32
      %dma_start3A_169 = arith.constant 0 : i32
      %dma_start3A_170 = tpu.memref_slice %arg2[%dma_start3A_168, %dma_start3A_169] : memref<10240x128xf32, #tpu.memory_space<hbm>> -> memref<10240x128xf32, #tpu.memory_space<hbm>>
      tpu.enqueue_indirect_dma source(%dma_start3A_170 : memref<10240x128xf32, #tpu.memory_space<hbm>>) target(%arg10 : memref<128x128xf32, #tpu.memory_space<vmem>>) offsets(%dma_start3A_167 : memref<128xi32, #tpu.memory_space<vmem>>) semaphore(%arg12 : memref<!tpu.dma_semaphore, #tpu.memory_space<semaphore_mem>>)
      %dma_wait3A_171 = arith.constant 5 : i32
      %dma_wait3A_172 = arith.constant 0 : i32
      %dma_wait3A_173 = tpu.memref_slice %arg8[%dma_wait3A_171, %dma_wait3A_172] : memref<8x128xi32, #tpu.memory_space<vmem>> -> memref<1x128xi32, #tpu.memory_space<vmem>>
      %dma_wait3A_174 = tpu.memref_squeeze %dma_wait3A_173 : memref<1x128xi32, #tpu.memory_space<vmem>> -> memref<128xi32, #tpu.memory_space<vmem>>
      %dma_wait3A_175 = arith.constant 0 : i32
      %dma_wait3A_176 = arith.constant 0 : i32
      %dma_wait3A_177 = tpu.memref_slice %arg2[%dma_wait3A_175, %dma_wait3A_176] : memref<10240x128xf32, #tpu.memory_space<hbm>> -> memref<10240x128xf32, #tpu.memory_space<hbm>>
      tpu.wait_indirect_dma semaphore(%arg13 : memref<!tpu.dma_semaphore, #tpu.memory_space<semaphore_mem>>) src(%dma_wait3A_177 : memref<10240x128xf32, #tpu.memory_space<hbm>>) dst(%arg11 : memref<128x128xf32, #tpu.memory_space<vmem>>)
      %dma_start3A_178 = arith.constant 5 : i32
      %dma_start3A_179 = arith.constant 0 : i32
      %dma_start3A_180 = tpu.memref_slice %arg9[%dma_start3A_178, %dma_start3A_179] : memref<8x128xi32, #tpu.memory_space<vmem>> -> memref<1x128xi32, #tpu.memory_space<vmem>>
      %dma_start3A_181 = tpu.memref_squeeze %dma_start3A_180 : memref<1x128xi32, #tpu.memory_space<vmem>> -> memref<128xi32, #tpu.memory_space<vmem>>
      %dma_start3A_182 = arith.constant 0 : i32
      %dma_start3A_183 = arith.constant 0 : i32
      %dma_start3A_184 = tpu.memref_slice %arg7[%dma_start3A_182, %dma_start3A_183] : memref<10240x128xf32, #tpu.memory_space<vmem_shared>> -> memref<10240x128xf32, #tpu.memory_space<vmem_shared>>
      tpu.enqueue_indirect_dma source(%arg11 : memref<128x128xf32, #tpu.memory_space<vmem>>) target(%dma_start3A_184 : memref<10240x128xf32, #tpu.memory_space<vmem_shared>>) offsets(%dma_start3A_181 : memref<128xi32, #tpu.memory_space<vmem>>) semaphore(%arg15 : memref<!tpu.dma_semaphore, #tpu.memory_space<semaphore_mem>>) {add = true}
      %dma_wait3A_185 = arith.constant 5 : i32
      %dma_wait3A_186 = arith.constant 0 : i32
      %dma_wait3A_187 = tpu.memref_slice %arg9[%dma_wait3A_185, %dma_wait3A_186] : memref<8x128xi32, #tpu.memory_space<vmem>> -> memref<1x128xi32, #tpu.memory_space<vmem>>
      %dma_wait3A_188 = tpu.memref_squeeze %dma_wait3A_187 : memref<1x128xi32, #tpu.memory_space<vmem>> -> memref<128xi32, #tpu.memory_space<vmem>>
      %dma_wait3A_189 = arith.constant 0 : i32
      %dma_wait3A_190 = arith.constant 0 : i32
      %dma_wait3A_191 = tpu.memref_slice %arg7[%dma_wait3A_189, %dma_wait3A_190] : memref<10240x128xf32, #tpu.memory_space<vmem_shared>> -> memref<10240x128xf32, #tpu.memory_space<vmem_shared>>
      tpu.wait_indirect_dma semaphore(%arg15 : memref<!tpu.dma_semaphore, #tpu.memory_space<semaphore_mem>>) src(%arg11 : memref<128x128xf32, #tpu.memory_space<vmem>>) dst(%dma_wait3A_191 : memref<10240x128xf32, #tpu.memory_space<vmem_shared>>)
      %dma_start3A_192 = arith.constant 7 : i32
      %dma_start3A_193 = arith.constant 0 : i32
      %dma_start3A_194 = tpu.memref_slice %arg8[%dma_start3A_192, %dma_start3A_193] : memref<8x128xi32, #tpu.memory_space<vmem>> -> memref<1x128xi32, #tpu.memory_space<vmem>>
      %dma_start3A_195 = tpu.memref_squeeze %dma_start3A_194 : memref<1x128xi32, #tpu.memory_space<vmem>> -> memref<128xi32, #tpu.memory_space<vmem>>
      %dma_start3A_196 = arith.constant 0 : i32
      %dma_start3A_197 = arith.constant 0 : i32
      %dma_start3A_198 = tpu.memref_slice %arg2[%dma_start3A_196, %dma_start3A_197] : memref<10240x128xf32, #tpu.memory_space<hbm>> -> memref<10240x128xf32, #tpu.memory_space<hbm>>
      tpu.enqueue_indirect_dma source(%dma_start3A_198 : memref<10240x128xf32, #tpu.memory_space<hbm>>) target(%arg11 : memref<128x128xf32, #tpu.memory_space<vmem>>) offsets(%dma_start3A_195 : memref<128xi32, #tpu.memory_space<vmem>>) semaphore(%arg13 : memref<!tpu.dma_semaphore, #tpu.memory_space<semaphore_mem>>)
      %dma_wait3A_199 = arith.constant 6 : i32
      %dma_wait3A_200 = arith.constant 0 : i32
      %dma_wait3A_201 = tpu.memref_slice %arg8[%dma_wait3A_199, %dma_wait3A_200] : memref<8x128xi32, #tpu.memory_space<vmem>> -> memref<1x128xi32, #tpu.memory_space<vmem>>
      %dma_wait3A_202 = tpu.memref_squeeze %dma_wait3A_201 : memref<1x128xi32, #tpu.memory_space<vmem>> -> memref<128xi32, #tpu.memory_space<vmem>>
      %dma_wait3A_203 = arith.constant 0 : i32
      %dma_wait3A_204 = arith.constant 0 : i32
      %dma_wait3A_205 = tpu.memref_slice %arg2[%dma_wait3A_203, %dma_wait3A_204] : memref<10240x128xf32, #tpu.memory_space<hbm>> -> memref<10240x128xf32, #tpu.memory_space<hbm>>
      tpu.wait_indirect_dma semaphore(%arg12 : memref<!tpu.dma_semaphore, #tpu.memory_space<semaphore_mem>>) src(%dma_wait3A_205 : memref<10240x128xf32, #tpu.memory_space<hbm>>) dst(%arg10 : memref<128x128xf32, #tpu.memory_space<vmem>>)
      %dma_start3A_206 = arith.constant 6 : i32
      %dma_start3A_207 = arith.constant 0 : i32
      %dma_start3A_208 = tpu.memref_slice %arg9[%dma_start3A_206, %dma_start3A_207] : memref<8x128xi32, #tpu.memory_space<vmem>> -> memref<1x128xi32, #tpu.memory_space<vmem>>
      %dma_start3A_209 = tpu.memref_squeeze %dma_start3A_208 : memref<1x128xi32, #tpu.memory_space<vmem>> -> memref<128xi32, #tpu.memory_space<vmem>>
      %dma_start3A_210 = arith.constant 0 : i32
      %dma_start3A_211 = arith.constant 0 : i32
      %dma_start3A_212 = tpu.memref_slice %arg7[%dma_start3A_210, %dma_start3A_211] : memref<10240x128xf32, #tpu.memory_space<vmem_shared>> -> memref<10240x128xf32, #tpu.memory_space<vmem_shared>>
      tpu.enqueue_indirect_dma source(%arg10 : memref<128x128xf32, #tpu.memory_space<vmem>>) target(%dma_start3A_212 : memref<10240x128xf32, #tpu.memory_space<vmem_shared>>) offsets(%dma_start3A_209 : memref<128xi32, #tpu.memory_space<vmem>>) semaphore(%arg14 : memref<!tpu.dma_semaphore, #tpu.memory_space<semaphore_mem>>) {add = true}
      %dma_wait3A_213 = arith.constant 7 : i32
      %dma_wait3A_214 = arith.constant 0 : i32
      %dma_wait3A_215 = tpu.memref_slice %arg8[%dma_wait3A_213, %dma_wait3A_214] : memref<8x128xi32, #tpu.memory_space<vmem>> -> memref<1x128xi32, #tpu.memory_space<vmem>>
      %dma_wait3A_216 = tpu.memref_squeeze %dma_wait3A_215 : memref<1x128xi32, #tpu.memory_space<vmem>> -> memref<128xi32, #tpu.memory_space<vmem>>
      %dma_wait3A_217 = arith.constant 0 : i32
      %dma_wait3A_218 = arith.constant 0 : i32
      %dma_wait3A_219 = tpu.memref_slice %arg2[%dma_wait3A_217, %dma_wait3A_218] : memref<10240x128xf32, #tpu.memory_space<hbm>> -> memref<10240x128xf32, #tpu.memory_space<hbm>>
      tpu.wait_indirect_dma semaphore(%arg13 : memref<!tpu.dma_semaphore, #tpu.memory_space<semaphore_mem>>) src(%dma_wait3A_219 : memref<10240x128xf32, #tpu.memory_space<hbm>>) dst(%arg11 : memref<128x128xf32, #tpu.memory_space<vmem>>)
      %dma_start3A_220 = arith.constant 7 : i32
      %dma_start3A_221 = arith.constant 0 : i32
      %dma_start3A_222 = tpu.memref_slice %arg9[%dma_start3A_220, %dma_start3A_221] : memref<8x128xi32, #tpu.memory_space<vmem>> -> memref<1x128xi32, #tpu.memory_space<vmem>>
      %dma_start3A_223 = tpu.memref_squeeze %dma_start3A_222 : memref<1x128xi32, #tpu.memory_space<vmem>> -> memref<128xi32, #tpu.memory_space<vmem>>
      %dma_start3A_224 = arith.constant 0 : i32
      %dma_start3A_225 = arith.constant 0 : i32
      %dma_start3A_226 = tpu.memref_slice %arg7[%dma_start3A_224, %dma_start3A_225] : memref<10240x128xf32, #tpu.memory_space<vmem_shared>> -> memref<10240x128xf32, #tpu.memory_space<vmem_shared>>
      tpu.enqueue_indirect_dma source(%arg11 : memref<128x128xf32, #tpu.memory_space<vmem>>) target(%dma_start3A_226 : memref<10240x128xf32, #tpu.memory_space<vmem_shared>>) offsets(%dma_start3A_223 : memref<128xi32, #tpu.memory_space<vmem>>) semaphore(%arg15 : memref<!tpu.dma_semaphore, #tpu.memory_space<semaphore_mem>>) {add = true}
      %dma_wait3A_227 = arith.constant 6 : i32
      %dma_wait3A_228 = arith.constant 0 : i32
      %dma_wait3A_229 = tpu.memref_slice %arg9[%dma_wait3A_227, %dma_wait3A_228] : memref<8x128xi32, #tpu.memory_space<vmem>> -> memref<1x128xi32, #tpu.memory_space<vmem>>
      %dma_wait3A_230 = tpu.memref_squeeze %dma_wait3A_229 : memref<1x128xi32, #tpu.memory_space<vmem>> -> memref<128xi32, #tpu.memory_space<vmem>>
      %dma_wait3A_231 = arith.constant 0 : i32
      %dma_wait3A_232 = arith.constant 0 : i32
      %dma_wait3A_233 = tpu.memref_slice %arg7[%dma_wait3A_231, %dma_wait3A_232] : memref<10240x128xf32, #tpu.memory_space<vmem_shared>> -> memref<10240x128xf32, #tpu.memory_space<vmem_shared>>
      tpu.wait_indirect_dma semaphore(%arg14 : memref<!tpu.dma_semaphore, #tpu.memory_space<semaphore_mem>>) src(%arg10 : memref<128x128xf32, #tpu.memory_space<vmem>>) dst(%dma_wait3A_233 : memref<10240x128xf32, #tpu.memory_space<vmem_shared>>)
      %dma_wait3A_234 = arith.constant 7 : i32
      %dma_wait3A_235 = arith.constant 0 : i32
      %dma_wait3A_236 = tpu.memref_slice %arg9[%dma_wait3A_234, %dma_wait3A_235] : memref<8x128xi32, #tpu.memory_space<vmem>> -> memref<1x128xi32, #tpu.memory_space<vmem>>
      %dma_wait3A_237 = tpu.memref_squeeze %dma_wait3A_236 : memref<1x128xi32, #tpu.memory_space<vmem>> -> memref<128xi32, #tpu.memory_space<vmem>>
      %dma_wait3A_238 = arith.constant 0 : i32
      %dma_wait3A_239 = arith.constant 0 : i32
      %dma_wait3A_240 = tpu.memref_slice %arg7[%dma_wait3A_238, %dma_wait3A_239] : memref<10240x128xf32, #tpu.memory_space<vmem_shared>> -> memref<10240x128xf32, #tpu.memory_space<vmem_shared>>
      tpu.wait_indirect_dma semaphore(%arg15 : memref<!tpu.dma_semaphore, #tpu.memory_space<semaphore_mem>>) src(%arg11 : memref<128x128xf32, #tpu.memory_space<vmem>>) dst(%dma_wait3A_240 : memref<10240x128xf32, #tpu.memory_space<vmem_shared>>)
    }
    %scan3A_9 = arith.constant 10 : i32
    %barrier3A_10 = arith.constant 0 : index
    tpu.barrier barrier_id(%barrier3A_10)
    %mul3A_11 = arith.constant 640 : i32
    %mul3A_12 = arith.muli %arg1, %mul3A_11 : i32
    "tpu.region"() ({
      %run_scoped3A = tpu.sem_alloc : memref<!tpu.dma_semaphore, #tpu.memory_space<semaphore_mem>>
      %dma_start3A = arith.constant 0 : i32
      %dma_start3A_13 = tpu.memref_slice %arg6[%arg0, %mul3A_12, %dma_start3A] : memref<2x10240x128xf32, #tpu.memory_space<hbm>> -> memref<1x640x128xf32, #tpu.memory_space<hbm>>
      %dma_start3A_14 = tpu.memref_squeeze %dma_start3A_13 : memref<1x640x128xf32, #tpu.memory_space<hbm>> -> memref<640x128xf32, #tpu.memory_space<hbm>>
      %dma_start3A_15 = arith.constant 0 : i32
      %dma_start3A_16 = tpu.memref_slice %arg7[%mul3A_12, %dma_start3A_15] : memref<10240x128xf32, #tpu.memory_space<vmem_shared>> -> memref<640x128xf32, #tpu.memory_space<vmem_shared>>
      tpu.enqueue_dma source(%dma_start3A_16 : memref<640x128xf32, #tpu.memory_space<vmem_shared>>) target(%dma_start3A_14 : memref<640x128xf32, #tpu.memory_space<hbm>>) target_semaphore(%run_scoped3A : memref<!tpu.dma_semaphore, #tpu.memory_space<semaphore_mem>>)
      %dma_wait3A = arith.constant 0 : i32
      %dma_wait3A_17 = tpu.memref_slice %arg6[%arg0, %mul3A_12, %dma_wait3A] : memref<2x10240x128xf32, #tpu.memory_space<hbm>> -> memref<1x640x128xf32, #tpu.memory_space<hbm>>
      %dma_wait3A_18 = tpu.memref_squeeze %dma_wait3A_17 : memref<1x640x128xf32, #tpu.memory_space<hbm>> -> memref<640x128xf32, #tpu.memory_space<hbm>>
      %dma_wait3A_19 = arith.constant 0 : i32
      %dma_wait3A_20 = tpu.memref_slice %arg7[%mul3A_12, %dma_wait3A_19] : memref<10240x128xf32, #tpu.memory_space<vmem_shared>> -> memref<640x128xf32, #tpu.memory_space<vmem_shared>>
      tpu.wait_dma2 semaphore(%run_scoped3A : memref<!tpu.dma_semaphore, #tpu.memory_space<semaphore_mem>>) src(%dma_wait3A_20 : memref<640x128xf32, #tpu.memory_space<vmem_shared>>) dst(%dma_wait3A_18 : memref<640x128xf32, #tpu.memory_space<hbm>>)
      tpu.yield
    }) : () -> ()
    return
  }
}

#map = affine_map<(d0, d1) -> (0, 0)>
#map1 = affine_map<(d0, d1) -> (0, 0, 0)>
module attributes {stable_mosaic.version = 14 : i64} {
  func.func @body(%arg0: i32, %arg1: i32, %arg2: memref<2560x128xi32, #tpu.memory_space<hbm>>, %arg3: memref<128x128xf32, #tpu.memory_space<hbm>>, %arg4: memref<10240x128xf32, #tpu.memory_space<hbm>>, %arg5: memref<2x10240x128xf32, #tpu.memory_space<hbm>>, %arg6: memref<10240x128xf32, #tpu.memory_space<vmem_shared>>, %arg7: memref<8x128xi32, #tpu.memory_space<vmem>>, %arg8: memref<128x128xf32, #tpu.memory_space<vmem>>) attributes {dimension_semantics = [#tpu.dimension_semantics<core_parallel>, #tpu.dimension_semantics<subcore_parallel>], iteration_bounds = array<i64: 2, 16>, scalar_prefetch = 0 : i64, scratch_operands = 3 : i64, tpu.core_type = #tpu.core_type<sc_vector_subcore>, window_params = [{transform_indices = #map}, {transform_indices = #map}, {transform_indices = #map}, {transform_indices = #map1}]} {
    %mul3A = arith.constant 16 : i32
    %mul3A_0 = arith.muli %arg0, %mul3A : i32
    %add3A = arith.addi %mul3A_0, %arg1 : i32
    %mul3A_1 = arith.constant 640 : i32
    %mul3A_2 = arith.muli %arg1, %mul3A_1 : i32
    %mul3A_3 = arith.constant 640 : i32
    %mul3A_4 = arith.muli %arg1, %mul3A_3 : i32
    "tpu.region"() ({
      %run_scoped3A = tpu.sem_alloc : memref<!tpu.dma_semaphore, #tpu.memory_space<semaphore_mem>>
      %dma_start3A = arith.constant 0 : i32
      %dma_start3A_13 = tpu.memref_slice %arg6[%mul3A_4, %dma_start3A] : memref<10240x128xf32, #tpu.memory_space<vmem_shared>> -> memref<640x128xf32, #tpu.memory_space<vmem_shared>>
      %dma_start3A_14 = arith.constant 0 : i32
      %dma_start3A_15 = tpu.memref_slice %arg4[%mul3A_2, %dma_start3A_14] : memref<10240x128xf32, #tpu.memory_space<hbm>> -> memref<640x128xf32, #tpu.memory_space<hbm>>
      tpu.enqueue_dma source(%dma_start3A_15 : memref<640x128xf32, #tpu.memory_space<hbm>>) target(%dma_start3A_13 : memref<640x128xf32, #tpu.memory_space<vmem_shared>>) target_semaphore(%run_scoped3A : memref<!tpu.dma_semaphore, #tpu.memory_space<semaphore_mem>>)
      %dma_wait3A = arith.constant 0 : i32
      %dma_wait3A_16 = tpu.memref_slice %arg6[%mul3A_4, %dma_wait3A] : memref<10240x128xf32, #tpu.memory_space<vmem_shared>> -> memref<640x128xf32, #tpu.memory_space<vmem_shared>>
      %dma_wait3A_17 = arith.constant 0 : i32
      %dma_wait3A_18 = tpu.memref_slice %arg4[%mul3A_2, %dma_wait3A_17] : memref<10240x128xf32, #tpu.memory_space<hbm>> -> memref<640x128xf32, #tpu.memory_space<hbm>>
      tpu.wait_dma2 semaphore(%run_scoped3A : memref<!tpu.dma_semaphore, #tpu.memory_space<semaphore_mem>>) src(%dma_wait3A_18 : memref<640x128xf32, #tpu.memory_space<hbm>>) dst(%dma_wait3A_16 : memref<640x128xf32, #tpu.memory_space<vmem_shared>>)
      tpu.yield
    }) : () -> ()
    "tpu.region"() ({
      %run_scoped3A = tpu.sem_alloc : memref<!tpu.dma_semaphore, #tpu.memory_space<semaphore_mem>>
      tpu.enqueue_dma source(%arg3 : memref<128x128xf32, #tpu.memory_space<hbm>>) target(%arg8 : memref<128x128xf32, #tpu.memory_space<vmem>>) target_semaphore(%run_scoped3A : memref<!tpu.dma_semaphore, #tpu.memory_space<semaphore_mem>>)
      tpu.wait_dma2 semaphore(%run_scoped3A : memref<!tpu.dma_semaphore, #tpu.memory_space<semaphore_mem>>) src(%arg3 : memref<128x128xf32, #tpu.memory_space<hbm>>) dst(%arg8 : memref<128x128xf32, #tpu.memory_space<vmem>>)
      tpu.yield
    }) : () -> ()
    %barrier3A = arith.constant 0 : index
    tpu.barrier barrier_id(%barrier3A)
    %scan3A = arith.constant 0 : i32
    %scan3A_5 = arith.constant 0 : i32
    %scan3A_6 = arith.constant 10 : i32
    %scan3A_7 = arith.addi %scan3A_5, %scan3A_6 : i32
    %scan3A_8 = arith.constant 1 : i32
    scf.for %scan3A_13 = %scan3A_5 to %scan3A_7 step %scan3A_8  : i32 {
      %mul3A_14 = arith.constant 80 : i32
      %mul3A_15 = arith.muli %add3A, %mul3A_14 : i32
      %mul3A_16 = arith.constant 8 : i32
      %mul3A_17 = arith.muli %scan3A_13, %mul3A_16 : i32
      %add3A_18 = arith.addi %mul3A_15, %mul3A_17 : i32
      "tpu.region"() ({
        %run_scoped3A_26 = tpu.sem_alloc : memref<!tpu.dma_semaphore, #tpu.memory_space<semaphore_mem>>
        %dma_start3A = arith.constant 0 : i32
        %dma_start3A_27 = tpu.memref_slice %arg2[%add3A_18, %dma_start3A] : memref<2560x128xi32, #tpu.memory_space<hbm>> -> memref<8x128xi32, #tpu.memory_space<hbm>>
        %dma_start3A_28 = arith.constant 0 : i32
        %dma_start3A_29 = tpu.memref_slice %arg2[%add3A_18, %dma_start3A_28] : memref<2560x128xi32, #tpu.memory_space<hbm>> -> memref<8x128xi32, #tpu.memory_space<hbm>>
        tpu.enqueue_dma source(%dma_start3A_29 : memref<8x128xi32, #tpu.memory_space<hbm>>) target(%arg7 : memref<8x128xi32, #tpu.memory_space<vmem>>) target_semaphore(%run_scoped3A_26 : memref<!tpu.dma_semaphore, #tpu.memory_space<semaphore_mem>>)
        %dma_wait3A = arith.constant 0 : i32
        %dma_wait3A_30 = tpu.memref_slice %arg2[%add3A_18, %dma_wait3A] : memref<2560x128xi32, #tpu.memory_space<hbm>> -> memref<8x128xi32, #tpu.memory_space<hbm>>
        %dma_wait3A_31 = arith.constant 0 : i32
        %dma_wait3A_32 = tpu.memref_slice %arg2[%add3A_18, %dma_wait3A_31] : memref<2560x128xi32, #tpu.memory_space<hbm>> -> memref<8x128xi32, #tpu.memory_space<hbm>>
        tpu.wait_dma2 semaphore(%run_scoped3A_26 : memref<!tpu.dma_semaphore, #tpu.memory_space<semaphore_mem>>) src(%dma_wait3A_32 : memref<8x128xi32, #tpu.memory_space<hbm>>) dst(%arg7 : memref<8x128xi32, #tpu.memory_space<vmem>>)
        tpu.yield
      }) : () -> ()
      %run_scoped3A = arith.constant 0 : i32
      "tpu.region"() ({
        %run_scoped3A_26 = tpu.sem_alloc : memref<!tpu.dma_semaphore, #tpu.memory_space<semaphore_mem>>
        %dma_start3A = arith.constant 0 : i32
        %dma_start3A_27 = tpu.memref_slice %arg7[%run_scoped3A, %dma_start3A] : memref<8x128xi32, #tpu.memory_space<vmem>> -> memref<1x128xi32, #tpu.memory_space<vmem>>
        %dma_start3A_28 = tpu.memref_squeeze %dma_start3A_27 : memref<1x128xi32, #tpu.memory_space<vmem>> -> memref<128xi32, #tpu.memory_space<vmem>>
        %dma_start3A_29 = arith.constant 0 : i32
        %dma_start3A_30 = arith.constant 0 : i32
        %dma_start3A_31 = tpu.memref_slice %arg6[%dma_start3A_29, %dma_start3A_30] : memref<10240x128xf32, #tpu.memory_space<vmem_shared>> -> memref<10240x128xf32, #tpu.memory_space<vmem_shared>>
        tpu.enqueue_indirect_dma source(%arg8 : memref<128x128xf32, #tpu.memory_space<vmem>>) target(%dma_start3A_31 : memref<10240x128xf32, #tpu.memory_space<vmem_shared>>) offsets(%dma_start3A_28 : memref<128xi32, #tpu.memory_space<vmem>>) semaphore(%run_scoped3A_26 : memref<!tpu.dma_semaphore, #tpu.memory_space<semaphore_mem>>) {add = true}
        %dma_wait3A = arith.constant 0 : i32
        %dma_wait3A_32 = tpu.memref_slice %arg7[%run_scoped3A, %dma_wait3A] : memref<8x128xi32, #tpu.memory_space<vmem>> -> memref<1x128xi32, #tpu.memory_space<vmem>>
        %dma_wait3A_33 = tpu.memref_squeeze %dma_wait3A_32 : memref<1x128xi32, #tpu.memory_space<vmem>> -> memref<128xi32, #tpu.memory_space<vmem>>
        %dma_wait3A_34 = arith.constant 0 : i32
        %dma_wait3A_35 = arith.constant 0 : i32
        %dma_wait3A_36 = tpu.memref_slice %arg6[%dma_wait3A_34, %dma_wait3A_35] : memref<10240x128xf32, #tpu.memory_space<vmem_shared>> -> memref<10240x128xf32, #tpu.memory_space<vmem_shared>>
        tpu.wait_indirect_dma semaphore(%run_scoped3A_26 : memref<!tpu.dma_semaphore, #tpu.memory_space<semaphore_mem>>) src(%arg8 : memref<128x128xf32, #tpu.memory_space<vmem>>) dst(%dma_wait3A_36 : memref<10240x128xf32, #tpu.memory_space<vmem_shared>>)
        tpu.yield
      }) : () -> ()
      %run_scoped3A_19 = arith.constant 1 : i32
      "tpu.region"() ({
        %run_scoped3A_26 = tpu.sem_alloc : memref<!tpu.dma_semaphore, #tpu.memory_space<semaphore_mem>>
        %dma_start3A = arith.constant 0 : i32
        %dma_start3A_27 = tpu.memref_slice %arg7[%run_scoped3A_19, %dma_start3A] : memref<8x128xi32, #tpu.memory_space<vmem>> -> memref<1x128xi32, #tpu.memory_space<vmem>>
        %dma_start3A_28 = tpu.memref_squeeze %dma_start3A_27 : memref<1x128xi32, #tpu.memory_space<vmem>> -> memref<128xi32, #tpu.memory_space<vmem>>
        %dma_start3A_29 = arith.constant 0 : i32
        %dma_start3A_30 = arith.constant 0 : i32
        %dma_start3A_31 = tpu.memref_slice %arg6[%dma_start3A_29, %dma_start3A_30] : memref<10240x128xf32, #tpu.memory_space<vmem_shared>> -> memref<10240x128xf32, #tpu.memory_space<vmem_shared>>
        tpu.enqueue_indirect_dma source(%arg8 : memref<128x128xf32, #tpu.memory_space<vmem>>) target(%dma_start3A_31 : memref<10240x128xf32, #tpu.memory_space<vmem_shared>>) offsets(%dma_start3A_28 : memref<128xi32, #tpu.memory_space<vmem>>) semaphore(%run_scoped3A_26 : memref<!tpu.dma_semaphore, #tpu.memory_space<semaphore_mem>>) {add = true}
        %dma_wait3A = arith.constant 0 : i32
        %dma_wait3A_32 = tpu.memref_slice %arg7[%run_scoped3A_19, %dma_wait3A] : memref<8x128xi32, #tpu.memory_space<vmem>> -> memref<1x128xi32, #tpu.memory_space<vmem>>
        %dma_wait3A_33 = tpu.memref_squeeze %dma_wait3A_32 : memref<1x128xi32, #tpu.memory_space<vmem>> -> memref<128xi32, #tpu.memory_space<vmem>>
        %dma_wait3A_34 = arith.constant 0 : i32
        %dma_wait3A_35 = arith.constant 0 : i32
        %dma_wait3A_36 = tpu.memref_slice %arg6[%dma_wait3A_34, %dma_wait3A_35] : memref<10240x128xf32, #tpu.memory_space<vmem_shared>> -> memref<10240x128xf32, #tpu.memory_space<vmem_shared>>
        tpu.wait_indirect_dma semaphore(%run_scoped3A_26 : memref<!tpu.dma_semaphore, #tpu.memory_space<semaphore_mem>>) src(%arg8 : memref<128x128xf32, #tpu.memory_space<vmem>>) dst(%dma_wait3A_36 : memref<10240x128xf32, #tpu.memory_space<vmem_shared>>)
        tpu.yield
      }) : () -> ()
      %run_scoped3A_20 = arith.constant 2 : i32
      "tpu.region"() ({
        %run_scoped3A_26 = tpu.sem_alloc : memref<!tpu.dma_semaphore, #tpu.memory_space<semaphore_mem>>
        %dma_start3A = arith.constant 0 : i32
        %dma_start3A_27 = tpu.memref_slice %arg7[%run_scoped3A_20, %dma_start3A] : memref<8x128xi32, #tpu.memory_space<vmem>> -> memref<1x128xi32, #tpu.memory_space<vmem>>
        %dma_start3A_28 = tpu.memref_squeeze %dma_start3A_27 : memref<1x128xi32, #tpu.memory_space<vmem>> -> memref<128xi32, #tpu.memory_space<vmem>>
        %dma_start3A_29 = arith.constant 0 : i32
        %dma_start3A_30 = arith.constant 0 : i32
        %dma_start3A_31 = tpu.memref_slice %arg6[%dma_start3A_29, %dma_start3A_30] : memref<10240x128xf32, #tpu.memory_space<vmem_shared>> -> memref<10240x128xf32, #tpu.memory_space<vmem_shared>>
        tpu.enqueue_indirect_dma source(%arg8 : memref<128x128xf32, #tpu.memory_space<vmem>>) target(%dma_start3A_31 : memref<10240x128xf32, #tpu.memory_space<vmem_shared>>) offsets(%dma_start3A_28 : memref<128xi32, #tpu.memory_space<vmem>>) semaphore(%run_scoped3A_26 : memref<!tpu.dma_semaphore, #tpu.memory_space<semaphore_mem>>) {add = true}
        %dma_wait3A = arith.constant 0 : i32
        %dma_wait3A_32 = tpu.memref_slice %arg7[%run_scoped3A_20, %dma_wait3A] : memref<8x128xi32, #tpu.memory_space<vmem>> -> memref<1x128xi32, #tpu.memory_space<vmem>>
        %dma_wait3A_33 = tpu.memref_squeeze %dma_wait3A_32 : memref<1x128xi32, #tpu.memory_space<vmem>> -> memref<128xi32, #tpu.memory_space<vmem>>
        %dma_wait3A_34 = arith.constant 0 : i32
        %dma_wait3A_35 = arith.constant 0 : i32
        %dma_wait3A_36 = tpu.memref_slice %arg6[%dma_wait3A_34, %dma_wait3A_35] : memref<10240x128xf32, #tpu.memory_space<vmem_shared>> -> memref<10240x128xf32, #tpu.memory_space<vmem_shared>>
        tpu.wait_indirect_dma semaphore(%run_scoped3A_26 : memref<!tpu.dma_semaphore, #tpu.memory_space<semaphore_mem>>) src(%arg8 : memref<128x128xf32, #tpu.memory_space<vmem>>) dst(%dma_wait3A_36 : memref<10240x128xf32, #tpu.memory_space<vmem_shared>>)
        tpu.yield
      }) : () -> ()
      %run_scoped3A_21 = arith.constant 3 : i32
      "tpu.region"() ({
        %run_scoped3A_26 = tpu.sem_alloc : memref<!tpu.dma_semaphore, #tpu.memory_space<semaphore_mem>>
        %dma_start3A = arith.constant 0 : i32
        %dma_start3A_27 = tpu.memref_slice %arg7[%run_scoped3A_21, %dma_start3A] : memref<8x128xi32, #tpu.memory_space<vmem>> -> memref<1x128xi32, #tpu.memory_space<vmem>>
        %dma_start3A_28 = tpu.memref_squeeze %dma_start3A_27 : memref<1x128xi32, #tpu.memory_space<vmem>> -> memref<128xi32, #tpu.memory_space<vmem>>
        %dma_start3A_29 = arith.constant 0 : i32
        %dma_start3A_30 = arith.constant 0 : i32
        %dma_start3A_31 = tpu.memref_slice %arg6[%dma_start3A_29, %dma_start3A_30] : memref<10240x128xf32, #tpu.memory_space<vmem_shared>> -> memref<10240x128xf32, #tpu.memory_space<vmem_shared>>
        tpu.enqueue_indirect_dma source(%arg8 : memref<128x128xf32, #tpu.memory_space<vmem>>) target(%dma_start3A_31 : memref<10240x128xf32, #tpu.memory_space<vmem_shared>>) offsets(%dma_start3A_28 : memref<128xi32, #tpu.memory_space<vmem>>) semaphore(%run_scoped3A_26 : memref<!tpu.dma_semaphore, #tpu.memory_space<semaphore_mem>>) {add = true}
        %dma_wait3A = arith.constant 0 : i32
        %dma_wait3A_32 = tpu.memref_slice %arg7[%run_scoped3A_21, %dma_wait3A] : memref<8x128xi32, #tpu.memory_space<vmem>> -> memref<1x128xi32, #tpu.memory_space<vmem>>
        %dma_wait3A_33 = tpu.memref_squeeze %dma_wait3A_32 : memref<1x128xi32, #tpu.memory_space<vmem>> -> memref<128xi32, #tpu.memory_space<vmem>>
        %dma_wait3A_34 = arith.constant 0 : i32
        %dma_wait3A_35 = arith.constant 0 : i32
        %dma_wait3A_36 = tpu.memref_slice %arg6[%dma_wait3A_34, %dma_wait3A_35] : memref<10240x128xf32, #tpu.memory_space<vmem_shared>> -> memref<10240x128xf32, #tpu.memory_space<vmem_shared>>
        tpu.wait_indirect_dma semaphore(%run_scoped3A_26 : memref<!tpu.dma_semaphore, #tpu.memory_space<semaphore_mem>>) src(%arg8 : memref<128x128xf32, #tpu.memory_space<vmem>>) dst(%dma_wait3A_36 : memref<10240x128xf32, #tpu.memory_space<vmem_shared>>)
        tpu.yield
      }) : () -> ()
      %run_scoped3A_22 = arith.constant 4 : i32
      "tpu.region"() ({
        %run_scoped3A_26 = tpu.sem_alloc : memref<!tpu.dma_semaphore, #tpu.memory_space<semaphore_mem>>
        %dma_start3A = arith.constant 0 : i32
        %dma_start3A_27 = tpu.memref_slice %arg7[%run_scoped3A_22, %dma_start3A] : memref<8x128xi32, #tpu.memory_space<vmem>> -> memref<1x128xi32, #tpu.memory_space<vmem>>
        %dma_start3A_28 = tpu.memref_squeeze %dma_start3A_27 : memref<1x128xi32, #tpu.memory_space<vmem>> -> memref<128xi32, #tpu.memory_space<vmem>>
        %dma_start3A_29 = arith.constant 0 : i32
        %dma_start3A_30 = arith.constant 0 : i32
        %dma_start3A_31 = tpu.memref_slice %arg6[%dma_start3A_29, %dma_start3A_30] : memref<10240x128xf32, #tpu.memory_space<vmem_shared>> -> memref<10240x128xf32, #tpu.memory_space<vmem_shared>>
        tpu.enqueue_indirect_dma source(%arg8 : memref<128x128xf32, #tpu.memory_space<vmem>>) target(%dma_start3A_31 : memref<10240x128xf32, #tpu.memory_space<vmem_shared>>) offsets(%dma_start3A_28 : memref<128xi32, #tpu.memory_space<vmem>>) semaphore(%run_scoped3A_26 : memref<!tpu.dma_semaphore, #tpu.memory_space<semaphore_mem>>) {add = true}
        %dma_wait3A = arith.constant 0 : i32
        %dma_wait3A_32 = tpu.memref_slice %arg7[%run_scoped3A_22, %dma_wait3A] : memref<8x128xi32, #tpu.memory_space<vmem>> -> memref<1x128xi32, #tpu.memory_space<vmem>>
        %dma_wait3A_33 = tpu.memref_squeeze %dma_wait3A_32 : memref<1x128xi32, #tpu.memory_space<vmem>> -> memref<128xi32, #tpu.memory_space<vmem>>
        %dma_wait3A_34 = arith.constant 0 : i32
        %dma_wait3A_35 = arith.constant 0 : i32
        %dma_wait3A_36 = tpu.memref_slice %arg6[%dma_wait3A_34, %dma_wait3A_35] : memref<10240x128xf32, #tpu.memory_space<vmem_shared>> -> memref<10240x128xf32, #tpu.memory_space<vmem_shared>>
        tpu.wait_indirect_dma semaphore(%run_scoped3A_26 : memref<!tpu.dma_semaphore, #tpu.memory_space<semaphore_mem>>) src(%arg8 : memref<128x128xf32, #tpu.memory_space<vmem>>) dst(%dma_wait3A_36 : memref<10240x128xf32, #tpu.memory_space<vmem_shared>>)
        tpu.yield
      }) : () -> ()
      %run_scoped3A_23 = arith.constant 5 : i32
      "tpu.region"() ({
        %run_scoped3A_26 = tpu.sem_alloc : memref<!tpu.dma_semaphore, #tpu.memory_space<semaphore_mem>>
        %dma_start3A = arith.constant 0 : i32
        %dma_start3A_27 = tpu.memref_slice %arg7[%run_scoped3A_23, %dma_start3A] : memref<8x128xi32, #tpu.memory_space<vmem>> -> memref<1x128xi32, #tpu.memory_space<vmem>>
        %dma_start3A_28 = tpu.memref_squeeze %dma_start3A_27 : memref<1x128xi32, #tpu.memory_space<vmem>> -> memref<128xi32, #tpu.memory_space<vmem>>
        %dma_start3A_29 = arith.constant 0 : i32
        %dma_start3A_30 = arith.constant 0 : i32
        %dma_start3A_31 = tpu.memref_slice %arg6[%dma_start3A_29, %dma_start3A_30] : memref<10240x128xf32, #tpu.memory_space<vmem_shared>> -> memref<10240x128xf32, #tpu.memory_space<vmem_shared>>
        tpu.enqueue_indirect_dma source(%arg8 : memref<128x128xf32, #tpu.memory_space<vmem>>) target(%dma_start3A_31 : memref<10240x128xf32, #tpu.memory_space<vmem_shared>>) offsets(%dma_start3A_28 : memref<128xi32, #tpu.memory_space<vmem>>) semaphore(%run_scoped3A_26 : memref<!tpu.dma_semaphore, #tpu.memory_space<semaphore_mem>>) {add = true}
        %dma_wait3A = arith.constant 0 : i32
        %dma_wait3A_32 = tpu.memref_slice %arg7[%run_scoped3A_23, %dma_wait3A] : memref<8x128xi32, #tpu.memory_space<vmem>> -> memref<1x128xi32, #tpu.memory_space<vmem>>
        %dma_wait3A_33 = tpu.memref_squeeze %dma_wait3A_32 : memref<1x128xi32, #tpu.memory_space<vmem>> -> memref<128xi32, #tpu.memory_space<vmem>>
        %dma_wait3A_34 = arith.constant 0 : i32
        %dma_wait3A_35 = arith.constant 0 : i32
        %dma_wait3A_36 = tpu.memref_slice %arg6[%dma_wait3A_34, %dma_wait3A_35] : memref<10240x128xf32, #tpu.memory_space<vmem_shared>> -> memref<10240x128xf32, #tpu.memory_space<vmem_shared>>
        tpu.wait_indirect_dma semaphore(%run_scoped3A_26 : memref<!tpu.dma_semaphore, #tpu.memory_space<semaphore_mem>>) src(%arg8 : memref<128x128xf32, #tpu.memory_space<vmem>>) dst(%dma_wait3A_36 : memref<10240x128xf32, #tpu.memory_space<vmem_shared>>)
        tpu.yield
      }) : () -> ()
      %run_scoped3A_24 = arith.constant 6 : i32
      "tpu.region"() ({
        %run_scoped3A_26 = tpu.sem_alloc : memref<!tpu.dma_semaphore, #tpu.memory_space<semaphore_mem>>
        %dma_start3A = arith.constant 0 : i32
        %dma_start3A_27 = tpu.memref_slice %arg7[%run_scoped3A_24, %dma_start3A] : memref<8x128xi32, #tpu.memory_space<vmem>> -> memref<1x128xi32, #tpu.memory_space<vmem>>
        %dma_start3A_28 = tpu.memref_squeeze %dma_start3A_27 : memref<1x128xi32, #tpu.memory_space<vmem>> -> memref<128xi32, #tpu.memory_space<vmem>>
        %dma_start3A_29 = arith.constant 0 : i32
        %dma_start3A_30 = arith.constant 0 : i32
        %dma_start3A_31 = tpu.memref_slice %arg6[%dma_start3A_29, %dma_start3A_30] : memref<10240x128xf32, #tpu.memory_space<vmem_shared>> -> memref<10240x128xf32, #tpu.memory_space<vmem_shared>>
        tpu.enqueue_indirect_dma source(%arg8 : memref<128x128xf32, #tpu.memory_space<vmem>>) target(%dma_start3A_31 : memref<10240x128xf32, #tpu.memory_space<vmem_shared>>) offsets(%dma_start3A_28 : memref<128xi32, #tpu.memory_space<vmem>>) semaphore(%run_scoped3A_26 : memref<!tpu.dma_semaphore, #tpu.memory_space<semaphore_mem>>) {add = true}
        %dma_wait3A = arith.constant 0 : i32
        %dma_wait3A_32 = tpu.memref_slice %arg7[%run_scoped3A_24, %dma_wait3A] : memref<8x128xi32, #tpu.memory_space<vmem>> -> memref<1x128xi32, #tpu.memory_space<vmem>>
        %dma_wait3A_33 = tpu.memref_squeeze %dma_wait3A_32 : memref<1x128xi32, #tpu.memory_space<vmem>> -> memref<128xi32, #tpu.memory_space<vmem>>
        %dma_wait3A_34 = arith.constant 0 : i32
        %dma_wait3A_35 = arith.constant 0 : i32
        %dma_wait3A_36 = tpu.memref_slice %arg6[%dma_wait3A_34, %dma_wait3A_35] : memref<10240x128xf32, #tpu.memory_space<vmem_shared>> -> memref<10240x128xf32, #tpu.memory_space<vmem_shared>>
        tpu.wait_indirect_dma semaphore(%run_scoped3A_26 : memref<!tpu.dma_semaphore, #tpu.memory_space<semaphore_mem>>) src(%arg8 : memref<128x128xf32, #tpu.memory_space<vmem>>) dst(%dma_wait3A_36 : memref<10240x128xf32, #tpu.memory_space<vmem_shared>>)
        tpu.yield
      }) : () -> ()
      %run_scoped3A_25 = arith.constant 7 : i32
      "tpu.region"() ({
        %run_scoped3A_26 = tpu.sem_alloc : memref<!tpu.dma_semaphore, #tpu.memory_space<semaphore_mem>>
        %dma_start3A = arith.constant 0 : i32
        %dma_start3A_27 = tpu.memref_slice %arg7[%run_scoped3A_25, %dma_start3A] : memref<8x128xi32, #tpu.memory_space<vmem>> -> memref<1x128xi32, #tpu.memory_space<vmem>>
        %dma_start3A_28 = tpu.memref_squeeze %dma_start3A_27 : memref<1x128xi32, #tpu.memory_space<vmem>> -> memref<128xi32, #tpu.memory_space<vmem>>
        %dma_start3A_29 = arith.constant 0 : i32
        %dma_start3A_30 = arith.constant 0 : i32
        %dma_start3A_31 = tpu.memref_slice %arg6[%dma_start3A_29, %dma_start3A_30] : memref<10240x128xf32, #tpu.memory_space<vmem_shared>> -> memref<10240x128xf32, #tpu.memory_space<vmem_shared>>
        tpu.enqueue_indirect_dma source(%arg8 : memref<128x128xf32, #tpu.memory_space<vmem>>) target(%dma_start3A_31 : memref<10240x128xf32, #tpu.memory_space<vmem_shared>>) offsets(%dma_start3A_28 : memref<128xi32, #tpu.memory_space<vmem>>) semaphore(%run_scoped3A_26 : memref<!tpu.dma_semaphore, #tpu.memory_space<semaphore_mem>>) {add = true}
        %dma_wait3A = arith.constant 0 : i32
        %dma_wait3A_32 = tpu.memref_slice %arg7[%run_scoped3A_25, %dma_wait3A] : memref<8x128xi32, #tpu.memory_space<vmem>> -> memref<1x128xi32, #tpu.memory_space<vmem>>
        %dma_wait3A_33 = tpu.memref_squeeze %dma_wait3A_32 : memref<1x128xi32, #tpu.memory_space<vmem>> -> memref<128xi32, #tpu.memory_space<vmem>>
        %dma_wait3A_34 = arith.constant 0 : i32
        %dma_wait3A_35 = arith.constant 0 : i32
        %dma_wait3A_36 = tpu.memref_slice %arg6[%dma_wait3A_34, %dma_wait3A_35] : memref<10240x128xf32, #tpu.memory_space<vmem_shared>> -> memref<10240x128xf32, #tpu.memory_space<vmem_shared>>
        tpu.wait_indirect_dma semaphore(%run_scoped3A_26 : memref<!tpu.dma_semaphore, #tpu.memory_space<semaphore_mem>>) src(%arg8 : memref<128x128xf32, #tpu.memory_space<vmem>>) dst(%dma_wait3A_36 : memref<10240x128xf32, #tpu.memory_space<vmem_shared>>)
        tpu.yield
      }) : () -> ()
    }
    %scan3A_9 = arith.constant 10 : i32
    %barrier3A_10 = arith.constant 0 : index
    tpu.barrier barrier_id(%barrier3A_10)
    %mul3A_11 = arith.constant 640 : i32
    %mul3A_12 = arith.muli %arg1, %mul3A_11 : i32
    "tpu.region"() ({
      %run_scoped3A = tpu.sem_alloc : memref<!tpu.dma_semaphore, #tpu.memory_space<semaphore_mem>>
      %dma_start3A = arith.constant 0 : i32
      %dma_start3A_13 = tpu.memref_slice %arg5[%arg0, %mul3A_12, %dma_start3A] : memref<2x10240x128xf32, #tpu.memory_space<hbm>> -> memref<1x640x128xf32, #tpu.memory_space<hbm>>
      %dma_start3A_14 = tpu.memref_squeeze %dma_start3A_13 : memref<1x640x128xf32, #tpu.memory_space<hbm>> -> memref<640x128xf32, #tpu.memory_space<hbm>>
      %dma_start3A_15 = arith.constant 0 : i32
      %dma_start3A_16 = tpu.memref_slice %arg6[%mul3A_12, %dma_start3A_15] : memref<10240x128xf32, #tpu.memory_space<vmem_shared>> -> memref<640x128xf32, #tpu.memory_space<vmem_shared>>
      tpu.enqueue_dma source(%dma_start3A_16 : memref<640x128xf32, #tpu.memory_space<vmem_shared>>) target(%dma_start3A_14 : memref<640x128xf32, #tpu.memory_space<hbm>>) target_semaphore(%run_scoped3A : memref<!tpu.dma_semaphore, #tpu.memory_space<semaphore_mem>>)
      %dma_wait3A = arith.constant 0 : i32
      %dma_wait3A_17 = tpu.memref_slice %arg5[%arg0, %mul3A_12, %dma_wait3A] : memref<2x10240x128xf32, #tpu.memory_space<hbm>> -> memref<1x640x128xf32, #tpu.memory_space<hbm>>
      %dma_wait3A_18 = tpu.memref_squeeze %dma_wait3A_17 : memref<1x640x128xf32, #tpu.memory_space<hbm>> -> memref<640x128xf32, #tpu.memory_space<hbm>>
      %dma_wait3A_19 = arith.constant 0 : i32
      %dma_wait3A_20 = tpu.memref_slice %arg6[%mul3A_12, %dma_wait3A_19] : memref<10240x128xf32, #tpu.memory_space<vmem_shared>> -> memref<640x128xf32, #tpu.memory_space<vmem_shared>>
      tpu.wait_dma2 semaphore(%run_scoped3A : memref<!tpu.dma_semaphore, #tpu.memory_space<semaphore_mem>>) src(%dma_wait3A_20 : memref<640x128xf32, #tpu.memory_space<vmem_shared>>) dst(%dma_wait3A_18 : memref<640x128xf32, #tpu.memory_space<hbm>>)
      tpu.yield
    }) : () -> ()
    return
  }
}

#map = affine_map<(d0, d1) -> (0, 0)>
#map1 = affine_map<(d0, d1) -> (0, 0, 0)>
module attributes {stable_mosaic.version = 14 : i64} {
  func.func @body(%arg0: i32, %arg1: i32, %arg2: memref<10240x128xf32, #tpu.memory_space<hbm>>, %arg3: memref<2560x128xi32, #tpu.memory_space<hbm>>, %arg4: memref<2560x128xi32, #tpu.memory_space<hbm>>, %arg5: memref<10240x128xf32, #tpu.memory_space<hbm>>, %arg6: memref<2x10240x128xf32, #tpu.memory_space<hbm>>, %arg7: memref<10240x128xf32, #tpu.memory_space<vmem_shared>>, %arg8: memref<8x128xi32, #tpu.memory_space<vmem>>, %arg9: memref<8x128xi32, #tpu.memory_space<vmem>>, %arg10: memref<128x128xf32, #tpu.memory_space<vmem>>, %arg11: memref<128x128xf32, #tpu.memory_space<vmem>>, %arg12: memref<!tpu.dma_semaphore, #tpu.memory_space<semaphore_mem>>, %arg13: memref<!tpu.dma_semaphore, #tpu.memory_space<semaphore_mem>>, %arg14: memref<!tpu.dma_semaphore, #tpu.memory_space<semaphore_mem>>, %arg15: memref<!tpu.dma_semaphore, #tpu.memory_space<semaphore_mem>>) attributes {dimension_semantics = [#tpu.dimension_semantics<core_parallel>, #tpu.dimension_semantics<subcore_parallel>], iteration_bounds = array<i64: 2, 16>, scalar_prefetch = 0 : i64, scratch_operands = 9 : i64, tpu.core_type = #tpu.core_type<sc_vector_subcore>, window_params = [{transform_indices = #map}, {transform_indices = #map}, {transform_indices = #map}, {transform_indices = #map}, {transform_indices = #map1}]} {
    %mul3A = arith.constant 16 : i32
    %mul3A_0 = arith.muli %arg0, %mul3A : i32
    %add3A = arith.addi %mul3A_0, %arg1 : i32
    %mul3A_1 = arith.constant 640 : i32
    %mul3A_2 = arith.muli %arg1, %mul3A_1 : i32
    %mul3A_3 = arith.constant 640 : i32
    %mul3A_4 = arith.muli %arg1, %mul3A_3 : i32
    "tpu.region"() ({
      %run_scoped3A = tpu.sem_alloc : memref<!tpu.dma_semaphore, #tpu.memory_space<semaphore_mem>>
      %dma_start3A = arith.constant 0 : i32
      %dma_start3A_13 = tpu.memref_slice %arg7[%mul3A_4, %dma_start3A] : memref<10240x128xf32, #tpu.memory_space<vmem_shared>> -> memref<640x128xf32, #tpu.memory_space<vmem_shared>>
      %dma_start3A_14 = arith.constant 0 : i32
      %dma_start3A_15 = tpu.memref_slice %arg5[%mul3A_2, %dma_start3A_14] : memref<10240x128xf32, #tpu.memory_space<hbm>> -> memref<640x128xf32, #tpu.memory_space<hbm>>
      tpu.enqueue_dma source(%dma_start3A_15 : memref<640x128xf32, #tpu.memory_space<hbm>>) target(%dma_start3A_13 : memref<640x128xf32, #tpu.memory_space<vmem_shared>>) target_semaphore(%run_scoped3A : memref<!tpu.dma_semaphore, #tpu.memory_space<semaphore_mem>>)
      %dma_wait3A = arith.constant 0 : i32
      %dma_wait3A_16 = tpu.memref_slice %arg7[%mul3A_4, %dma_wait3A] : memref<10240x128xf32, #tpu.memory_space<vmem_shared>> -> memref<640x128xf32, #tpu.memory_space<vmem_shared>>
      %dma_wait3A_17 = arith.constant 0 : i32
      %dma_wait3A_18 = tpu.memref_slice %arg5[%mul3A_2, %dma_wait3A_17] : memref<10240x128xf32, #tpu.memory_space<hbm>> -> memref<640x128xf32, #tpu.memory_space<hbm>>
      tpu.wait_dma2 semaphore(%run_scoped3A : memref<!tpu.dma_semaphore, #tpu.memory_space<semaphore_mem>>) src(%dma_wait3A_18 : memref<640x128xf32, #tpu.memory_space<hbm>>) dst(%dma_wait3A_16 : memref<640x128xf32, #tpu.memory_space<vmem_shared>>)
      tpu.yield
    }) : () -> ()
    %barrier3A = arith.constant 0 : index
    tpu.barrier barrier_id(%barrier3A)
    %scan3A = arith.constant 0 : i32
    %scan3A_5 = arith.constant 0 : i32
    %scan3A_6 = arith.constant 10 : i32
    %scan3A_7 = arith.addi %scan3A_5, %scan3A_6 : i32
    %scan3A_8 = arith.constant 1 : i32
    scf.for %scan3A_13 = %scan3A_5 to %scan3A_7 step %scan3A_8  : i32 {
      %mul3A_14 = arith.constant 80 : i32
      %mul3A_15 = arith.muli %add3A, %mul3A_14 : i32
      %mul3A_16 = arith.constant 8 : i32
      %mul3A_17 = arith.muli %scan3A_13, %mul3A_16 : i32
      %add3A_18 = arith.addi %mul3A_15, %mul3A_17 : i32
      "tpu.region"() ({
        %run_scoped3A = tpu.sem_alloc : memref<!tpu.dma_semaphore, #tpu.memory_space<semaphore_mem>>
        %dma_start3A_241 = arith.constant 0 : i32
        %dma_start3A_242 = tpu.memref_slice %arg3[%add3A_18, %dma_start3A_241] : memref<2560x128xi32, #tpu.memory_space<hbm>> -> memref<8x128xi32, #tpu.memory_space<hbm>>
        %dma_start3A_243 = arith.constant 0 : i32
        %dma_start3A_244 = tpu.memref_slice %arg3[%add3A_18, %dma_start3A_243] : memref<2560x128xi32, #tpu.memory_space<hbm>> -> memref<8x128xi32, #tpu.memory_space<hbm>>
        tpu.enqueue_dma source(%dma_start3A_244 : memref<8x128xi32, #tpu.memory_space<hbm>>) target(%arg8 : memref<8x128xi32, #tpu.memory_space<vmem>>) target_semaphore(%run_scoped3A : memref<!tpu.dma_semaphore, #tpu.memory_space<semaphore_mem>>)
        %dma_wait3A_245 = arith.constant 0 : i32
        %dma_wait3A_246 = tpu.memref_slice %arg3[%add3A_18, %dma_wait3A_245] : memref<2560x128xi32, #tpu.memory_space<hbm>> -> memref<8x128xi32, #tpu.memory_space<hbm>>
        %dma_wait3A_247 = arith.constant 0 : i32
        %dma_wait3A_248 = tpu.memref_slice %arg3[%add3A_18, %dma_wait3A_247] : memref<2560x128xi32, #tpu.memory_space<hbm>> -> memref<8x128xi32, #tpu.memory_space<hbm>>
        tpu.wait_dma2 semaphore(%run_scoped3A : memref<!tpu.dma_semaphore, #tpu.memory_space<semaphore_mem>>) src(%dma_wait3A_248 : memref<8x128xi32, #tpu.memory_space<hbm>>) dst(%arg8 : memref<8x128xi32, #tpu.memory_space<vmem>>)
        tpu.yield
      }) : () -> ()
      "tpu.region"() ({
        %run_scoped3A = tpu.sem_alloc : memref<!tpu.dma_semaphore, #tpu.memory_space<semaphore_mem>>
        %dma_start3A_241 = arith.constant 0 : i32
        %dma_start3A_242 = tpu.memref_slice %arg4[%add3A_18, %dma_start3A_241] : memref<2560x128xi32, #tpu.memory_space<hbm>> -> memref<8x128xi32, #tpu.memory_space<hbm>>
        %dma_start3A_243 = arith.constant 0 : i32
        %dma_start3A_244 = tpu.memref_slice %arg4[%add3A_18, %dma_start3A_243] : memref<2560x128xi32, #tpu.memory_space<hbm>> -> memref<8x128xi32, #tpu.memory_space<hbm>>
        tpu.enqueue_dma source(%dma_start3A_244 : memref<8x128xi32, #tpu.memory_space<hbm>>) target(%arg9 : memref<8x128xi32, #tpu.memory_space<vmem>>) target_semaphore(%run_scoped3A : memref<!tpu.dma_semaphore, #tpu.memory_space<semaphore_mem>>)
        %dma_wait3A_245 = arith.constant 0 : i32
        %dma_wait3A_246 = tpu.memref_slice %arg4[%add3A_18, %dma_wait3A_245] : memref<2560x128xi32, #tpu.memory_space<hbm>> -> memref<8x128xi32, #tpu.memory_space<hbm>>
        %dma_wait3A_247 = arith.constant 0 : i32
        %dma_wait3A_248 = tpu.memref_slice %arg4[%add3A_18, %dma_wait3A_247] : memref<2560x128xi32, #tpu.memory_space<hbm>> -> memref<8x128xi32, #tpu.memory_space<hbm>>
        tpu.wait_dma2 semaphore(%run_scoped3A : memref<!tpu.dma_semaphore, #tpu.memory_space<semaphore_mem>>) src(%dma_wait3A_248 : memref<8x128xi32, #tpu.memory_space<hbm>>) dst(%arg9 : memref<8x128xi32, #tpu.memory_space<vmem>>)
        tpu.yield
      }) : () -> ()
      %dma_start3A = arith.constant 0 : i32
      %dma_start3A_19 = arith.constant 0 : i32
      %dma_start3A_20 = tpu.memref_slice %arg8[%dma_start3A, %dma_start3A_19] : memref<8x128xi32, #tpu.memory_space<vmem>> -> memref<1x128xi32, #tpu.memory_space<vmem>>
      %dma_start3A_21 = tpu.memref_squeeze %dma_start3A_20 : memref<1x128xi32, #tpu.memory_space<vmem>> -> memref<128xi32, #tpu.memory_space<vmem>>
      %dma_start3A_22 = arith.constant 0 : i32
      %dma_start3A_23 = arith.constant 0 : i32
      %dma_start3A_24 = tpu.memref_slice %arg2[%dma_start3A_22, %dma_start3A_23] : memref<10240x128xf32, #tpu.memory_space<hbm>> -> memref<10240x128xf32, #tpu.memory_space<hbm>>
      tpu.enqueue_indirect_dma source(%dma_start3A_24 : memref<10240x128xf32, #tpu.memory_space<hbm>>) target(%arg10 : memref<128x128xf32, #tpu.memory_space<vmem>>) offsets(%dma_start3A_21 : memref<128xi32, #tpu.memory_space<vmem>>) semaphore(%arg12 : memref<!tpu.dma_semaphore, #tpu.memory_space<semaphore_mem>>)
      %dma_start3A_25 = arith.constant 1 : i32
      %dma_start3A_26 = arith.constant 0 : i32
      %dma_start3A_27 = tpu.memref_slice %arg8[%dma_start3A_25, %dma_start3A_26] : memref<8x128xi32, #tpu.memory_space<vmem>> -> memref<1x128xi32, #tpu.memory_space<vmem>>
      %dma_start3A_28 = tpu.memref_squeeze %dma_start3A_27 : memref<1x128xi32, #tpu.memory_space<vmem>> -> memref<128xi32, #tpu.memory_space<vmem>>
      %dma_start3A_29 = arith.constant 0 : i32
      %dma_start3A_30 = arith.constant 0 : i32
      %dma_start3A_31 = tpu.memref_slice %arg2[%dma_start3A_29, %dma_start3A_30] : memref<10240x128xf32, #tpu.memory_space<hbm>> -> memref<10240x128xf32, #tpu.memory_space<hbm>>
      tpu.enqueue_indirect_dma source(%dma_start3A_31 : memref<10240x128xf32, #tpu.memory_space<hbm>>) target(%arg11 : memref<128x128xf32, #tpu.memory_space<vmem>>) offsets(%dma_start3A_28 : memref<128xi32, #tpu.memory_space<vmem>>) semaphore(%arg13 : memref<!tpu.dma_semaphore, #tpu.memory_space<semaphore_mem>>)
      %dma_wait3A = arith.constant 0 : i32
      %dma_wait3A_32 = arith.constant 0 : i32
      %dma_wait3A_33 = tpu.memref_slice %arg8[%dma_wait3A, %dma_wait3A_32] : memref<8x128xi32, #tpu.memory_space<vmem>> -> memref<1x128xi32, #tpu.memory_space<vmem>>
      %dma_wait3A_34 = tpu.memref_squeeze %dma_wait3A_33 : memref<1x128xi32, #tpu.memory_space<vmem>> -> memref<128xi32, #tpu.memory_space<vmem>>
      %dma_wait3A_35 = arith.constant 0 : i32
      %dma_wait3A_36 = arith.constant 0 : i32
      %dma_wait3A_37 = tpu.memref_slice %arg2[%dma_wait3A_35, %dma_wait3A_36] : memref<10240x128xf32, #tpu.memory_space<hbm>> -> memref<10240x128xf32, #tpu.memory_space<hbm>>
      tpu.wait_indirect_dma semaphore(%arg12 : memref<!tpu.dma_semaphore, #tpu.memory_space<semaphore_mem>>) src(%dma_wait3A_37 : memref<10240x128xf32, #tpu.memory_space<hbm>>) dst(%arg10 : memref<128x128xf32, #tpu.memory_space<vmem>>)
      %dma_start3A_38 = arith.constant 0 : i32
      %dma_start3A_39 = arith.constant 0 : i32
      %dma_start3A_40 = tpu.memref_slice %arg9[%dma_start3A_38, %dma_start3A_39] : memref<8x128xi32, #tpu.memory_space<vmem>> -> memref<1x128xi32, #tpu.memory_space<vmem>>
      %dma_start3A_41 = tpu.memref_squeeze %dma_start3A_40 : memref<1x128xi32, #tpu.memory_space<vmem>> -> memref<128xi32, #tpu.memory_space<vmem>>
      %dma_start3A_42 = arith.constant 0 : i32
      %dma_start3A_43 = arith.constant 0 : i32
      %dma_start3A_44 = tpu.memref_slice %arg7[%dma_start3A_42, %dma_start3A_43] : memref<10240x128xf32, #tpu.memory_space<vmem_shared>> -> memref<10240x128xf32, #tpu.memory_space<vmem_shared>>
      tpu.enqueue_indirect_dma source(%arg10 : memref<128x128xf32, #tpu.memory_space<vmem>>) target(%dma_start3A_44 : memref<10240x128xf32, #tpu.memory_space<vmem_shared>>) offsets(%dma_start3A_41 : memref<128xi32, #tpu.memory_space<vmem>>) semaphore(%arg14 : memref<!tpu.dma_semaphore, #tpu.memory_space<semaphore_mem>>) {add = true}
      %dma_wait3A_45 = arith.constant 0 : i32
      %dma_wait3A_46 = arith.constant 0 : i32
      %dma_wait3A_47 = tpu.memref_slice %arg9[%dma_wait3A_45, %dma_wait3A_46] : memref<8x128xi32, #tpu.memory_space<vmem>> -> memref<1x128xi32, #tpu.memory_space<vmem>>
      %dma_wait3A_48 = tpu.memref_squeeze %dma_wait3A_47 : memref<1x128xi32, #tpu.memory_space<vmem>> -> memref<128xi32, #tpu.memory_space<vmem>>
      %dma_wait3A_49 = arith.constant 0 : i32
      %dma_wait3A_50 = arith.constant 0 : i32
      %dma_wait3A_51 = tpu.memref_slice %arg7[%dma_wait3A_49, %dma_wait3A_50] : memref<10240x128xf32, #tpu.memory_space<vmem_shared>> -> memref<10240x128xf32, #tpu.memory_space<vmem_shared>>
      tpu.wait_indirect_dma semaphore(%arg14 : memref<!tpu.dma_semaphore, #tpu.memory_space<semaphore_mem>>) src(%arg10 : memref<128x128xf32, #tpu.memory_space<vmem>>) dst(%dma_wait3A_51 : memref<10240x128xf32, #tpu.memory_space<vmem_shared>>)
      %dma_start3A_52 = arith.constant 2 : i32
      %dma_start3A_53 = arith.constant 0 : i32
      %dma_start3A_54 = tpu.memref_slice %arg8[%dma_start3A_52, %dma_start3A_53] : memref<8x128xi32, #tpu.memory_space<vmem>> -> memref<1x128xi32, #tpu.memory_space<vmem>>
      %dma_start3A_55 = tpu.memref_squeeze %dma_start3A_54 : memref<1x128xi32, #tpu.memory_space<vmem>> -> memref<128xi32, #tpu.memory_space<vmem>>
      %dma_start3A_56 = arith.constant 0 : i32
      %dma_start3A_57 = arith.constant 0 : i32
      %dma_start3A_58 = tpu.memref_slice %arg2[%dma_start3A_56, %dma_start3A_57] : memref<10240x128xf32, #tpu.memory_space<hbm>> -> memref<10240x128xf32, #tpu.memory_space<hbm>>
      tpu.enqueue_indirect_dma source(%dma_start3A_58 : memref<10240x128xf32, #tpu.memory_space<hbm>>) target(%arg10 : memref<128x128xf32, #tpu.memory_space<vmem>>) offsets(%dma_start3A_55 : memref<128xi32, #tpu.memory_space<vmem>>) semaphore(%arg12 : memref<!tpu.dma_semaphore, #tpu.memory_space<semaphore_mem>>)
      %dma_wait3A_59 = arith.constant 1 : i32
      %dma_wait3A_60 = arith.constant 0 : i32
      %dma_wait3A_61 = tpu.memref_slice %arg8[%dma_wait3A_59, %dma_wait3A_60] : memref<8x128xi32, #tpu.memory_space<vmem>> -> memref<1x128xi32, #tpu.memory_space<vmem>>
      %dma_wait3A_62 = tpu.memref_squeeze %dma_wait3A_61 : memref<1x128xi32, #tpu.memory_space<vmem>> -> memref<128xi32, #tpu.memory_space<vmem>>
      %dma_wait3A_63 = arith.constant 0 : i32
      %dma_wait3A_64 = arith.constant 0 : i32
      %dma_wait3A_65 = tpu.memref_slice %arg2[%dma_wait3A_63, %dma_wait3A_64] : memref<10240x128xf32, #tpu.memory_space<hbm>> -> memref<10240x128xf32, #tpu.memory_space<hbm>>
      tpu.wait_indirect_dma semaphore(%arg13 : memref<!tpu.dma_semaphore, #tpu.memory_space<semaphore_mem>>) src(%dma_wait3A_65 : memref<10240x128xf32, #tpu.memory_space<hbm>>) dst(%arg11 : memref<128x128xf32, #tpu.memory_space<vmem>>)
      %dma_start3A_66 = arith.constant 1 : i32
      %dma_start3A_67 = arith.constant 0 : i32
      %dma_start3A_68 = tpu.memref_slice %arg9[%dma_start3A_66, %dma_start3A_67] : memref<8x128xi32, #tpu.memory_space<vmem>> -> memref<1x128xi32, #tpu.memory_space<vmem>>
      %dma_start3A_69 = tpu.memref_squeeze %dma_start3A_68 : memref<1x128xi32, #tpu.memory_space<vmem>> -> memref<128xi32, #tpu.memory_space<vmem>>
      %dma_start3A_70 = arith.constant 0 : i32
      %dma_start3A_71 = arith.constant 0 : i32
      %dma_start3A_72 = tpu.memref_slice %arg7[%dma_start3A_70, %dma_start3A_71] : memref<10240x128xf32, #tpu.memory_space<vmem_shared>> -> memref<10240x128xf32, #tpu.memory_space<vmem_shared>>
      tpu.enqueue_indirect_dma source(%arg11 : memref<128x128xf32, #tpu.memory_space<vmem>>) target(%dma_start3A_72 : memref<10240x128xf32, #tpu.memory_space<vmem_shared>>) offsets(%dma_start3A_69 : memref<128xi32, #tpu.memory_space<vmem>>) semaphore(%arg15 : memref<!tpu.dma_semaphore, #tpu.memory_space<semaphore_mem>>) {add = true}
      %dma_wait3A_73 = arith.constant 1 : i32
      %dma_wait3A_74 = arith.constant 0 : i32
      %dma_wait3A_75 = tpu.memref_slice %arg9[%dma_wait3A_73, %dma_wait3A_74] : memref<8x128xi32, #tpu.memory_space<vmem>> -> memref<1x128xi32, #tpu.memory_space<vmem>>
      %dma_wait3A_76 = tpu.memref_squeeze %dma_wait3A_75 : memref<1x128xi32, #tpu.memory_space<vmem>> -> memref<128xi32, #tpu.memory_space<vmem>>
      %dma_wait3A_77 = arith.constant 0 : i32
      %dma_wait3A_78 = arith.constant 0 : i32
      %dma_wait3A_79 = tpu.memref_slice %arg7[%dma_wait3A_77, %dma_wait3A_78] : memref<10240x128xf32, #tpu.memory_space<vmem_shared>> -> memref<10240x128xf32, #tpu.memory_space<vmem_shared>>
      tpu.wait_indirect_dma semaphore(%arg15 : memref<!tpu.dma_semaphore, #tpu.memory_space<semaphore_mem>>) src(%arg11 : memref<128x128xf32, #tpu.memory_space<vmem>>) dst(%dma_wait3A_79 : memref<10240x128xf32, #tpu.memory_space<vmem_shared>>)
      %dma_start3A_80 = arith.constant 3 : i32
      %dma_start3A_81 = arith.constant 0 : i32
      %dma_start3A_82 = tpu.memref_slice %arg8[%dma_start3A_80, %dma_start3A_81] : memref<8x128xi32, #tpu.memory_space<vmem>> -> memref<1x128xi32, #tpu.memory_space<vmem>>
      %dma_start3A_83 = tpu.memref_squeeze %dma_start3A_82 : memref<1x128xi32, #tpu.memory_space<vmem>> -> memref<128xi32, #tpu.memory_space<vmem>>
      %dma_start3A_84 = arith.constant 0 : i32
      %dma_start3A_85 = arith.constant 0 : i32
      %dma_start3A_86 = tpu.memref_slice %arg2[%dma_start3A_84, %dma_start3A_85] : memref<10240x128xf32, #tpu.memory_space<hbm>> -> memref<10240x128xf32, #tpu.memory_space<hbm>>
      tpu.enqueue_indirect_dma source(%dma_start3A_86 : memref<10240x128xf32, #tpu.memory_space<hbm>>) target(%arg11 : memref<128x128xf32, #tpu.memory_space<vmem>>) offsets(%dma_start3A_83 : memref<128xi32, #tpu.memory_space<vmem>>) semaphore(%arg13 : memref<!tpu.dma_semaphore, #tpu.memory_space<semaphore_mem>>)
      %dma_wait3A_87 = arith.constant 2 : i32
      %dma_wait3A_88 = arith.constant 0 : i32
      %dma_wait3A_89 = tpu.memref_slice %arg8[%dma_wait3A_87, %dma_wait3A_88] : memref<8x128xi32, #tpu.memory_space<vmem>> -> memref<1x128xi32, #tpu.memory_space<vmem>>
      %dma_wait3A_90 = tpu.memref_squeeze %dma_wait3A_89 : memref<1x128xi32, #tpu.memory_space<vmem>> -> memref<128xi32, #tpu.memory_space<vmem>>
      %dma_wait3A_91 = arith.constant 0 : i32
      %dma_wait3A_92 = arith.constant 0 : i32
      %dma_wait3A_93 = tpu.memref_slice %arg2[%dma_wait3A_91, %dma_wait3A_92] : memref<10240x128xf32, #tpu.memory_space<hbm>> -> memref<10240x128xf32, #tpu.memory_space<hbm>>
      tpu.wait_indirect_dma semaphore(%arg12 : memref<!tpu.dma_semaphore, #tpu.memory_space<semaphore_mem>>) src(%dma_wait3A_93 : memref<10240x128xf32, #tpu.memory_space<hbm>>) dst(%arg10 : memref<128x128xf32, #tpu.memory_space<vmem>>)
      %dma_start3A_94 = arith.constant 2 : i32
      %dma_start3A_95 = arith.constant 0 : i32
      %dma_start3A_96 = tpu.memref_slice %arg9[%dma_start3A_94, %dma_start3A_95] : memref<8x128xi32, #tpu.memory_space<vmem>> -> memref<1x128xi32, #tpu.memory_space<vmem>>
      %dma_start3A_97 = tpu.memref_squeeze %dma_start3A_96 : memref<1x128xi32, #tpu.memory_space<vmem>> -> memref<128xi32, #tpu.memory_space<vmem>>
      %dma_start3A_98 = arith.constant 0 : i32
      %dma_start3A_99 = arith.constant 0 : i32
      %dma_start3A_100 = tpu.memref_slice %arg7[%dma_start3A_98, %dma_start3A_99] : memref<10240x128xf32, #tpu.memory_space<vmem_shared>> -> memref<10240x128xf32, #tpu.memory_space<vmem_shared>>
      tpu.enqueue_indirect_dma source(%arg10 : memref<128x128xf32, #tpu.memory_space<vmem>>) target(%dma_start3A_100 : memref<10240x128xf32, #tpu.memory_space<vmem_shared>>) offsets(%dma_start3A_97 : memref<128xi32, #tpu.memory_space<vmem>>) semaphore(%arg14 : memref<!tpu.dma_semaphore, #tpu.memory_space<semaphore_mem>>) {add = true}
      %dma_wait3A_101 = arith.constant 2 : i32
      %dma_wait3A_102 = arith.constant 0 : i32
      %dma_wait3A_103 = tpu.memref_slice %arg9[%dma_wait3A_101, %dma_wait3A_102] : memref<8x128xi32, #tpu.memory_space<vmem>> -> memref<1x128xi32, #tpu.memory_space<vmem>>
      %dma_wait3A_104 = tpu.memref_squeeze %dma_wait3A_103 : memref<1x128xi32, #tpu.memory_space<vmem>> -> memref<128xi32, #tpu.memory_space<vmem>>
      %dma_wait3A_105 = arith.constant 0 : i32
      %dma_wait3A_106 = arith.constant 0 : i32
      %dma_wait3A_107 = tpu.memref_slice %arg7[%dma_wait3A_105, %dma_wait3A_106] : memref<10240x128xf32, #tpu.memory_space<vmem_shared>> -> memref<10240x128xf32, #tpu.memory_space<vmem_shared>>
      tpu.wait_indirect_dma semaphore(%arg14 : memref<!tpu.dma_semaphore, #tpu.memory_space<semaphore_mem>>) src(%arg10 : memref<128x128xf32, #tpu.memory_space<vmem>>) dst(%dma_wait3A_107 : memref<10240x128xf32, #tpu.memory_space<vmem_shared>>)
      %dma_start3A_108 = arith.constant 4 : i32
      %dma_start3A_109 = arith.constant 0 : i32
      %dma_start3A_110 = tpu.memref_slice %arg8[%dma_start3A_108, %dma_start3A_109] : memref<8x128xi32, #tpu.memory_space<vmem>> -> memref<1x128xi32, #tpu.memory_space<vmem>>
      %dma_start3A_111 = tpu.memref_squeeze %dma_start3A_110 : memref<1x128xi32, #tpu.memory_space<vmem>> -> memref<128xi32, #tpu.memory_space<vmem>>
      %dma_start3A_112 = arith.constant 0 : i32
      %dma_start3A_113 = arith.constant 0 : i32
      %dma_start3A_114 = tpu.memref_slice %arg2[%dma_start3A_112, %dma_start3A_113] : memref<10240x128xf32, #tpu.memory_space<hbm>> -> memref<10240x128xf32, #tpu.memory_space<hbm>>
      tpu.enqueue_indirect_dma source(%dma_start3A_114 : memref<10240x128xf32, #tpu.memory_space<hbm>>) target(%arg10 : memref<128x128xf32, #tpu.memory_space<vmem>>) offsets(%dma_start3A_111 : memref<128xi32, #tpu.memory_space<vmem>>) semaphore(%arg12 : memref<!tpu.dma_semaphore, #tpu.memory_space<semaphore_mem>>)
      %dma_wait3A_115 = arith.constant 3 : i32
      %dma_wait3A_116 = arith.constant 0 : i32
      %dma_wait3A_117 = tpu.memref_slice %arg8[%dma_wait3A_115, %dma_wait3A_116] : memref<8x128xi32, #tpu.memory_space<vmem>> -> memref<1x128xi32, #tpu.memory_space<vmem>>
      %dma_wait3A_118 = tpu.memref_squeeze %dma_wait3A_117 : memref<1x128xi32, #tpu.memory_space<vmem>> -> memref<128xi32, #tpu.memory_space<vmem>>
      %dma_wait3A_119 = arith.constant 0 : i32
      %dma_wait3A_120 = arith.constant 0 : i32
      %dma_wait3A_121 = tpu.memref_slice %arg2[%dma_wait3A_119, %dma_wait3A_120] : memref<10240x128xf32, #tpu.memory_space<hbm>> -> memref<10240x128xf32, #tpu.memory_space<hbm>>
      tpu.wait_indirect_dma semaphore(%arg13 : memref<!tpu.dma_semaphore, #tpu.memory_space<semaphore_mem>>) src(%dma_wait3A_121 : memref<10240x128xf32, #tpu.memory_space<hbm>>) dst(%arg11 : memref<128x128xf32, #tpu.memory_space<vmem>>)
      %dma_start3A_122 = arith.constant 3 : i32
      %dma_start3A_123 = arith.constant 0 : i32
      %dma_start3A_124 = tpu.memref_slice %arg9[%dma_start3A_122, %dma_start3A_123] : memref<8x128xi32, #tpu.memory_space<vmem>> -> memref<1x128xi32, #tpu.memory_space<vmem>>
      %dma_start3A_125 = tpu.memref_squeeze %dma_start3A_124 : memref<1x128xi32, #tpu.memory_space<vmem>> -> memref<128xi32, #tpu.memory_space<vmem>>
      %dma_start3A_126 = arith.constant 0 : i32
      %dma_start3A_127 = arith.constant 0 : i32
      %dma_start3A_128 = tpu.memref_slice %arg7[%dma_start3A_126, %dma_start3A_127] : memref<10240x128xf32, #tpu.memory_space<vmem_shared>> -> memref<10240x128xf32, #tpu.memory_space<vmem_shared>>
      tpu.enqueue_indirect_dma source(%arg11 : memref<128x128xf32, #tpu.memory_space<vmem>>) target(%dma_start3A_128 : memref<10240x128xf32, #tpu.memory_space<vmem_shared>>) offsets(%dma_start3A_125 : memref<128xi32, #tpu.memory_space<vmem>>) semaphore(%arg15 : memref<!tpu.dma_semaphore, #tpu.memory_space<semaphore_mem>>) {add = true}
      %dma_wait3A_129 = arith.constant 3 : i32
      %dma_wait3A_130 = arith.constant 0 : i32
      %dma_wait3A_131 = tpu.memref_slice %arg9[%dma_wait3A_129, %dma_wait3A_130] : memref<8x128xi32, #tpu.memory_space<vmem>> -> memref<1x128xi32, #tpu.memory_space<vmem>>
      %dma_wait3A_132 = tpu.memref_squeeze %dma_wait3A_131 : memref<1x128xi32, #tpu.memory_space<vmem>> -> memref<128xi32, #tpu.memory_space<vmem>>
      %dma_wait3A_133 = arith.constant 0 : i32
      %dma_wait3A_134 = arith.constant 0 : i32
      %dma_wait3A_135 = tpu.memref_slice %arg7[%dma_wait3A_133, %dma_wait3A_134] : memref<10240x128xf32, #tpu.memory_space<vmem_shared>> -> memref<10240x128xf32, #tpu.memory_space<vmem_shared>>
      tpu.wait_indirect_dma semaphore(%arg15 : memref<!tpu.dma_semaphore, #tpu.memory_space<semaphore_mem>>) src(%arg11 : memref<128x128xf32, #tpu.memory_space<vmem>>) dst(%dma_wait3A_135 : memref<10240x128xf32, #tpu.memory_space<vmem_shared>>)
      %dma_start3A_136 = arith.constant 5 : i32
      %dma_start3A_137 = arith.constant 0 : i32
      %dma_start3A_138 = tpu.memref_slice %arg8[%dma_start3A_136, %dma_start3A_137] : memref<8x128xi32, #tpu.memory_space<vmem>> -> memref<1x128xi32, #tpu.memory_space<vmem>>
      %dma_start3A_139 = tpu.memref_squeeze %dma_start3A_138 : memref<1x128xi32, #tpu.memory_space<vmem>> -> memref<128xi32, #tpu.memory_space<vmem>>
      %dma_start3A_140 = arith.constant 0 : i32
      %dma_start3A_141 = arith.constant 0 : i32
      %dma_start3A_142 = tpu.memref_slice %arg2[%dma_start3A_140, %dma_start3A_141] : memref<10240x128xf32, #tpu.memory_space<hbm>> -> memref<10240x128xf32, #tpu.memory_space<hbm>>
      tpu.enqueue_indirect_dma source(%dma_start3A_142 : memref<10240x128xf32, #tpu.memory_space<hbm>>) target(%arg11 : memref<128x128xf32, #tpu.memory_space<vmem>>) offsets(%dma_start3A_139 : memref<128xi32, #tpu.memory_space<vmem>>) semaphore(%arg13 : memref<!tpu.dma_semaphore, #tpu.memory_space<semaphore_mem>>)
      %dma_wait3A_143 = arith.constant 4 : i32
      %dma_wait3A_144 = arith.constant 0 : i32
      %dma_wait3A_145 = tpu.memref_slice %arg8[%dma_wait3A_143, %dma_wait3A_144] : memref<8x128xi32, #tpu.memory_space<vmem>> -> memref<1x128xi32, #tpu.memory_space<vmem>>
      %dma_wait3A_146 = tpu.memref_squeeze %dma_wait3A_145 : memref<1x128xi32, #tpu.memory_space<vmem>> -> memref<128xi32, #tpu.memory_space<vmem>>
      %dma_wait3A_147 = arith.constant 0 : i32
      %dma_wait3A_148 = arith.constant 0 : i32
      %dma_wait3A_149 = tpu.memref_slice %arg2[%dma_wait3A_147, %dma_wait3A_148] : memref<10240x128xf32, #tpu.memory_space<hbm>> -> memref<10240x128xf32, #tpu.memory_space<hbm>>
      tpu.wait_indirect_dma semaphore(%arg12 : memref<!tpu.dma_semaphore, #tpu.memory_space<semaphore_mem>>) src(%dma_wait3A_149 : memref<10240x128xf32, #tpu.memory_space<hbm>>) dst(%arg10 : memref<128x128xf32, #tpu.memory_space<vmem>>)
      %dma_start3A_150 = arith.constant 4 : i32
      %dma_start3A_151 = arith.constant 0 : i32
      %dma_start3A_152 = tpu.memref_slice %arg9[%dma_start3A_150, %dma_start3A_151] : memref<8x128xi32, #tpu.memory_space<vmem>> -> memref<1x128xi32, #tpu.memory_space<vmem>>
      %dma_start3A_153 = tpu.memref_squeeze %dma_start3A_152 : memref<1x128xi32, #tpu.memory_space<vmem>> -> memref<128xi32, #tpu.memory_space<vmem>>
      %dma_start3A_154 = arith.constant 0 : i32
      %dma_start3A_155 = arith.constant 0 : i32
      %dma_start3A_156 = tpu.memref_slice %arg7[%dma_start3A_154, %dma_start3A_155] : memref<10240x128xf32, #tpu.memory_space<vmem_shared>> -> memref<10240x128xf32, #tpu.memory_space<vmem_shared>>
      tpu.enqueue_indirect_dma source(%arg10 : memref<128x128xf32, #tpu.memory_space<vmem>>) target(%dma_start3A_156 : memref<10240x128xf32, #tpu.memory_space<vmem_shared>>) offsets(%dma_start3A_153 : memref<128xi32, #tpu.memory_space<vmem>>) semaphore(%arg14 : memref<!tpu.dma_semaphore, #tpu.memory_space<semaphore_mem>>) {add = true}
      %dma_wait3A_157 = arith.constant 4 : i32
      %dma_wait3A_158 = arith.constant 0 : i32
      %dma_wait3A_159 = tpu.memref_slice %arg9[%dma_wait3A_157, %dma_wait3A_158] : memref<8x128xi32, #tpu.memory_space<vmem>> -> memref<1x128xi32, #tpu.memory_space<vmem>>
      %dma_wait3A_160 = tpu.memref_squeeze %dma_wait3A_159 : memref<1x128xi32, #tpu.memory_space<vmem>> -> memref<128xi32, #tpu.memory_space<vmem>>
      %dma_wait3A_161 = arith.constant 0 : i32
      %dma_wait3A_162 = arith.constant 0 : i32
      %dma_wait3A_163 = tpu.memref_slice %arg7[%dma_wait3A_161, %dma_wait3A_162] : memref<10240x128xf32, #tpu.memory_space<vmem_shared>> -> memref<10240x128xf32, #tpu.memory_space<vmem_shared>>
      tpu.wait_indirect_dma semaphore(%arg14 : memref<!tpu.dma_semaphore, #tpu.memory_space<semaphore_mem>>) src(%arg10 : memref<128x128xf32, #tpu.memory_space<vmem>>) dst(%dma_wait3A_163 : memref<10240x128xf32, #tpu.memory_space<vmem_shared>>)
      %dma_start3A_164 = arith.constant 6 : i32
      %dma_start3A_165 = arith.constant 0 : i32
      %dma_start3A_166 = tpu.memref_slice %arg8[%dma_start3A_164, %dma_start3A_165] : memref<8x128xi32, #tpu.memory_space<vmem>> -> memref<1x128xi32, #tpu.memory_space<vmem>>
      %dma_start3A_167 = tpu.memref_squeeze %dma_start3A_166 : memref<1x128xi32, #tpu.memory_space<vmem>> -> memref<128xi32, #tpu.memory_space<vmem>>
      %dma_start3A_168 = arith.constant 0 : i32
      %dma_start3A_169 = arith.constant 0 : i32
      %dma_start3A_170 = tpu.memref_slice %arg2[%dma_start3A_168, %dma_start3A_169] : memref<10240x128xf32, #tpu.memory_space<hbm>> -> memref<10240x128xf32, #tpu.memory_space<hbm>>
      tpu.enqueue_indirect_dma source(%dma_start3A_170 : memref<10240x128xf32, #tpu.memory_space<hbm>>) target(%arg10 : memref<128x128xf32, #tpu.memory_space<vmem>>) offsets(%dma_start3A_167 : memref<128xi32, #tpu.memory_space<vmem>>) semaphore(%arg12 : memref<!tpu.dma_semaphore, #tpu.memory_space<semaphore_mem>>)
      %dma_wait3A_171 = arith.constant 5 : i32
      %dma_wait3A_172 = arith.constant 0 : i32
      %dma_wait3A_173 = tpu.memref_slice %arg8[%dma_wait3A_171, %dma_wait3A_172] : memref<8x128xi32, #tpu.memory_space<vmem>> -> memref<1x128xi32, #tpu.memory_space<vmem>>
      %dma_wait3A_174 = tpu.memref_squeeze %dma_wait3A_173 : memref<1x128xi32, #tpu.memory_space<vmem>> -> memref<128xi32, #tpu.memory_space<vmem>>
      %dma_wait3A_175 = arith.constant 0 : i32
      %dma_wait3A_176 = arith.constant 0 : i32
      %dma_wait3A_177 = tpu.memref_slice %arg2[%dma_wait3A_175, %dma_wait3A_176] : memref<10240x128xf32, #tpu.memory_space<hbm>> -> memref<10240x128xf32, #tpu.memory_space<hbm>>
      tpu.wait_indirect_dma semaphore(%arg13 : memref<!tpu.dma_semaphore, #tpu.memory_space<semaphore_mem>>) src(%dma_wait3A_177 : memref<10240x128xf32, #tpu.memory_space<hbm>>) dst(%arg11 : memref<128x128xf32, #tpu.memory_space<vmem>>)
      %dma_start3A_178 = arith.constant 5 : i32
      %dma_start3A_179 = arith.constant 0 : i32
      %dma_start3A_180 = tpu.memref_slice %arg9[%dma_start3A_178, %dma_start3A_179] : memref<8x128xi32, #tpu.memory_space<vmem>> -> memref<1x128xi32, #tpu.memory_space<vmem>>
      %dma_start3A_181 = tpu.memref_squeeze %dma_start3A_180 : memref<1x128xi32, #tpu.memory_space<vmem>> -> memref<128xi32, #tpu.memory_space<vmem>>
      %dma_start3A_182 = arith.constant 0 : i32
      %dma_start3A_183 = arith.constant 0 : i32
      %dma_start3A_184 = tpu.memref_slice %arg7[%dma_start3A_182, %dma_start3A_183] : memref<10240x128xf32, #tpu.memory_space<vmem_shared>> -> memref<10240x128xf32, #tpu.memory_space<vmem_shared>>
      tpu.enqueue_indirect_dma source(%arg11 : memref<128x128xf32, #tpu.memory_space<vmem>>) target(%dma_start3A_184 : memref<10240x128xf32, #tpu.memory_space<vmem_shared>>) offsets(%dma_start3A_181 : memref<128xi32, #tpu.memory_space<vmem>>) semaphore(%arg15 : memref<!tpu.dma_semaphore, #tpu.memory_space<semaphore_mem>>) {add = true}
      %dma_wait3A_185 = arith.constant 5 : i32
      %dma_wait3A_186 = arith.constant 0 : i32
      %dma_wait3A_187 = tpu.memref_slice %arg9[%dma_wait3A_185, %dma_wait3A_186] : memref<8x128xi32, #tpu.memory_space<vmem>> -> memref<1x128xi32, #tpu.memory_space<vmem>>
      %dma_wait3A_188 = tpu.memref_squeeze %dma_wait3A_187 : memref<1x128xi32, #tpu.memory_space<vmem>> -> memref<128xi32, #tpu.memory_space<vmem>>
      %dma_wait3A_189 = arith.constant 0 : i32
      %dma_wait3A_190 = arith.constant 0 : i32
      %dma_wait3A_191 = tpu.memref_slice %arg7[%dma_wait3A_189, %dma_wait3A_190] : memref<10240x128xf32, #tpu.memory_space<vmem_shared>> -> memref<10240x128xf32, #tpu.memory_space<vmem_shared>>
      tpu.wait_indirect_dma semaphore(%arg15 : memref<!tpu.dma_semaphore, #tpu.memory_space<semaphore_mem>>) src(%arg11 : memref<128x128xf32, #tpu.memory_space<vmem>>) dst(%dma_wait3A_191 : memref<10240x128xf32, #tpu.memory_space<vmem_shared>>)
      %dma_start3A_192 = arith.constant 7 : i32
      %dma_start3A_193 = arith.constant 0 : i32
      %dma_start3A_194 = tpu.memref_slice %arg8[%dma_start3A_192, %dma_start3A_193] : memref<8x128xi32, #tpu.memory_space<vmem>> -> memref<1x128xi32, #tpu.memory_space<vmem>>
      %dma_start3A_195 = tpu.memref_squeeze %dma_start3A_194 : memref<1x128xi32, #tpu.memory_space<vmem>> -> memref<128xi32, #tpu.memory_space<vmem>>
      %dma_start3A_196 = arith.constant 0 : i32
      %dma_start3A_197 = arith.constant 0 : i32
      %dma_start3A_198 = tpu.memref_slice %arg2[%dma_start3A_196, %dma_start3A_197] : memref<10240x128xf32, #tpu.memory_space<hbm>> -> memref<10240x128xf32, #tpu.memory_space<hbm>>
      tpu.enqueue_indirect_dma source(%dma_start3A_198 : memref<10240x128xf32, #tpu.memory_space<hbm>>) target(%arg11 : memref<128x128xf32, #tpu.memory_space<vmem>>) offsets(%dma_start3A_195 : memref<128xi32, #tpu.memory_space<vmem>>) semaphore(%arg13 : memref<!tpu.dma_semaphore, #tpu.memory_space<semaphore_mem>>)
      %dma_wait3A_199 = arith.constant 6 : i32
      %dma_wait3A_200 = arith.constant 0 : i32
      %dma_wait3A_201 = tpu.memref_slice %arg8[%dma_wait3A_199, %dma_wait3A_200] : memref<8x128xi32, #tpu.memory_space<vmem>> -> memref<1x128xi32, #tpu.memory_space<vmem>>
      %dma_wait3A_202 = tpu.memref_squeeze %dma_wait3A_201 : memref<1x128xi32, #tpu.memory_space<vmem>> -> memref<128xi32, #tpu.memory_space<vmem>>
      %dma_wait3A_203 = arith.constant 0 : i32
      %dma_wait3A_204 = arith.constant 0 : i32
      %dma_wait3A_205 = tpu.memref_slice %arg2[%dma_wait3A_203, %dma_wait3A_204] : memref<10240x128xf32, #tpu.memory_space<hbm>> -> memref<10240x128xf32, #tpu.memory_space<hbm>>
      tpu.wait_indirect_dma semaphore(%arg12 : memref<!tpu.dma_semaphore, #tpu.memory_space<semaphore_mem>>) src(%dma_wait3A_205 : memref<10240x128xf32, #tpu.memory_space<hbm>>) dst(%arg10 : memref<128x128xf32, #tpu.memory_space<vmem>>)
      %dma_start3A_206 = arith.constant 6 : i32
      %dma_start3A_207 = arith.constant 0 : i32
      %dma_start3A_208 = tpu.memref_slice %arg9[%dma_start3A_206, %dma_start3A_207] : memref<8x128xi32, #tpu.memory_space<vmem>> -> memref<1x128xi32, #tpu.memory_space<vmem>>
      %dma_start3A_209 = tpu.memref_squeeze %dma_start3A_208 : memref<1x128xi32, #tpu.memory_space<vmem>> -> memref<128xi32, #tpu.memory_space<vmem>>
      %dma_start3A_210 = arith.constant 0 : i32
      %dma_start3A_211 = arith.constant 0 : i32
      %dma_start3A_212 = tpu.memref_slice %arg7[%dma_start3A_210, %dma_start3A_211] : memref<10240x128xf32, #tpu.memory_space<vmem_shared>> -> memref<10240x128xf32, #tpu.memory_space<vmem_shared>>
      tpu.enqueue_indirect_dma source(%arg10 : memref<128x128xf32, #tpu.memory_space<vmem>>) target(%dma_start3A_212 : memref<10240x128xf32, #tpu.memory_space<vmem_shared>>) offsets(%dma_start3A_209 : memref<128xi32, #tpu.memory_space<vmem>>) semaphore(%arg14 : memref<!tpu.dma_semaphore, #tpu.memory_space<semaphore_mem>>) {add = true}
      %dma_wait3A_213 = arith.constant 7 : i32
      %dma_wait3A_214 = arith.constant 0 : i32
      %dma_wait3A_215 = tpu.memref_slice %arg8[%dma_wait3A_213, %dma_wait3A_214] : memref<8x128xi32, #tpu.memory_space<vmem>> -> memref<1x128xi32, #tpu.memory_space<vmem>>
      %dma_wait3A_216 = tpu.memref_squeeze %dma_wait3A_215 : memref<1x128xi32, #tpu.memory_space<vmem>> -> memref<128xi32, #tpu.memory_space<vmem>>
      %dma_wait3A_217 = arith.constant 0 : i32
      %dma_wait3A_218 = arith.constant 0 : i32
      %dma_wait3A_219 = tpu.memref_slice %arg2[%dma_wait3A_217, %dma_wait3A_218] : memref<10240x128xf32, #tpu.memory_space<hbm>> -> memref<10240x128xf32, #tpu.memory_space<hbm>>
      tpu.wait_indirect_dma semaphore(%arg13 : memref<!tpu.dma_semaphore, #tpu.memory_space<semaphore_mem>>) src(%dma_wait3A_219 : memref<10240x128xf32, #tpu.memory_space<hbm>>) dst(%arg11 : memref<128x128xf32, #tpu.memory_space<vmem>>)
      %dma_start3A_220 = arith.constant 7 : i32
      %dma_start3A_221 = arith.constant 0 : i32
      %dma_start3A_222 = tpu.memref_slice %arg9[%dma_start3A_220, %dma_start3A_221] : memref<8x128xi32, #tpu.memory_space<vmem>> -> memref<1x128xi32, #tpu.memory_space<vmem>>
      %dma_start3A_223 = tpu.memref_squeeze %dma_start3A_222 : memref<1x128xi32, #tpu.memory_space<vmem>> -> memref<128xi32, #tpu.memory_space<vmem>>
      %dma_start3A_224 = arith.constant 0 : i32
      %dma_start3A_225 = arith.constant 0 : i32
      %dma_start3A_226 = tpu.memref_slice %arg7[%dma_start3A_224, %dma_start3A_225] : memref<10240x128xf32, #tpu.memory_space<vmem_shared>> -> memref<10240x128xf32, #tpu.memory_space<vmem_shared>>
      tpu.enqueue_indirect_dma source(%arg11 : memref<128x128xf32, #tpu.memory_space<vmem>>) target(%dma_start3A_226 : memref<10240x128xf32, #tpu.memory_space<vmem_shared>>) offsets(%dma_start3A_223 : memref<128xi32, #tpu.memory_space<vmem>>) semaphore(%arg15 : memref<!tpu.dma_semaphore, #tpu.memory_space<semaphore_mem>>) {add = true}
      %dma_wait3A_227 = arith.constant 6 : i32
      %dma_wait3A_228 = arith.constant 0 : i32
      %dma_wait3A_229 = tpu.memref_slice %arg9[%dma_wait3A_227, %dma_wait3A_228] : memref<8x128xi32, #tpu.memory_space<vmem>> -> memref<1x128xi32, #tpu.memory_space<vmem>>
      %dma_wait3A_230 = tpu.memref_squeeze %dma_wait3A_229 : memref<1x128xi32, #tpu.memory_space<vmem>> -> memref<128xi32, #tpu.memory_space<vmem>>
      %dma_wait3A_231 = arith.constant 0 : i32
      %dma_wait3A_232 = arith.constant 0 : i32
      %dma_wait3A_233 = tpu.memref_slice %arg7[%dma_wait3A_231, %dma_wait3A_232] : memref<10240x128xf32, #tpu.memory_space<vmem_shared>> -> memref<10240x128xf32, #tpu.memory_space<vmem_shared>>
      tpu.wait_indirect_dma semaphore(%arg14 : memref<!tpu.dma_semaphore, #tpu.memory_space<semaphore_mem>>) src(%arg10 : memref<128x128xf32, #tpu.memory_space<vmem>>) dst(%dma_wait3A_233 : memref<10240x128xf32, #tpu.memory_space<vmem_shared>>)
      %dma_wait3A_234 = arith.constant 7 : i32
      %dma_wait3A_235 = arith.constant 0 : i32
      %dma_wait3A_236 = tpu.memref_slice %arg9[%dma_wait3A_234, %dma_wait3A_235] : memref<8x128xi32, #tpu.memory_space<vmem>> -> memref<1x128xi32, #tpu.memory_space<vmem>>
      %dma_wait3A_237 = tpu.memref_squeeze %dma_wait3A_236 : memref<1x128xi32, #tpu.memory_space<vmem>> -> memref<128xi32, #tpu.memory_space<vmem>>
      %dma_wait3A_238 = arith.constant 0 : i32
      %dma_wait3A_239 = arith.constant 0 : i32
      %dma_wait3A_240 = tpu.memref_slice %arg7[%dma_wait3A_238, %dma_wait3A_239] : memref<10240x128xf32, #tpu.memory_space<vmem_shared>> -> memref<10240x128xf32, #tpu.memory_space<vmem_shared>>
      tpu.wait_indirect_dma semaphore(%arg15 : memref<!tpu.dma_semaphore, #tpu.memory_space<semaphore_mem>>) src(%arg11 : memref<128x128xf32, #tpu.memory_space<vmem>>) dst(%dma_wait3A_240 : memref<10240x128xf32, #tpu.memory_space<vmem_shared>>)
    }
    %scan3A_9 = arith.constant 10 : i32
    %barrier3A_10 = arith.constant 0 : index
    tpu.barrier barrier_id(%barrier3A_10)
    %mul3A_11 = arith.constant 640 : i32
    %mul3A_12 = arith.muli %arg1, %mul3A_11 : i32
    "tpu.region"() ({
      %run_scoped3A = tpu.sem_alloc : memref<!tpu.dma_semaphore, #tpu.memory_space<semaphore_mem>>
      %dma_start3A = arith.constant 0 : i32
      %dma_start3A_13 = tpu.memref_slice %arg6[%arg0, %mul3A_12, %dma_start3A] : memref<2x10240x128xf32, #tpu.memory_space<hbm>> -> memref<1x640x128xf32, #tpu.memory_space<hbm>>
      %dma_start3A_14 = tpu.memref_squeeze %dma_start3A_13 : memref<1x640x128xf32, #tpu.memory_space<hbm>> -> memref<640x128xf32, #tpu.memory_space<hbm>>
      %dma_start3A_15 = arith.constant 0 : i32
      %dma_start3A_16 = tpu.memref_slice %arg7[%mul3A_12, %dma_start3A_15] : memref<10240x128xf32, #tpu.memory_space<vmem_shared>> -> memref<640x128xf32, #tpu.memory_space<vmem_shared>>
      tpu.enqueue_dma source(%dma_start3A_16 : memref<640x128xf32, #tpu.memory_space<vmem_shared>>) target(%dma_start3A_14 : memref<640x128xf32, #tpu.memory_space<hbm>>) target_semaphore(%run_scoped3A : memref<!tpu.dma_semaphore, #tpu.memory_space<semaphore_mem>>)
      %dma_wait3A = arith.constant 0 : i32
      %dma_wait3A_17 = tpu.memref_slice %arg6[%arg0, %mul3A_12, %dma_wait3A] : memref<2x10240x128xf32, #tpu.memory_space<hbm>> -> memref<1x640x128xf32, #tpu.memory_space<hbm>>
      %dma_wait3A_18 = tpu.memref_squeeze %dma_wait3A_17 : memref<1x640x128xf32, #tpu.memory_space<hbm>> -> memref<640x128xf32, #tpu.memory_space<hbm>>
      %dma_wait3A_19 = arith.constant 0 : i32
      %dma_wait3A_20 = tpu.memref_slice %arg7[%mul3A_12, %dma_wait3A_19] : memref<10240x128xf32, #tpu.memory_space<vmem_shared>> -> memref<640x128xf32, #tpu.memory_space<vmem_shared>>
      tpu.wait_dma2 semaphore(%run_scoped3A : memref<!tpu.dma_semaphore, #tpu.memory_space<semaphore_mem>>) src(%dma_wait3A_20 : memref<640x128xf32, #tpu.memory_space<vmem_shared>>) dst(%dma_wait3A_18 : memref<640x128xf32, #tpu.memory_space<hbm>>)
      tpu.yield
    }) : () -> ()
    return
  }
}

module attributes {stable_mosaic.version = 14 : i64} {
  func.func @body(%arg0: i32, %arg1: memref<256x128xf32, #tpu.memory_space<vmem>>, %arg2: memref<128x128xf32, #tpu.memory_space<vmem>>, %arg3: memref<128x128xf32, #tpu.memory_space<vmem>>, %arg4: memref<256x128xf32, #tpu.memory_space<vmem>>, %arg5: memref<256x128xf32, #tpu.memory_space<vmem>>) attributes {dimension_semantics = [#tpu.dimension_semantics<arbitrary>], iteration_bounds = array<i64: 40>, scalar_prefetch = 0 : i64, scratch_operands = 0 : i64, tpu.core_type = #tpu.core_type<tc>, window_params = [{transform_indices = @transform_0, window_bounds = array<i64: 256, 128>}, {pipeline_mode = #tpu.pipeline_mode<synchronous>, transform_indices = @transform_1, window_bounds = array<i64: 128, 128>}, {pipeline_mode = #tpu.pipeline_mode<synchronous>, transform_indices = @transform_2, window_bounds = array<i64: 128, 128>}, {transform_indices = @transform_3, window_bounds = array<i64: 256, 128>}, {transform_indices = @transform_4, window_bounds = array<i64: 256, 128>}]} {
    %get3A = arith.constant 0 : index
    %get3A_0 = arith.constant 0 : index
    %get3A_1 = vector.load %arg1[%get3A, %get3A_0] : memref<256x128xf32, #tpu.memory_space<vmem>>, vector<256x128xf32>
    %get3A_2 = arith.constant 0 : index
    %get3A_3 = arith.constant 0 : index
    %get3A_4 = vector.load %arg2[%get3A_2, %get3A_3] : memref<128x128xf32, #tpu.memory_space<vmem>>, vector<128x128xf32>
    %dot_general3A = arith.constant dense<0.000000e+00> : vector<256x128xf32>
    %dot_general3A_5 = tpu.matmul %get3A_1, %get3A_4, %dot_general3A {dimension_numbers = #tpu.dot_dimension_numbers<[1], [0], [0], [1], [0, 0, 1, 1], [], []>, transpose_lhs_hint = false} : vector<256x128xf32>, vector<128x128xf32>, vector<256x128xf32> -> vector<256x128xf32>
    %swap3A = arith.constant 0 : index
    %swap3A_6 = arith.constant 0 : index
    %swap3A_7 = vector.load %arg4[%swap3A, %swap3A_6] : memref<256x128xf32, #tpu.memory_space<vmem>>, vector<256x128xf32>
    tpu.vector_store %arg4[%swap3A, %swap3A_6], %dot_general3A_5 {strides = array<i32>} : memref<256x128xf32, #tpu.memory_space<vmem>>, vector<256x128xf32>,
    %get3A_8 = arith.constant 0 : index
    %get3A_9 = arith.constant 0 : index
    %get3A_10 = vector.load %arg3[%get3A_8, %get3A_9] : memref<128x128xf32, #tpu.memory_space<vmem>>, vector<128x128xf32>
    %dot_general3A_11 = arith.constant dense<0.000000e+00> : vector<256x128xf32>
    %dot_general3A_12 = tpu.matmul %get3A_1, %get3A_10, %dot_general3A_11 {dimension_numbers = #tpu.dot_dimension_numbers<[1], [0], [0], [1], [0, 0, 1, 1], [], []>, transpose_lhs_hint = false} : vector<256x128xf32>, vector<128x128xf32>, vector<256x128xf32> -> vector<256x128xf32>
    %swap3A_13 = arith.constant 0 : index
    %swap3A_14 = arith.constant 0 : index
    %swap3A_15 = vector.load %arg5[%swap3A_13, %swap3A_14] : memref<256x128xf32, #tpu.memory_space<vmem>>, vector<256x128xf32>
    tpu.vector_store %arg5[%swap3A_13, %swap3A_14], %dot_general3A_12 {strides = array<i32>} : memref<256x128xf32, #tpu.memory_space<vmem>>, vector<256x128xf32>,
    return
  }
  func.func @transform_0(%arg0: i32) -> (i32, i32) {
    %c0_i32 = arith.constant 0 : i32
    %c0_i32_0 = arith.constant 0 : i32
    return %arg0, %c0_i32 : i32, i32
  }
  func.func @transform_1(%arg0: i32) -> (i32, i32) {
    %c0_i32 = arith.constant 0 : i32
    %c0_i32_0 = arith.constant 0 : i32
    %c0_i32_1 = arith.constant 0 : i32
    return %c0_i32, %c0_i32_0 : i32, i32
  }
  func.func @transform_2(%arg0: i32) -> (i32, i32) {
    %c0_i32 = arith.constant 0 : i32
    %c0_i32_0 = arith.constant 0 : i32
    %c0_i32_1 = arith.constant 0 : i32
    return %c0_i32, %c0_i32_0 : i32, i32
  }
  func.func @transform_3(%arg0: i32) -> (i32, i32) {
    %c0_i32 = arith.constant 0 : i32
    %c0_i32_0 = arith.constant 0 : i32
    return %arg0, %c0_i32 : i32, i32
  }
  func.func @transform_4(%arg0: i32) -> (i32, i32) {
    %c0_i32 = arith.constant 0 : i32
    %c0_i32_0 = arith.constant 0 : i32
    return %arg0, %c0_i32 : i32, i32
  }
}

module attributes {stable_mosaic.version = 14 : i64} {
  func.func @body(%arg0: i32, %arg1: memref<2x256x128xf32, #tpu.memory_space<vmem>>, %arg2: memref<2x256x1xf32, #tpu.memory_space<vmem>>, %arg3: memref<256x128xf32, #tpu.memory_space<vmem>>, %arg4: memref<1x128xf32, #tpu.memory_space<vmem>>, %arg5: memref<128x128xf32, #tpu.memory_space<vmem>>, %arg6: memref<128x128xf32, #tpu.memory_space<vmem>>, %arg7: memref<256x128xf32, #tpu.memory_space<vmem>>, %arg8: memref<256x128xf32, #tpu.memory_space<vmem>>) attributes {dimension_semantics = [#tpu.dimension_semantics<arbitrary>], iteration_bounds = array<i64: 40>, scalar_prefetch = 0 : i64, scratch_operands = 0 : i64, tpu.core_type = #tpu.core_type<tc>, window_params = [{transform_indices = @transform_0, window_bounds = array<i64: 2, 256, 128>}, {transform_indices = @transform_1, window_bounds = array<i64: 2, 256, 1>}, {transform_indices = @transform_2, window_bounds = array<i64: 256, 128>}, {pipeline_mode = #tpu.pipeline_mode<synchronous>, transform_indices = @transform_3, window_bounds = array<i64: 1, 128>}, {pipeline_mode = #tpu.pipeline_mode<synchronous>, transform_indices = @transform_4, window_bounds = array<i64: 128, 128>}, {pipeline_mode = #tpu.pipeline_mode<synchronous>, transform_indices = @transform_5, window_bounds = array<i64: 128, 128>}, {transform_indices = @transform_6, window_bounds = array<i64: 256, 128>}, {transform_indices = @transform_7, window_bounds = array<i64: 256, 128>}]} {
    %get3A = arith.constant 0 : index
    %get3A_0 = arith.constant 0 : index
    %get3A_1 = arith.constant 0 : index
    %get3A_2 = vector.load %arg1[%get3A, %get3A_0, %get3A_1] : memref<2x256x128xf32, #tpu.memory_space<vmem>>, vector<1x256x128xf32>
    %get3A_3 = vector.shape_cast %get3A_2 : vector<1x256x128xf32> to vector<256x128xf32>
    %get3A_4 = arith.constant 1 : index
    %get3A_5 = arith.constant 0 : index
    %get3A_6 = arith.constant 0 : index
    %get3A_7 = vector.load %arg1[%get3A_4, %get3A_5, %get3A_6] : memref<2x256x128xf32, #tpu.memory_space<vmem>>, vector<1x256x128xf32>
    %get3A_8 = vector.shape_cast %get3A_7 : vector<1x256x128xf32> to vector<256x128xf32>
    %add3A = arith.addf %get3A_3, %get3A_8 : vector<256x128xf32>
    %get3A_9 = arith.constant 0 : index
    %get3A_10 = arith.constant 0 : index
    %get3A_11 = arith.constant 0 : index
    %get3A_12 = vector.load %arg2[%get3A_9, %get3A_10, %get3A_11] : memref<2x256x1xf32, #tpu.memory_space<vmem>>, vector<1x256x1xf32>
    %get3A_13 = vector.shape_cast %get3A_12 : vector<1x256x1xf32> to vector<256x1xf32>
    %get3A_14 = arith.constant 1 : index
    %get3A_15 = arith.constant 0 : index
    %get3A_16 = arith.constant 0 : index
    %get3A_17 = vector.load %arg2[%get3A_14, %get3A_15, %get3A_16] : memref<2x256x1xf32, #tpu.memory_space<vmem>>, vector<1x256x1xf32>
    %get3A_18 = vector.shape_cast %get3A_17 : vector<1x256x1xf32> to vector<256x1xf32>
    %add3A_19 = arith.addf %get3A_13, %get3A_18 : vector<256x1xf32>
    %max3A = arith.constant 1.000000e+00 : f32
    %max3A_20 = vector.broadcast %max3A : f32 to vector<256x1xf32>
    %max3A_21 = arith.maximumf %add3A_19, %max3A_20 : vector<256x1xf32>
    %div3A = arith.constant 1.000000e+00 : f32
    %div3A_22 = vector.broadcast %div3A : f32 to vector<256x1xf32>
    %div3A_23 = arith.divf %div3A_22, %max3A_21 : vector<256x1xf32>
    %mul3A = vector.broadcast %div3A_23 : vector<256x1xf32> to vector<256x128xf32>
    %mul3A_24 = arith.mulf %add3A, %mul3A : vector<256x128xf32>
    %get3A_25 = arith.constant 0 : index
    %get3A_26 = arith.constant 0 : index
    %get3A_27 = vector.load %arg4[%get3A_25, %get3A_26] : memref<1x128xf32, #tpu.memory_space<vmem>>, vector<1x128xf32>
    %add3A_28 = vector.broadcast %get3A_27 : vector<1x128xf32> to vector<256x128xf32>
    %add3A_29 = arith.addf %mul3A_24, %add3A_28 : vector<256x128xf32>
    %get3A_30 = arith.constant 0 : index
    %get3A_31 = arith.constant 0 : index
    %get3A_32 = vector.load %arg3[%get3A_30, %get3A_31] : memref<256x128xf32, #tpu.memory_space<vmem>>, vector<256x128xf32>
    %add3A_33 = arith.addf %add3A_29, %get3A_32 : vector<256x128xf32>
    %max3A_34 = arith.constant 0.000000e+00 : f32
    %max3A_35 = vector.broadcast %max3A_34 : f32 to vector<256x128xf32>
    %max3A_36 = arith.maximumf %add3A_33, %max3A_35 : vector<256x128xf32>
    %get3A_37 = arith.constant 0 : index
    %get3A_38 = arith.constant 0 : index
    %get3A_39 = vector.load %arg5[%get3A_37, %get3A_38] : memref<128x128xf32, #tpu.memory_space<vmem>>, vector<128x128xf32>
    %dot_general3A = arith.constant dense<0.000000e+00> : vector<256x128xf32>
    %dot_general3A_40 = tpu.matmul %max3A_36, %get3A_39, %dot_general3A {dimension_numbers = #tpu.dot_dimension_numbers<[1], [0], [0], [1], [0, 0, 1, 1], [], []>, transpose_lhs_hint = false} : vector<256x128xf32>, vector<128x128xf32>, vector<256x128xf32> -> vector<256x128xf32>
    %swap3A = arith.constant 0 : index
    %swap3A_41 = arith.constant 0 : index
    %swap3A_42 = vector.load %arg7[%swap3A, %swap3A_41] : memref<256x128xf32, #tpu.memory_space<vmem>>, vector<256x128xf32>
    tpu.vector_store %arg7[%swap3A, %swap3A_41], %dot_general3A_40 {strides = array<i32>} : memref<256x128xf32, #tpu.memory_space<vmem>>, vector<256x128xf32>,
    %get3A_43 = arith.constant 0 : index
    %get3A_44 = arith.constant 0 : index
    %get3A_45 = vector.load %arg6[%get3A_43, %get3A_44] : memref<128x128xf32, #tpu.memory_space<vmem>>, vector<128x128xf32>
    %dot_general3A_46 = arith.constant dense<0.000000e+00> : vector<256x128xf32>
    %dot_general3A_47 = tpu.matmul %max3A_36, %get3A_45, %dot_general3A_46 {dimension_numbers = #tpu.dot_dimension_numbers<[1], [0], [0], [1], [0, 0, 1, 1], [], []>, transpose_lhs_hint = false} : vector<256x128xf32>, vector<128x128xf32>, vector<256x128xf32> -> vector<256x128xf32>
    %swap3A_48 = arith.constant 0 : index
    %swap3A_49 = arith.constant 0 : index
    %swap3A_50 = vector.load %arg8[%swap3A_48, %swap3A_49] : memref<256x128xf32, #tpu.memory_space<vmem>>, vector<256x128xf32>
    tpu.vector_store %arg8[%swap3A_48, %swap3A_49], %dot_general3A_47 {strides = array<i32>} : memref<256x128xf32, #tpu.memory_space<vmem>>, vector<256x128xf32>,
    return
  }
  func.func @transform_0(%arg0: i32) -> (i32, i32, i32) {
    %c0_i32 = arith.constant 0 : i32
    %c0_i32_0 = arith.constant 0 : i32
    %c0_i32_1 = arith.constant 0 : i32
    return %c0_i32, %arg0, %c0_i32_0 : i32, i32, i32
  }
  func.func @transform_1(%arg0: i32) -> (i32, i32, i32) {
    %c0_i32 = arith.constant 0 : i32
    %c0_i32_0 = arith.constant 0 : i32
    %c0_i32_1 = arith.constant 0 : i32
    return %c0_i32, %arg0, %c0_i32_0 : i32, i32, i32
  }
  func.func @transform_2(%arg0: i32) -> (i32, i32) {
    %c0_i32 = arith.constant 0 : i32
    %c0_i32_0 = arith.constant 0 : i32
    return %arg0, %c0_i32 : i32, i32
  }
  func.func @transform_3(%arg0: i32) -> (i32, i32) {
    %c0_i32 = arith.constant 0 : i32
    %c0_i32_0 = arith.constant 0 : i32
    %c0_i32_1 = arith.constant 0 : i32
    return %c0_i32, %c0_i32_0 : i32, i32
  }
  func.func @transform_4(%arg0: i32) -> (i32, i32) {
    %c0_i32 = arith.constant 0 : i32
    %c0_i32_0 = arith.constant 0 : i32
    %c0_i32_1 = arith.constant 0 : i32
    return %c0_i32, %c0_i32_0 : i32, i32
  }
  func.func @transform_5(%arg0: i32) -> (i32, i32) {
    %c0_i32 = arith.constant 0 : i32
    %c0_i32_0 = arith.constant 0 : i32
    %c0_i32_1 = arith.constant 0 : i32
    return %c0_i32, %c0_i32_0 : i32, i32
  }
  func.func @transform_6(%arg0: i32) -> (i32, i32) {
    %c0_i32 = arith.constant 0 : i32
    %c0_i32_0 = arith.constant 0 : i32
    return %arg0, %c0_i32 : i32, i32
  }
  func.func @transform_7(%arg0: i32) -> (i32, i32) {
    %c0_i32 = arith.constant 0 : i32
    %c0_i32_0 = arith.constant 0 : i32
    return %arg0, %c0_i32 : i32, i32
  }
}

module attributes {stable_mosaic.version = 14 : i64} {
  func.func @body(%arg0: i32, %arg1: memref<2x256x128xf32, #tpu.memory_space<vmem>>, %arg2: memref<2x256x1xf32, #tpu.memory_space<vmem>>, %arg3: memref<256x128xf32, #tpu.memory_space<vmem>>, %arg4: memref<1x128xf32, #tpu.memory_space<vmem>>, %arg5: memref<256x1xi32, #tpu.memory_space<vmem>>, %arg6: memref<128x128xf32, #tpu.memory_space<vmem>>, %arg7: memref<1x128xf32, #tpu.memory_space<vmem>>, %arg8: memref<64x128xf32, #tpu.memory_space<vmem>>, %arg9: memref<64x128xf32, #tpu.memory_space<vmem>>) attributes {dimension_semantics = [#tpu.dimension_semantics<arbitrary>], iteration_bounds = array<i64: 40>, scalar_prefetch = 0 : i64, scratch_operands = 1 : i64, tpu.core_type = #tpu.core_type<tc>, window_params = [{transform_indices = @transform_0, window_bounds = array<i64: 2, 256, 128>}, {transform_indices = @transform_1, window_bounds = array<i64: 2, 256, 1>}, {transform_indices = @transform_2, window_bounds = array<i64: 256, 128>}, {pipeline_mode = #tpu.pipeline_mode<synchronous>, transform_indices = @transform_3, window_bounds = array<i64: 1, 128>}, {transform_indices = @transform_4, window_bounds = array<i64: 256, 1>}, {pipeline_mode = #tpu.pipeline_mode<synchronous>, transform_indices = @transform_5, window_bounds = array<i64: 128, 128>}, {pipeline_mode = #tpu.pipeline_mode<synchronous>, transform_indices = @transform_6, window_bounds = array<i64: 1, 128>}, {pipeline_mode = #tpu.pipeline_mode<synchronous>, transform_indices = @transform_7, window_bounds = array<i64: 64, 128>}]} {
    %eq3A = arith.constant 0 : i32
    %eq3A_0 = arith.cmpi eq, %arg0, %eq3A : i32
    %convert_element_type3A = arith.extui %eq3A_0 : i1 to i32
    %cond3A = arith.constant 0 : i32
    %cond3A_1 = arith.cmpi ne, %convert_element_type3A, %cond3A : i32
    scf.if %cond3A_1 {
      %broadcast_in_dim3A = arith.constant 0xFF800000 : f32
      %broadcast_in_dim3A_66 = vector.broadcast %broadcast_in_dim3A : f32 to vector<64x128xf32>
      %swap3A = arith.constant 0 : index
      %swap3A_67 = arith.constant 0 : index
      %swap3A_68 = vector.load %arg9[%swap3A, %swap3A_67] : memref<64x128xf32, #tpu.memory_space<vmem>>, vector<64x128xf32>
      tpu.vector_store %arg9[%swap3A, %swap3A_67], %broadcast_in_dim3A_66 {strides = array<i32>} : memref<64x128xf32, #tpu.memory_space<vmem>>, vector<64x128xf32>,
    } else {
    }
    %get3A = arith.constant 0 : index
    %get3A_2 = arith.constant 0 : index
    %get3A_3 = arith.constant 0 : index
    %get3A_4 = vector.load %arg1[%get3A, %get3A_2, %get3A_3] : memref<2x256x128xf32, #tpu.memory_space<vmem>>, vector<1x256x128xf32>
    %get3A_5 = vector.shape_cast %get3A_4 : vector<1x256x128xf32> to vector<256x128xf32>
    %get3A_6 = arith.constant 1 : index
    %get3A_7 = arith.constant 0 : index
    %get3A_8 = arith.constant 0 : index
    %get3A_9 = vector.load %arg1[%get3A_6, %get3A_7, %get3A_8] : memref<2x256x128xf32, #tpu.memory_space<vmem>>, vector<1x256x128xf32>
    %get3A_10 = vector.shape_cast %get3A_9 : vector<1x256x128xf32> to vector<256x128xf32>
    %add3A = arith.addf %get3A_5, %get3A_10 : vector<256x128xf32>
    %get3A_11 = arith.constant 0 : index
    %get3A_12 = arith.constant 0 : index
    %get3A_13 = arith.constant 0 : index
    %get3A_14 = vector.load %arg2[%get3A_11, %get3A_12, %get3A_13] : memref<2x256x1xf32, #tpu.memory_space<vmem>>, vector<1x256x1xf32>
    %get3A_15 = vector.shape_cast %get3A_14 : vector<1x256x1xf32> to vector<256x1xf32>
    %get3A_16 = arith.constant 1 : index
    %get3A_17 = arith.constant 0 : index
    %get3A_18 = arith.constant 0 : index
    %get3A_19 = vector.load %arg2[%get3A_16, %get3A_17, %get3A_18] : memref<2x256x1xf32, #tpu.memory_space<vmem>>, vector<1x256x1xf32>
    %get3A_20 = vector.shape_cast %get3A_19 : vector<1x256x1xf32> to vector<256x1xf32>
    %add3A_21 = arith.addf %get3A_15, %get3A_20 : vector<256x1xf32>
    %max3A = arith.constant 1.000000e+00 : f32
    %max3A_22 = vector.broadcast %max3A : f32 to vector<256x1xf32>
    %max3A_23 = arith.maximumf %add3A_21, %max3A_22 : vector<256x1xf32>
    %div3A = arith.constant 1.000000e+00 : f32
    %div3A_24 = vector.broadcast %div3A : f32 to vector<256x1xf32>
    %div3A_25 = arith.divf %div3A_24, %max3A_23 : vector<256x1xf32>
    %mul3A = vector.broadcast %div3A_25 : vector<256x1xf32> to vector<256x128xf32>
    %mul3A_26 = arith.mulf %add3A, %mul3A : vector<256x128xf32>
    %get3A_27 = arith.constant 0 : index
    %get3A_28 = arith.constant 0 : index
    %get3A_29 = vector.load %arg4[%get3A_27, %get3A_28] : memref<1x128xf32, #tpu.memory_space<vmem>>, vector<1x128xf32>
    %add3A_30 = vector.broadcast %get3A_29 : vector<1x128xf32> to vector<256x128xf32>
    %add3A_31 = arith.addf %mul3A_26, %add3A_30 : vector<256x128xf32>
    %get3A_32 = arith.constant 0 : index
    %get3A_33 = arith.constant 0 : index
    %get3A_34 = vector.load %arg3[%get3A_32, %get3A_33] : memref<256x128xf32, #tpu.memory_space<vmem>>, vector<256x128xf32>
    %add3A_35 = arith.addf %add3A_31, %get3A_34 : vector<256x128xf32>
    %max3A_36 = arith.constant 0.000000e+00 : f32
    %max3A_37 = vector.broadcast %max3A_36 : f32 to vector<256x128xf32>
    %max3A_38 = arith.maximumf %add3A_35, %max3A_37 : vector<256x128xf32>
    %get3A_39 = arith.constant 0 : index
    %get3A_40 = arith.constant 0 : index
    %get3A_41 = vector.load %arg5[%get3A_39, %get3A_40] : memref<256x1xi32, #tpu.memory_space<vmem>>, vector<256x1xi32>
    %reduce_min3A = vector.shape_cast %get3A_41 : vector<256x1xi32> to vector<1x256x1xi32>
    %reduce_min3A_42 = arith.constant dense<2147483647> : vector<1xi32>
    %reduce_min3A_43 = vector.multi_reduction <minsi>, %reduce_min3A, %reduce_min3A_42 [1, 2] : vector<1x256x1xi32> to vector<1xi32>
    %reduce_min3A_44 = vector.shape_cast %reduce_min3A_43 : vector<1xi32> to vector<1x1x1xi32>
    %reduce_min3A_45 = vector.extract %reduce_min3A_44[0, 0, 0] : i32 from vector<1x1x1xi32>
    %reduce_max3A = vector.shape_cast %get3A_41 : vector<256x1xi32> to vector<1x256x1xi32>
    %reduce_max3A_46 = arith.constant dense<-2147483648> : vector<1xi32>
    %reduce_max3A_47 = vector.multi_reduction <maxsi>, %reduce_max3A, %reduce_max3A_46 [1, 2] : vector<1x256x1xi32> to vector<1xi32>
    %reduce_max3A_48 = vector.shape_cast %reduce_max3A_47 : vector<1xi32> to vector<1x1x1xi32>
    %reduce_max3A_49 = vector.extract %reduce_max3A_48[0, 0, 0] : i32 from vector<1x1x1xi32>
    %min3A = arith.constant 63 : i32
    %min3A_50 = arith.minsi %reduce_max3A_49, %min3A : i32
    %iota3A = tpu.iota {dimensions = array<i32: 0>} : vector<64x128xi32>
    %add3A_51 = arith.constant 1 : i32
    %add3A_52 = arith.addi %min3A_50, %add3A_51 : i32
    %while3A = arith.constant 0 : i32
    %while3A_53 = arith.subi %add3A_52, %reduce_min3A_45 : i32
    %while3A_54 = arith.addi %reduce_min3A_45, %while3A_53 : i32
    %while3A_55 = arith.constant 1 : i32
    %while3A_56 = arith.divsi %while3A_53, %while3A_55 : i32
    %while3A_57 = arith.muli %while3A_56, %while3A_55 : i32
    %while3A_58 = arith.addi %reduce_min3A_45, %while3A_57 : i32
    %while3A_59 = arith.constant 1 : i32
    scf.for %while3A_66 = %reduce_min3A_45 to %while3A_58 step %while3A_59  : i32 {
      %eq3A_67 = vector.broadcast %while3A_66 : i32 to vector<256x1xi32>
      %eq3A_68 = arith.cmpi eq, %get3A_41, %eq3A_67 : vector<256x1xi32>
      %jit3A = arith.constant 0xFF800000 : f32
      %broadcast_in_dim3A = vector.shape_cast %eq3A_68 : vector<256x1xi1> to vector<256x1xi1>
      %broadcast_in_dim3A_69 = vector.broadcast %broadcast_in_dim3A : vector<256x1xi1> to vector<256x128xi1>
      %broadcast_in_dim3A_70 = vector.broadcast %jit3A : f32 to vector<256x128xf32>
      %select_n3A = arith.select %broadcast_in_dim3A_69, %max3A_38, %broadcast_in_dim3A_70 : vector<256x128xi1>, vector<256x128xf32>
      %reduce_max3A_71 = arith.constant dense<0xFF800000> : vector<128xf32>
      %reduce_max3A_72 = vector.multi_reduction <maximumf>, %select_n3A, %reduce_max3A_71 [0] : vector<256x128xf32> to vector<128xf32>
      %broadcast_in_dim3A_73 = vector.shape_cast %reduce_max3A_72 : vector<128xf32> to vector<1x128xf32>
      %eq3A_74 = vector.broadcast %while3A_66 : i32 to vector<64x128xi32>
      %eq3A_75 = arith.cmpi eq, %iota3A, %eq3A_74 : vector<64x128xi32>
      %jit3A_76 = arith.constant 0xFF800000 : f32
      %broadcast_in_dim3A_77 = vector.shape_cast %broadcast_in_dim3A_73 : vector<1x128xf32> to vector<1x128xf32>
      %broadcast_in_dim3A_78 = vector.broadcast %broadcast_in_dim3A_77 : vector<1x128xf32> to vector<64x128xf32>
      %broadcast_in_dim3A_79 = vector.broadcast %jit3A_76 : f32 to vector<64x128xf32>
      %select_n3A_80 = arith.select %eq3A_75, %broadcast_in_dim3A_78, %broadcast_in_dim3A_79 : vector<64x128xi1>, vector<64x128xf32>
      %get3A_81 = arith.constant 0 : index
      %get3A_82 = arith.constant 0 : index
      %get3A_83 = vector.load %arg9[%get3A_81, %get3A_82] : memref<64x128xf32, #tpu.memory_space<vmem>>, vector<64x128xf32>
      %max3A_84 = arith.maximumf %get3A_83, %select_n3A_80 : vector<64x128xf32>
      %swap3A = arith.constant 0 : index
      %swap3A_85 = arith.constant 0 : index
      %swap3A_86 = vector.load %arg9[%swap3A, %swap3A_85] : memref<64x128xf32, #tpu.memory_space<vmem>>, vector<64x128xf32>
      tpu.vector_store %arg9[%swap3A, %swap3A_85], %max3A_84 {strides = array<i32>} : memref<64x128xf32, #tpu.memory_space<vmem>>, vector<64x128xf32>,
    }
    %while3A_60 = arith.constant 1 : i32
    scf.for %while3A_66 = %while3A_58 to %while3A_54 step %while3A_60  : i32 {
      %eq3A_67 = vector.broadcast %while3A_66 : i32 to vector<256x1xi32>
      %eq3A_68 = arith.cmpi eq, %get3A_41, %eq3A_67 : vector<256x1xi32>
      %jit3A = arith.constant 0xFF800000 : f32
      %broadcast_in_dim3A = vector.shape_cast %eq3A_68 : vector<256x1xi1> to vector<256x1xi1>
      %broadcast_in_dim3A_69 = vector.broadcast %broadcast_in_dim3A : vector<256x1xi1> to vector<256x128xi1>
      %broadcast_in_dim3A_70 = vector.broadcast %jit3A : f32 to vector<256x128xf32>
      %select_n3A = arith.select %broadcast_in_dim3A_69, %max3A_38, %broadcast_in_dim3A_70 : vector<256x128xi1>, vector<256x128xf32>
      %reduce_max3A_71 = arith.constant dense<0xFF800000> : vector<128xf32>
      %reduce_max3A_72 = vector.multi_reduction <maximumf>, %select_n3A, %reduce_max3A_71 [0] : vector<256x128xf32> to vector<128xf32>
      %broadcast_in_dim3A_73 = vector.shape_cast %reduce_max3A_72 : vector<128xf32> to vector<1x128xf32>
      %eq3A_74 = vector.broadcast %while3A_66 : i32 to vector<64x128xi32>
      %eq3A_75 = arith.cmpi eq, %iota3A, %eq3A_74 : vector<64x128xi32>
      %jit3A_76 = arith.constant 0xFF800000 : f32
      %broadcast_in_dim3A_77 = vector.shape_cast %broadcast_in_dim3A_73 : vector<1x128xf32> to vector<1x128xf32>
      %broadcast_in_dim3A_78 = vector.broadcast %broadcast_in_dim3A_77 : vector<1x128xf32> to vector<64x128xf32>
      %broadcast_in_dim3A_79 = vector.broadcast %jit3A_76 : f32 to vector<64x128xf32>
      %select_n3A_80 = arith.select %eq3A_75, %broadcast_in_dim3A_78, %broadcast_in_dim3A_79 : vector<64x128xi1>, vector<64x128xf32>
      %get3A_81 = arith.constant 0 : index
      %get3A_82 = arith.constant 0 : index
      %get3A_83 = vector.load %arg9[%get3A_81, %get3A_82] : memref<64x128xf32, #tpu.memory_space<vmem>>, vector<64x128xf32>
      %max3A_84 = arith.maximumf %get3A_83, %select_n3A_80 : vector<64x128xf32>
      %swap3A = arith.constant 0 : index
      %swap3A_85 = arith.constant 0 : index
      %swap3A_86 = vector.load %arg9[%swap3A, %swap3A_85] : memref<64x128xf32, #tpu.memory_space<vmem>>, vector<64x128xf32>
      tpu.vector_store %arg9[%swap3A, %swap3A_85], %max3A_84 {strides = array<i32>} : memref<64x128xf32, #tpu.memory_space<vmem>>, vector<64x128xf32>,
    }
    %eq3A_61 = arith.constant 39 : i32
    %eq3A_62 = arith.cmpi eq, %arg0, %eq3A_61 : i32
    %convert_element_type3A_63 = arith.extui %eq3A_62 : i1 to i32
    %cond3A_64 = arith.constant 0 : i32
    %cond3A_65 = arith.cmpi ne, %convert_element_type3A_63, %cond3A_64 : i32
    scf.if %cond3A_65 {
      %get3A_66 = arith.constant 0 : index
      %get3A_67 = arith.constant 0 : index
      %get3A_68 = vector.load %arg9[%get3A_66, %get3A_67] : memref<64x128xf32, #tpu.memory_space<vmem>>, vector<64x128xf32>
      %get3A_69 = arith.constant 0 : index
      %get3A_70 = arith.constant 0 : index
      %get3A_71 = vector.load %arg6[%get3A_69, %get3A_70] : memref<128x128xf32, #tpu.memory_space<vmem>>, vector<128x128xf32>
      %dot_general3A = arith.constant dense<0.000000e+00> : vector<64x128xf32>
      %dot_general3A_72 = tpu.matmul %get3A_68, %get3A_71, %dot_general3A {dimension_numbers = #tpu.dot_dimension_numbers<[1], [0], [0], [1], [0, 0, 1, 1], [], []>, transpose_lhs_hint = false} : vector<64x128xf32>, vector<128x128xf32>, vector<64x128xf32> -> vector<64x128xf32>
      %get3A_73 = arith.constant 0 : index
      %get3A_74 = arith.constant 0 : index
      %get3A_75 = vector.load %arg7[%get3A_73, %get3A_74] : memref<1x128xf32, #tpu.memory_space<vmem>>, vector<1x128xf32>
      %add3A_76 = vector.broadcast %get3A_75 : vector<1x128xf32> to vector<64x128xf32>
      %add3A_77 = arith.addf %dot_general3A_72, %add3A_76 : vector<64x128xf32>
      %iota3A_78 = tpu.iota {dimensions = array<i32: 1>} : vector<64x128xi32>
      %lt3A = arith.constant 2 : i32
      %lt3A_79 = vector.broadcast %lt3A : i32 to vector<64x128xi32>
      %lt3A_80 = arith.cmpi slt, %iota3A_78, %lt3A_79 : vector<64x128xi32>
      %jit3A = arith.constant 0xFF800000 : f32
      %broadcast_in_dim3A = vector.broadcast %jit3A : f32 to vector<64x128xf32>
      %select_n3A = arith.select %lt3A_80, %add3A_77, %broadcast_in_dim3A : vector<64x128xi1>, vector<64x128xf32>
      %reduce_max3A_81 = arith.constant dense<0xFF800000> : vector<64xf32>
      %reduce_max3A_82 = vector.multi_reduction <maximumf>, %select_n3A, %reduce_max3A_81 [1] : vector<64x128xf32> to vector<64xf32>
      %broadcast_in_dim3A_83 = vector.shape_cast %reduce_max3A_82 : vector<64xf32> to vector<64x1xf32>
      %sub3A = vector.broadcast %broadcast_in_dim3A_83 : vector<64x1xf32> to vector<64x128xf32>
      %sub3A_84 = arith.subf %select_n3A, %sub3A : vector<64x128xf32>
      %exp3A = math.exp %sub3A_84 : vector<64x128xf32>
      %jit3A_85 = arith.constant 0.000000e+00 : f32
      %broadcast_in_dim3A_86 = vector.broadcast %jit3A_85 : f32 to vector<64x128xf32>
      %select_n3A_87 = arith.select %lt3A_80, %exp3A, %broadcast_in_dim3A_86 : vector<64x128xi1>, vector<64x128xf32>
      %reduce_sum3A = arith.constant dense<0.000000e+00> : vector<64xf32>
      %reduce_sum3A_88 = vector.multi_reduction <add>, %select_n3A_87, %reduce_sum3A [1] : vector<64x128xf32> to vector<64xf32>
      %broadcast_in_dim3A_89 = vector.shape_cast %reduce_sum3A_88 : vector<64xf32> to vector<64x1xf32>
      %log3A = math.log %broadcast_in_dim3A_89 : vector<64x1xf32>
      %add3A_90 = arith.addf %log3A, %broadcast_in_dim3A_83 : vector<64x1xf32>
      %sub3A_91 = vector.broadcast %add3A_90 : vector<64x1xf32> to vector<64x128xf32>
      %sub3A_92 = arith.subf %select_n3A, %sub3A_91 : vector<64x128xf32>
      %swap3A = arith.constant 0 : index
      %swap3A_93 = arith.constant 0 : index
      %swap3A_94 = vector.load %arg8[%swap3A, %swap3A_93] : memref<64x128xf32, #tpu.memory_space<vmem>>, vector<64x128xf32>
      tpu.vector_store %arg8[%swap3A, %swap3A_93], %sub3A_92 {strides = array<i32>} : memref<64x128xf32, #tpu.memory_space<vmem>>, vector<64x128xf32>,
    } else {
    }
    return
  }
  func.func @transform_0(%arg0: i32) -> (i32, i32, i32) {
    %c0_i32 = arith.constant 0 : i32
    %c0_i32_0 = arith.constant 0 : i32
    %c0_i32_1 = arith.constant 0 : i32
    return %c0_i32, %arg0, %c0_i32_0 : i32, i32, i32
  }
  func.func @transform_1(%arg0: i32) -> (i32, i32, i32) {
    %c0_i32 = arith.constant 0 : i32
    %c0_i32_0 = arith.constant 0 : i32
    %c0_i32_1 = arith.constant 0 : i32
    return %c0_i32, %arg0, %c0_i32_0 : i32, i32, i32
  }
  func.func @transform_2(%arg0: i32) -> (i32, i32) {
    %c0_i32 = arith.constant 0 : i32
    %c0_i32_0 = arith.constant 0 : i32
    return %arg0, %c0_i32 : i32, i32
  }
  func.func @transform_3(%arg0: i32) -> (i32, i32) {
    %c0_i32 = arith.constant 0 : i32
    %c0_i32_0 = arith.constant 0 : i32
    %c0_i32_1 = arith.constant 0 : i32
    return %c0_i32, %c0_i32_0 : i32, i32
  }
  func.func @transform_4(%arg0: i32) -> (i32, i32) {
    %c0_i32 = arith.constant 0 : i32
    %c0_i32_0 = arith.constant 0 : i32
    return %arg0, %c0_i32 : i32, i32
  }
  func.func @transform_5(%arg0: i32) -> (i32, i32) {
    %c0_i32 = arith.constant 0 : i32
    %c0_i32_0 = arith.constant 0 : i32
    %c0_i32_1 = arith.constant 0 : i32
    return %c0_i32, %c0_i32_0 : i32, i32
  }
  func.func @transform_6(%arg0: i32) -> (i32, i32) {
    %c0_i32 = arith.constant 0 : i32
    %c0_i32_0 = arith.constant 0 : i32
    %c0_i32_1 = arith.constant 0 : i32
    return %c0_i32, %c0_i32_0 : i32, i32
  }
  func.func @transform_7(%arg0: i32) -> (i32, i32) {
    %c0_i32 = arith.constant 0 : i32
    %c0_i32_0 = arith.constant 0 : i32
    %c0_i32_1 = arith.constant 0 : i32
    return %c0_i32, %c0_i32_0 : i32, i32
  }
}

</mosaic_0001>

<sc_bundles>
// kernel: kernel.11.cloned.1.call-start
scs
__scs_entry_jumppad:
0x0: {  	(pc) =	sbr.rel $0x88, $3  }
0x1: {  	(tag) =	ssettag $0x0;
	lr =	simm.s32 $0x1  }
0x2: {  	[smem:$0x3F96] =	sst lr;
	_ =	strace $0xD0000000  }
0x3: {  	_ = 	snop  }
0x4: {  	_ = 	snop  }
0x5: {  	_ = 	snop  }
0x6: {  	_ = 	snop  }
0x7: {  	_ = 	snop  }
__scs_overlays_trampoline_lowered:
0x8: {  	[smem:$0x3FA5] =	sst s0  }
0x9: {  	[smem:$0x3FA6] =	sst s1  }
0xa: {  	[smem:$0x3FA7] =	sst s2  }
0xb: {  	[smem:$0x3FA8] =	sst s3  }
0xc: {  	[smem:$0x3FA9] =	sst s4  }
0xd: {  	[smem:$0x3FAA] =	sst s5  }
0xe: {  	[smem:$0x3FAB] =	sst s6  }
0xf: {  	[smem:$0x3FAC] =	sst s7  }
0x10: {  	[smem:$0x3FAD] =	sst s8  }
0x11: {  	[smem:$0x3FAE] =	sst s9;
	s0 =	simm.s32 @!p0 $0x0  }
0x12: {  	s1 =	sld [smem:$0x3F94];
	s0 =	simm.s32 @p0 $0x1  }
0x13: {  	[smem:$0x3FAF] =	sst s0;
	s0 =	simm.s32 @!p1 $0x0  }
0x14: {  	s2 =	sld [smem:$0x3F93];
	s0 =	simm.s32 @p1 $0x1  }
0x15: {  	[smem:$0x3FB0] =	sst s0;
	s0 =	simm.s32 @!p2 $0x0  }
0x16: {  	s3 =	sld [smem:$0x3FDB];
	s0 =	simm.s32 @p2 $0x1  }
0x17: {  	s4 =	simm.s32 $0x1BF5;
	[smem:$0x3FB2] =	sst s0  }
0x18: {  	s0 =	sld [smem:$0x3F95];
	_ =	swait.ge [sflag:s4], $0x0  }
0x19: {  	s7 =	sld [smem:$0x3F96]  }
0x1a: {  	s8 =	sadd.s32 $0xFFFFE003, lr  }
0x1b: {  	s9 =	sadd.s32 $0xFFFFFEF7, lr;
	s5 =	simm.s32 $0xFFFFFFFF;
	p2 =	slt.u32 s8, $0xFFFFF086  }
0x1c: {  	p1 =	slt.u32 s9, $0xF7A;
	s5 =	simm.s32 @!p2 $0x0  }
0x1d: {  	s5 =	simm.s32 @p1 $0x1;
	p0 =	seq.s32 s7, s2  }
0x1e: {  	s7 =	smul.u32 @!p0 $0xF7A, s2;
	p2 =	seq.s32 @!p0 s5, $0x0  }
0x1f: {  	s9 =	smul.u32 $0xF7A, s1;
	s8 =	simm.s32 @!p0 $0x1BF5;
	p2 =	por !p2, p0  }
0x20: {  	[sflag:s8] =	ssyncset.s32 @!p0 $0xFFFFF086;
	s6 =	sadd.s32 @!p0 s3, s7;
	s7 =	simm.s32 @!p0 $0x108  }
0x21: {  	s3 =	sadd.s32 s3, s9;
	s6 =	sadd.s32 @!p0 $0x88, s6;
	s7 =	simm.s32 @p2 $0x1082  }
0x22: {  	[simem:s7], [sflag:s8] =	dma.local @!p0 [hbm:s6], $0xF7A  }
0x23: {  	s9 =	sor.u32 $0xD0000000, s2;
	s6 =	simm.s32 $0x108;
	_ =	swait.ge @!p0 [sflag:s8], $0x0  }
0x24: {  	s3 =	sadd.s32 $0x88, s3;
	s6 =	simm.s32 @!p1 $0x1082;
	[sflag:s4] =	ssyncset.s32 $0xFFFFF086  }
0x25: {  	[simem:s6], [sflag:s4] =	dma.local [hbm:s3], $0xF7A  }
0x26: {  	[smem:$0x3F96] =	sst s1;
	(tag) =	ssettag s2;
	_ =	strace s9  }
0x27: {  	s1 =	sld [smem:$0x3FA6]  }
0x28: {  	s2 =	sld [smem:$0x3FA7]  }
0x29: {  	s4 =	sld [smem:$0x3FA9]  }
0x2a: {  	p0 =	seq.s32 s5, $0x0;
	s5 =	sld [smem:$0x3FAA]  }
0x2b: {  	s6 =	sld [smem:$0x3FAB]  }
0x2c: {  	s7 =	sld [smem:$0x3FAC]  }
0x2d: {  	s3 =	simm.s32 $0x108;
	s8 =	sld [smem:$0x3FAD]  }
0x2e: {  	s3 =	simm.s32 @!p0 $0x1082;
	s9 =	sld [smem:$0x3FAE]  }
0x2f: {  	lr =	sadd.s32 s0, s3;
	s0 =	sld [smem:$0x3FA5]  }
0x30: {  	s3 =	sld [smem:$0x3FA8]  }
0x31: {  	[smem:$0x3FB1] =	sst s10  }
0x32: {  	s10 =	sld [smem:$0x3FAF];
	_ =	sdelay $0x3  }
0x33: {  	p0 =	seq.s32 s10, $0x1;
	s10 =	sld [smem:$0x3FB1];
	_ =	sdelay $0x3  }
0x34: {  	[smem:$0x3FB1] =	sst s10  }
0x35: {  	s10 =	sld [smem:$0x3FB0];
	_ =	sdelay $0x3  }
0x36: {  	p1 =	seq.s32 s10, $0x1;
	s10 =	sld [smem:$0x3FB1];
	_ =	sdelay $0x3  }
0x37: {  	[smem:$0x3FB1] =	sst s10  }
0x38: {  	s10 =	sld [smem:$0x3FB2]  }
0x39: {  	_ = 	snop;
	(pc) =	sbr.ind lr, $3  }
0x3a: {  	_ = 	snop  }
0x3b: {  	_ = 	snop  }
0x3c: {  	p2 =	seq.s32 s10, $0x1;
	s10 =	sld [smem:$0x3FB1]  }
0x3d: {  	_ =	shalt  }
0x3e: {  	_ =	shalt  }
0x3f: {  	_ =	shalt  }
0x40: {  	_ =	shalt  }
0x41: {  	_ =	shalt  }
0x42: {  	_ =	shalt  }
0x43: {  	_ =	shalt  }
0x44: {  	_ =	shalt  }
0x45: {  	_ =	shalt  }
0x46: {  	_ =	shalt  }
0x47: {  	_ =	shalt  }
0x48: {  	_ =	shalt  }
0x49: {  	_ =	shalt  }
0x4a: {  	_ =	shalt  }
0x4b: {  	_ =	shalt  }
0x4c: {  	_ =	shalt  }
0x4d: {  	_ =	shalt  }
0x4e: {  	_ =	shalt  }
0x4f: {  	_ =	shalt  }
0x50: {  	_ =	shalt  }
0x51: {  	_ =	shalt  }
0x52: {  	_ =	shalt  }
0x53: {  	_ =	shalt  }
0x54: {  	_ =	shalt  }
0x55: {  	_ =	shalt  }
0x56: {  	_ =	shalt  }
0x57: {  	_ =	shalt  }
0x58: {  	_ =	shalt  }
0x59: {  	_ =	shalt  }
0x5a: {  	_ =	shalt  }
0x5b: {  	_ =	shalt  }
0x5c: {  	_ =	shalt  }
0x5d: {  	_ =	shalt  }
0x5e: {  	_ =	shalt  }
0x5f: {  	_ =	shalt  }
0x60: {  	_ =	shalt  }
0x61: {  	_ =	shalt  }
0x62: {  	_ =	shalt  }
0x63: {  	_ =	shalt  }
0x64: {  	_ =	shalt  }
0x65: {  	_ =	shalt  }
0x66: {  	_ =	shalt  }
0x67: {  	_ =	shalt  }
0x68: {  	_ =	shalt  }
0x69: {  	_ =	shalt  }
0x6a: {  	_ =	shalt  }
0x6b: {  	_ =	shalt  }
0x6c: {  	_ =	shalt  }
0x6d: {  	_ =	shalt  }
0x6e: {  	_ =	shalt  }
0x6f: {  	_ =	shalt  }
0x70: {  	_ =	shalt  }
0x71: {  	_ =	shalt  }
0x72: {  	_ =	shalt  }
0x73: {  	_ =	shalt  }
0x74: {  	_ =	shalt  }
0x75: {  	_ =	shalt  }
0x76: {  	_ =	shalt  }
0x77: {  	_ =	shalt  }
0x78: {  	_ =	shalt  }
0x79: {  	_ =	shalt  }
0x7a: {  	_ =	shalt  }
0x7b: {  	_ =	shalt  }
0x7c: {  	_ =	shalt  }
0x7d: {  	_ =	shalt  }
0x7e: {  	_ =	shalt  }
0x7f: {  	_ =	shalt  }
0x80: {  	_ =	shalt  }
0x81: {  	_ =	shalt  }
0x82: {  	_ =	shalt  }
0x83: {  	_ =	shalt  }
0x84: {  	_ =	shalt  }
0x85: {  	_ =	shalt  }
0x86: {  	_ =	shalt  }
0x87: {  	_ =	shalt  }
.Lfunc_end0:
.L_simem_size_0:
called_computation.1_lowered:
.L_overlay_start_0:
0x88: {  	s2 =	sld [smem:$0x3FD9]  }
0x89: {  	s3 =	sld [smem:$0x3FFE];
	_ =	sdelay $0x1  }
0x8a: {  	s1 =	srdreg.scid  }
0x8b: {  	s0 =	sand.u32 $0x1, s1  }
0x8c: {  	s16 =	sshll.u32 s0, $0xA;
	s2 =	sadd.s32 s3, s2  }
0x8d: {  	s2 =	sadd.s32 s2, s16  }
0x8e: {  	[smem:$0x3FBD] =	sst s2  }
0x8f: {  	_ = 	snop  }
0x90: {  	(tm) =	ssettm $0x1  }
0x91: {  	s17 =	sld [smem:$0x3FFB];
	_ =	sdelay $0x3  }
0x92: {  	_ =	strace s17  }
0x93: {  	s2 =	sld [smem:$0x3FFC];
	_ =	sdelay $0x3  }
0x94: {  	_ =	strace s2  }
0x95: {  	s2 =	sld [smem:$0x3FFD];
	_ =	sdelay $0x3  }
0x96: {  	_ =	strace s2  }
0x97: {  	_ =	strace $0x8FFFFFFF  }
0x98: {  	s18 =	sld [smem:$0x3FDB];
	_ =	sdelay $0x1  }
0x99: {  	s19 =	simm.s32 $_scs_section_size  }
0x9a: {  	s4 =	simm.s32 $_size__tile_overlayer_lowered;
	s5 =	simm.s32 $_tile_overlayer_lowered  }
0x9b: {  	s22 =	simm.s32 $0x1BFF;
	s21 =	sshll.u32 s5, $0x1;
	s2 =	sadd.s32 s19, s18  }
0x9c: {  	s6 =	simm.s32 $0x0;
	s20 =	sshll.u32 s4, $0x1;
	s4 =	sadd.s32 s21, s2  }
0x9d: {  	[timem:s6], [sflag:s22] =	dma.local [hbm:s4], s20  }
0x9e: {  	_ =	swait.ge [sflag:s22], s20  }
0x9f: {  	s3 =	ssub.s32 $0x0, s20;
	[sflag:s22] =	ssyncset.done $0x0  }
0xa0: {  	[sflag:s22] =	ssyncadd.s32 s3;
	_ =	sdelay $0x1  }
0xa1: {  	s23 =	simm.s32 $0x1B8B  }
0xa2: {  	_ =	swait.ge [sflag:s23], $0x1  }
0xa3: {  	[sflag:s23] =	ssyncset.done $0x0  }
0xa4: {  	s25 =	simm.s32 $0x1B8E;
	s24 =	sld [smem:$0x3FFE];
	[sflag:s23] =	ssyncadd.s32 $0xFFFFFFFF  }
0xa5: {  	s26 =	simm.s32 $execute0_lowered;
	[smem:$0x3FD2] =	sst s25  }
0xa6: {  	s4 =	sshll.u32 s26, $0x1;
	_ =	strace $0x80000046;
	[dreg:$0x1] =	wrdreg $0xFFFFFFFF  }
0xa7: {  	s28 =	simm.s32 $_size_execute0_lowered;
	s2 =	sadd.s32 s2, s4;
	[dreg:$0x0] =	wrdreg $0x0  }
0xa8: {  	s4 =	sshll.u32 s28, $0x1;
	[dreg:$0x2] =	wrdreg s2  }
0xa9: {  	[dreg:$0x3] =	wrdreg s4  }
0xaa: {  	[dreg:$0x4] =	wrdreg $0xC0  }
0xab: {  	_ =	task [dreg:s6], $0x5FFFF  }
0xac: {  	[dreg:$0x1] =	wrdreg $0xFFFFFFFF  }
0xad: {  	[dreg:$0x0] =	wrdreg $0x60  }
0xae: {  	[dreg:$0x2] =	wrdreg s24  }
0xaf: {  	[dreg:$0x3] =	wrdreg $0x0  }
0xb0: {  	[dreg:$0x4] =	wrdreg $0xA  }
0xb1: {  	_ =	task.clear_ibuf [dreg:s6], $0x5FFFF;
	_ =	strace $0x90000046  }
0xb2: {  	s29 =	simm.s32 $0xA;
	_ =	strace $0x80000048  }
0xb3: {  	_ =	swait.ge [sflag:s29], $0x1  }
0xb4: {  	[sflag:s29] =	ssyncadd.s32 $0xFFFFFFFF  }
0xb5: {  	_ =	strace $0x90000048  }
0xb6: {  	_ =	sfence  }
0xb7: {  	s30 =	sld [smem:$0x0];
	_ =	sdelay $0x2  }
0xb8: {  	s31 =	sshll.u32 s1, $0xD;
	s1 =	sshrl.u32 s1, $0x2  }
0xb9: {  	s3 =	sand.u32 $0x4000, s31;
	s1 =	sadd.s32 s1, s30  }
0xba: {  	s0 =	sor.u32 s3, s0;
	s1 =	sshll.u32 s1, $0x11  }
0xbb: {  	s0 =	sor.u32 s1, s0  }
0xbc: {  	s0 =	sadd.s32 $0x8F2B, s0  }
0xbd: {  	[sflag:s0] =	ssyncadd.remote.s32 $0x1  }
0xbe: {  	_ =	sfence.sel $0xFFFF  }
0xbf: {  	[dreg:$0x0] =	wrdreg $0xFFFFFFFF;
	(pc) =	sbr.abs _section_cstart, $3  }
0xc0: {  	[dreg:$0x1] =	wrdreg $0xFFFFFFFF  }
0xc1: {  	_ =	task.clear_ibuf [dreg:s6], $0x2FFFF;
	_ =	strace $0x9FFFFFFF  }
0xc2: {  	(tm) =	ssettm $0x7FFFFFFF  }
0xc3: {  	_ =	shalt  }
tec
execute0_lowered:
.L_overlay_start_1:
0x0: {  	(tag) =	ssettag $0x1  }
0x1: {  	s0 =	rddreg [dreg:$0x0]  }
0x2: {  	s1 =	srdreg.scid;
	s2 =	rddreg [dreg:$0x1]  }
0x3: {  	s11 =	stileid.u32;
	s3 =	simm.s32 $0x0;
	s12 =	simm.s32 $0x14400  }
0x4: {  	s13 =	simm.s32 $0x80;
	s14 =	simm.s32 $0x14800;
	s15 =	simm.s32 $0x14080  }
0x5: {  	s16 =	simm.s32 $0x18800;
	s17 =	simm.s32 $0x1;
	s18 =	simm.s32 $0x3  }
0x6: {  	s19 =	simm.s32 $0x14100;
	s20 =	simm.s32 $0x2;
	s21 =	simm.s32 $0x14480  }
0x7: {  	s28 =	simm.s32 $0x14280;
	s29 =	simm.s32 $0x14600;
	s6 =	smul.u32 $0x14000, s11  }
0x8: {  	s30 =	simm.s32 $0x14300;
	s31 =	simm.s32 $0x14680;
	s22 =	smul.u32 $0x50000, s11  }
0x9: {  	s1 =	sand.u32 $0x1, s1;
	[smem:$0x7FF] =	sst s3;
	s10 =	smul.u32 $0x500, s11  }
0xa: {  	s4 =	sadd.s32 $0x16400, s0;
	s24 =	sshll.u32 s11, $0x6;
	s5 =	smul.u32 $0x5000, s1  }
0xb: {  	s11 =	simm.s32 $0x14000;
	s7 =	smul.u32 $0x140000, s1;
	s1 =	ssub.s32 $0x2, s1  }
0xc: {  	_ =	strace $0x80000047;
	s8 =	sshrl.u32 s6, $0x3;
	s9 =	sshrl.u32 s1, $0x1  }
0xd: {  	s5 =	sadd.s32 s5, s0;
	s6 =	sadd.s32 s6, s7;
	s8 =	sadd.s32 s8, s0  }
0xe: {  	s7 =	sshrl.u32 s22, $0x2;
	s1 =	ssub.s32 s1, s9;
	s22 =	simm.s32 $0x4  }
0xf: {  	s6 =	sshrl.u32 s6, $0x3;
	s7 =	sadd.s32 s7, s2;
	s23 =	sadd.s32 $0x3E400, s8  }
0x10: {  	s5 =	sadd.s32 s10, s5;
	s8 =	sor.u32 $0x1C05, s24;
	s1 =	smax.u32 s1, $0x1  }
0x11: {  	s10 =	simm.s32 $0x5;
	s24 =	simm.s32 $0x14500;
	[dreg:$0x5] =	wrdreg s23  }
0x12: {  	s0 =	sadd.s32 s6, s0;
	s25 =	sadd.s32 $0x2400, s5;
	[dreg:$0x8] =	wrdreg s1  }
0x13: {  	s26 =	sadd.s32 $0xC400, s5;
	s9 =	sshrl.u32 s7, $0x3;
	[dreg:$0x6] =	wrdreg s8  }
0x14: {  	s23 =	simm.s32 $0x14180;
	s1 =	simm.s32 $0x14700;
	[dreg:$0x3] =	wrdreg s25  }
0x15: {  	s5 =	simm.s32 $0x14780;
	s7 =	simm.s32 $0x0;
	[dreg:$0x4] =	wrdreg s26  }
0x16: {  	s0 =	sadd.s32 $0x66400, s0;
	s25 =	simm.s32 $0x14200;
	[dreg:$0x9] =	wrdreg s9  }
0x17: {  	s26 =	simm.s32 $0x14580;
	[dreg:$0x7] =	wrdreg s0;
	s0 =	simm.s32 $0x14380  }
.LBB2_1:
0x18: {  	s6 =	rddreg [dreg:$0x5]  }
0x19: {  	[spmem:s9], [sflag:s8] =	dma.local [hbm:s6], $0x2800  }
0x1a: {  	_ =	swait.ge [sflag:s10], $0x2800  }
0x1b: {  	[sflag:s10] =	ssyncset.done $0x0  }
0x1c: {  	[sflag:s10] =	ssyncadd.s32 $0xFFFFD800  }
0x1d: {  	[bflag:$0x0] =	sbarrier.arrive $0xFFFF  }
0x1e: {  	s6 =	rddreg [dreg:$0x4]  }
0x1f: {  	s8 =	sadd.s32 $0x0, s6  }
0x20: {  	[tilespmem:s11], [sflag:$0x5] =	stream.linear.gather [hbm4b:s8+s3], $0x400, $0x38;
	[tilespmem:$0x1C800] =	vst v63  }
0x21: {  	_ =	swait.ge [sflag:s10], $0x400  }
0x22: {  	s9 =	rddreg [dreg:$0x3];
	[sflag:s10] =	ssyncset.done $0x0  }
0x23: {  	[sflag:s10] =	ssyncadd.s32 $0xFFFFFC00;
	s8 =	sadd.s32 $0x0, s9  }
0x24: {  	[tilespmem:s12], [sflag:$0x5] =	stream.linear.gather [hbm4b:s8+s3], $0x400, $0x38;
	[tilespmem:$0x1C800] =	vst v63  }
0x25: {  	_ =	swait.ge [sflag:s10], $0x400  }
0x26: {  	[sflag:s10] =	ssyncset.done $0x0  }
0x27: {  	[sflag:s10] =	ssyncadd.s32 $0xFFFFFC00  }
0x28: {  	[tilespmem:s14], [sflag:$0x1] =	stream.indirect.gather [hbm4b:s4+s13], $0x80, s11, s13, $0xb8;
	[tilespmem:$0x1C800] =	vst v63  }
0x29: {  	_ = 	snop  }
0x2a: {  	[tilespmem:s16], [sflag:$0x2] =	stream.indirect.gather [hbm4b:s4+s13], $0x80, s15, s13, $0xb8;
	[tilespmem:$0x1C800] =	vst v63  }
0x2b: {  	_ =	swait.ge [sflag:s17], $0x4000  }
0x2c: {  	[sflag:s17] =	ssyncset.done $0x0  }
0x2d: {  	[sflag:s17] =	ssyncadd.s32 $0xFFFFC000  }
0x2e: {  	[spmem:s2] =	stream.indirect.scatter.add.f32 [tilespmem:s14], [sflag:$0x3], $0x80, s12, s13, $0xb8;
	[tilespmem:$0x1C800] =	vst v63  }
0x2f: {  	_ =	swait.ge [sflag:s18], $0x4000  }
0x30: {  	[sflag:s18] =	ssyncset.done $0x0  }
0x31: {  	[sflag:s18] =	ssyncadd.s32 $0xFFFFC000  }
0x32: {  	[tilespmem:s14], [sflag:$0x1] =	stream.indirect.gather [hbm4b:s4+s13], $0x80, s19, s13, $0xb8;
	[tilespmem:$0x1C800] =	vst v63  }
0x33: {  	_ =	swait.ge [sflag:s20], $0x4000  }
0x34: {  	[sflag:s20] =	ssyncset.done $0x0  }
0x35: {  	[sflag:s20] =	ssyncadd.s32 $0xFFFFC000  }
0x36: {  	[spmem:s2] =	stream.indirect.scatter.add.f32 [tilespmem:s16], [sflag:$0x4], $0x80, s21, s13, $0xb8;
	[tilespmem:$0x1C800] =	vst v63  }
0x37: {  	_ =	swait.ge [sflag:s22], $0x4000  }
0x38: {  	[sflag:s22] =	ssyncset.done $0x0  }
0x39: {  	[sflag:s22] =	ssyncadd.s32 $0xFFFFC000  }
0x3a: {  	[tilespmem:s16], [sflag:$0x2] =	stream.indirect.gather [hbm4b:s4+s13], $0x80, s23, s13, $0xb8;
	[tilespmem:$0x1C800] =	vst v63  }
0x3b: {  	_ =	swait.ge [sflag:s17], $0x4000  }
0x3c: {  	[sflag:s17] =	ssyncset.done $0x0  }
0x3d: {  	[sflag:s17] =	ssyncadd.s32 $0xFFFFC000  }
0x3e: {  	[spmem:s2] =	stream.indirect.scatter.add.f32 [tilespmem:s14], [sflag:$0x3], $0x80, s24, s13, $0xb8;
	[tilespmem:$0x1C800] =	vst v63  }
0x3f: {  	_ =	swait.ge [sflag:s18], $0x4000  }
0x40: {  	[sflag:s18] =	ssyncset.done $0x0  }
0x41: {  	[sflag:s18] =	ssyncadd.s32 $0xFFFFC000  }
0x42: {  	[tilespmem:s14], [sflag:$0x1] =	stream.indirect.gather [hbm4b:s4+s13], $0x80, s25, s13, $0xb8;
	[tilespmem:$0x1C800] =	vst v63  }
0x43: {  	_ =	swait.ge [sflag:s20], $0x4000  }
0x44: {  	[sflag:s20] =	ssyncset.done $0x0  }
0x45: {  	[sflag:s20] =	ssyncadd.s32 $0xFFFFC000  }
0x46: {  	[spmem:s2] =	stream.indirect.scatter.add.f32 [tilespmem:s16], [sflag:$0x4], $0x80, s26, s13, $0xb8;
	[tilespmem:$0x1C800] =	vst v63  }
0x47: {  	_ =	swait.ge [sflag:s22], $0x4000  }
0x48: {  	[sflag:s22] =	ssyncset.done $0x0  }
0x49: {  	[sflag:s22] =	ssyncadd.s32 $0xFFFFC000  }
0x4a: {  	[tilespmem:s16], [sflag:$0x2] =	stream.indirect.gather [hbm4b:s4+s13], $0x80, s28, s13, $0xb8;
	[tilespmem:$0x1C800] =	vst v63  }
0x4b: {  	_ =	swait.ge [sflag:s17], $0x4000  }
0x4c: {  	[sflag:s17] =	ssyncset.done $0x0  }
0x4d: {  	[sflag:s17] =	ssyncadd.s32 $0xFFFFC000  }
0x4e: {  	[spmem:s2] =	stream.indirect.scatter.add.f32 [tilespmem:s14], [sflag:$0x3], $0x80, s29, s13, $0xb8;
	[tilespmem:$0x1C800] =	vst v63  }
0x4f: {  	_ =	swait.ge [sflag:s18], $0x4000  }
0x50: {  	[sflag:s18] =	ssyncset.done $0x0  }
0x51: {  	[sflag:s18] =	ssyncadd.s32 $0xFFFFC000  }
0x52: {  	[tilespmem:s14], [sflag:$0x1] =	stream.indirect.gather [hbm4b:s4+s13], $0x80, s30, s13, $0xb8;
	[tilespmem:$0x1C800] =	vst v63  }
0x53: {  	_ =	swait.ge [sflag:s20], $0x4000  }
0x54: {  	[sflag:s20] =	ssyncset.done $0x0  }
0x55: {  	[sflag:s20] =	ssyncadd.s32 $0xFFFFC000  }
0x56: {  	[spmem:s2] =	stream.indirect.scatter.add.f32 [tilespmem:s16], [sflag:$0x4], $0x80, s31, s13, $0xb8;
	[tilespmem:$0x1C800] =	vst v63  }
0x57: {  	_ =	swait.ge [sflag:s22], $0x4000  }
0x58: {  	[sflag:s22] =	ssyncset.done $0x0  }
0x59: {  	[sflag:s22] =	ssyncadd.s32 $0xFFFFC000  }
0x5a: {  	[tilespmem:s16], [sflag:$0x2] =	stream.indirect.gather [hbm4b:s4+s13], $0x80, s0, s13, $0xb8;
	[tilespmem:$0x1C800] =	vst v63  }
0x5b: {  	_ =	swait.ge [sflag:s17], $0x4000  }
0x5c: {  	[sflag:s17] =	ssyncset.done $0x0  }
0x5d: {  	[sflag:s17] =	ssyncadd.s32 $0xFFFFC000  }
0x5e: {  	[spmem:s2] =	stream.indirect.scatter.add.f32 [tilespmem:s14], [sflag:$0x3], $0x80, s1, s13, $0xb8;
	[tilespmem:$0x1C800] =	vst v63  }
0x5f: {  	_ =	swait.ge [sflag:s20], $0x4000  }
0x60: {  	[sflag:s20] =	ssyncset.done $0x0  }
0x61: {  	[sflag:s20] =	ssyncadd.s32 $0xFFFFC000  }
0x62: {  	[spmem:s2] =	stream.indirect.scatter.add.f32 [tilespmem:s16], [sflag:$0x4], $0x80, s5, s13, $0xb8;
	[tilespmem:$0x1C800] =	vst v63  }
0x63: {  	_ =	swait.ge [sflag:s18], $0x4000  }
0x64: {  	[sflag:s18] =	ssyncset.done $0x0  }
0x65: {  	[sflag:s18] =	ssyncadd.s32 $0xFFFFC000  }
0x66: {  	_ =	swait.ge [sflag:s22], $0x4000  }
0x67: {  	s8 =	simm.s32 $0x80;
	[sflag:s22] =	ssyncset.done $0x0  }
.LBB2_2:
0x68: {  	s6 =	rddreg [dreg:$0x4];
	s9 =	smov.u32 s8  }
0x69: {  	[sflag:s22] =	ssyncadd.s32 $0xFFFFC000;
	s6 =	sadd.s32 s9, s6  }
0x6a: {  	[tilespmem:s11], [sflag:$0x5] =	stream.linear.gather [hbm4b:s6+s3], $0x400, $0x38;
	[tilespmem:$0x1C800] =	vst v63  }
0x6b: {  	_ =	swait.ge [sflag:s10], $0x400  }
0x6c: {  	s6 =	rddreg [dreg:$0x3];
	[sflag:s10] =	ssyncset.done $0x0  }
0x6d: {  	[sflag:s10] =	ssyncadd.s32 $0xFFFFFC00;
	s6 =	sadd.s32 s9, s6  }
0x6e: {  	[tilespmem:s12], [sflag:$0x5] =	stream.linear.gather [hbm4b:s6+s3], $0x400, $0x38;
	[tilespmem:$0x1C800] =	vst v63  }
0x6f: {  	_ =	swait.ge [sflag:s10], $0x400  }
0x70: {  	[sflag:s10] =	ssyncset.done $0x0  }
0x71: {  	[sflag:s10] =	ssyncadd.s32 $0xFFFFFC00  }
0x72: {  	[tilespmem:s14], [sflag:$0x1] =	stream.indirect.gather [hbm4b:s4+s13], $0x80, s11, s13, $0xb8;
	[tilespmem:$0x1C800] =	vst v63  }
0x73: {  	_ = 	snop  }
0x74: {  	[tilespmem:s16], [sflag:$0x2] =	stream.indirect.gather [hbm4b:s4+s13], $0x80, s15, s13, $0xb8;
	[tilespmem:$0x1C800] =	vst v63  }
0x75: {  	_ =	swait.ge [sflag:s17], $0x4000  }
0x76: {  	[sflag:s17] =	ssyncset.done $0x0  }
0x77: {  	[sflag:s17] =	ssyncadd.s32 $0xFFFFC000  }
0x78: {  	[spmem:s2] =	stream.indirect.scatter.add.f32 [tilespmem:s14], [sflag:$0x3], $0x80, s12, s13, $0xb8;
	[tilespmem:$0x1C800] =	vst v63  }
0x79: {  	_ =	swait.ge [sflag:s18], $0x4000  }
0x7a: {  	[sflag:s18] =	ssyncset.done $0x0  }
0x7b: {  	[sflag:s18] =	ssyncadd.s32 $0xFFFFC000  }
0x7c: {  	[tilespmem:s14], [sflag:$0x1] =	stream.indirect.gather [hbm4b:s4+s13], $0x80, s19, s13, $0xb8;
	[tilespmem:$0x1C800] =	vst v63  }
0x7d: {  	_ =	swait.ge [sflag:s20], $0x4000  }
0x7e: {  	[sflag:s20] =	ssyncset.done $0x0  }
0x7f: {  	[sflag:s20] =	ssyncadd.s32 $0xFFFFC000  }
0x80: {  	[spmem:s2] =	stream.indirect.scatter.add.f32 [tilespmem:s16], [sflag:$0x4], $0x80, s21, s13, $0xb8;
	[tilespmem:$0x1C800] =	vst v63  }
0x81: {  	_ =	swait.ge [sflag:s22], $0x4000  }
0x82: {  	[sflag:s22] =	ssyncset.done $0x0  }
0x83: {  	[sflag:s22] =	ssyncadd.s32 $0xFFFFC000  }
0x84: {  	[tilespmem:s16], [sflag:$0x2] =	stream.indirect.gather [hbm4b:s4+s13], $0x80, s23, s13, $0xb8;
	[tilespmem:$0x1C800] =	vst v63  }
0x85: {  	_ =	swait.ge [sflag:s17], $0x4000  }
0x86: {  	[sflag:s17] =	ssyncset.done $0x0  }
0x87: {  	[sflag:s17] =	ssyncadd.s32 $0xFFFFC000  }
0x88: {  	[spmem:s2] =	stream.indirect.scatter.add.f32 [tilespmem:s14], [sflag:$0x3], $0x80, s24, s13, $0xb8;
	[tilespmem:$0x1C800] =	vst v63  }
0x89: {  	_ =	swait.ge [sflag:s18], $0x4000  }
0x8a: {  	[sflag:s18] =	ssyncset.done $0x0  }
0x8b: {  	[sflag:s18] =	ssyncadd.s32 $0xFFFFC000  }
0x8c: {  	[tilespmem:s14], [sflag:$0x1] =	stream.indirect.gather [hbm4b:s4+s13], $0x80, s25, s13, $0xb8;
	[tilespmem:$0x1C800] =	vst v63  }
0x8d: {  	_ =	swait.ge [sflag:s20], $0x4000  }
0x8e: {  	[sflag:s20] =	ssyncset.done $0x0  }
0x8f: {  	[sflag:s20] =	ssyncadd.s32 $0xFFFFC000  }
0x90: {  	[spmem:s2] =	stream.indirect.scatter.add.f32 [tilespmem:s16], [sflag:$0x4], $0x80, s26, s13, $0xb8;
	[tilespmem:$0x1C800] =	vst v63  }
0x91: {  	_ =	swait.ge [sflag:s22], $0x4000  }
0x92: {  	[sflag:s22] =	ssyncset.done $0x0  }
0x93: {  	[sflag:s22] =	ssyncadd.s32 $0xFFFFC000  }
0x94: {  	[tilespmem:s16], [sflag:$0x2] =	stream.indirect.gather [hbm4b:s4+s13], $0x80, s28, s13, $0xb8;
	[tilespmem:$0x1C800] =	vst v63  }
0x95: {  	_ =	swait.ge [sflag:s17], $0x4000  }
0x96: {  	[sflag:s17] =	ssyncset.done $0x0  }
0x97: {  	[sflag:s17] =	ssyncadd.s32 $0xFFFFC000  }
0x98: {  	[spmem:s2] =	stream.indirect.scatter.add.f32 [tilespmem:s14], [sflag:$0x3], $0x80, s29, s13, $0xb8;
	[tilespmem:$0x1C800] =	vst v63  }
0x99: {  	_ =	swait.ge [sflag:s18], $0x4000  }
0x9a: {  	[sflag:s18] =	ssyncset.done $0x0  }
0x9b: {  	[sflag:s18] =	ssyncadd.s32 $0xFFFFC000  }
0x9c: {  	[tilespmem:s14], [sflag:$0x1] =	stream.indirect.gather [hbm4b:s4+s13], $0x80, s30, s13, $0xb8;
	[tilespmem:$0x1C800] =	vst v63  }
0x9d: {  	_ =	swait.ge [sflag:s20], $0x4000  }
0x9e: {  	[sflag:s20] =	ssyncset.done $0x0  }
0x9f: {  	[sflag:s20] =	ssyncadd.s32 $0xFFFFC000  }
0xa0: {  	[spmem:s2] =	stream.indirect.scatter.add.f32 [tilespmem:s16], [sflag:$0x4], $0x80, s31, s13, $0xb8;
	[tilespmem:$0x1C800] =	vst v63  }
0xa1: {  	_ =	swait.ge [sflag:s22], $0x4000  }
0xa2: {  	[sflag:s22] =	ssyncset.done $0x0  }
0xa3: {  	[sflag:s22] =	ssyncadd.s32 $0xFFFFC000  }
0xa4: {  	[tilespmem:s16], [sflag:$0x2] =	stream.indirect.gather [hbm4b:s4+s13], $0x80, s0, s13, $0xb8;
	[tilespmem:$0x1C800] =	vst v63  }
0xa5: {  	_ =	swait.ge [sflag:s17], $0x4000  }
0xa6: {  	[sflag:s17] =	ssyncset.done $0x0  }
0xa7: {  	[sflag:s17] =	ssyncadd.s32 $0xFFFFC000  }
0xa8: {  	[spmem:s2] =	stream.indirect.scatter.add.f32 [tilespmem:s14], [sflag:$0x3], $0x80, s1, s13, $0xb8;
	[tilespmem:$0x1C800] =	vst v63  }
0xa9: {  	_ =	swait.ge [sflag:s20], $0x4000  }
0xaa: {  	[sflag:s20] =	ssyncset.done $0x0  }
0xab: {  	p0 =	sne.s32 s8, $0x480;
	[sflag:s20] =	ssyncadd.s32 $0xFFFFC000  }
0xac: {  	[spmem:s2] =	stream.indirect.scatter.add.f32 [tilespmem:s16], [sflag:$0x4], $0x80, s5, s13, $0xb8;
	[tilespmem:$0x1C800] =	vst v63  }
.Ltmp0:
0xad: {  	_ =	swait.ge [sflag:s18], $0x4000;
	(pc) =	sbr.rel @p0 .LBB2_2-.Ltmp0, $4  }
0xae: {  	[sflag:s18] =	ssyncset.done $0x0  }
0xaf: {  	[sflag:s18] =	ssyncadd.s32 $0xFFFFC000  }
0xb0: {  	_ =	swait.ge [sflag:s22], $0x4000  }
0xb1: {  	s8 =	sadd.s32 $0x80, s8;
	[sflag:s22] =	ssyncset.done $0x0  }
0xb2: {  	[sflag:s22] =	ssyncadd.s32 $0xFFFFC000  }
0xb3: {  	[bflag:$0x0] =	sbarrier.arrive $0xFFFF  }
0xb4: {  	s8 =	rddreg [dreg:$0x6]  }
0xb5: {  	s6 =	rddreg [dreg:$0x7]  }
0xb6: {  	s9 =	rddreg [dreg:$0x9]  }
0xb7: {  	[hbm:s6], [sflag:s8] =	dma.local [spmem:s9], $0x2800  }
0xb8: {  	_ =	swait.ge [sflag:s10], $0x2800  }
0xb9: {  	s7 =	sadd.s32 $0x1, s7;
	s6 =	rddreg [dreg:$0x8]  }
0xba: {  	p0 =	sne.s32 s7, s6  }
.Ltmp1:
0xbb: {  	_ = 	snop;
	(pc) =	sbr.rel @p0 .LBB2_1-.Ltmp1, $3  }
0xbc: {  	_ =	sdelay $0x1  }
0xbd: {  	[sflag:s10] =	ssyncset.done $0x0  }
0xbe: {  	[sflag:s10] =	ssyncadd.s32 $0xFFFFD800  }
0xbf: {  	_ =	sfence.sel $0x180000  }
0xc0: {  	[bflag:$0x0] =	sbarrier.arrive $0xFFFF  }
0xc1: {  	_ =	strace $0x90000047  }
0xc2: {  	s0 =	stileid.u32;
	[bflag:$0x2] =	sbarrier.arrive $0xFFFF  }
0xc3: {  	p0 =	sne.s32 s0, $0x0;
	s0 =	rddreg [dreg:$0x2]  }
0xc4: {  	s0 =	sadd.s32 @!p0 $0x100000, s0  }
0xc5: {  	[sflag:s0] =	ssyncadd.tile.s32 @!p0 $0x1;
	_ =	shalt  }
.Lfunc_end2:
_tile_overlayer_lowered:
.L_overlay_start_2:
0xc6: {  	(tag) =	ssettag $0x2  }
0xc7: {  	s0 =	rddreg [dreg:$0x0];
	s2 =	stileid.u32  }
0xc8: {  	s1 =	rddreg [dreg:$0x1];
	p0 =	sne.s32 s2, $0x0  }
0xc9: {  	s3 =	rddreg [dreg:$0x2];
	[bflag:$0x3] =	sbarrier.arrive $0xFFFF;
	s2 =	simm.s32 @!p0 $0x1C05  }
0xca: {  	[timem:s3], [sflag:s2] =	dma.local @!p0 [hbm:s0], s1  }
0xcb: {  	s0 =	simm.s32 @!p0 $0x5  }
0xcc: {  	_ =	swait.ge @!p0 [sflag:s0], s1  }
0xcd: {  	s1 =	ssub.s32 @!p0 $0x0, s1;
	[sflag:s0] =	ssyncset.done @!p0 $0x0  }
0xce: {  	[sflag:s0] =	ssyncadd.s32 @!p0 s1  }
0xcf: {  	[bflag:$0x3] =	sbarrier.arrive $0xFFFF  }
0xd0: {  	_ =	shalt  }

// kernel: kernel.14.cloned.1.call-start
scs
__scs_entry_jumppad:
0x0: {  	(pc) =	sbr.rel $0x88, $3  }
0x1: {  	(tag) =	ssettag $0x0;
	lr =	simm.s32 $0x1  }
0x2: {  	[smem:$0x3F96] =	sst lr;
	_ =	strace $0xD0000000  }
0x3: {  	_ = 	snop  }
0x4: {  	_ = 	snop  }
0x5: {  	_ = 	snop  }
0x6: {  	_ = 	snop  }
0x7: {  	_ = 	snop  }
__scs_overlays_trampoline_lowered:
0x8: {  	[smem:$0x3FA5] =	sst s0  }
0x9: {  	[smem:$0x3FA6] =	sst s1  }
0xa: {  	[smem:$0x3FA7] =	sst s2  }
0xb: {  	[smem:$0x3FA8] =	sst s3  }
0xc: {  	[smem:$0x3FA9] =	sst s4  }
0xd: {  	[smem:$0x3FAA] =	sst s5  }
0xe: {  	[smem:$0x3FAB] =	sst s6  }
0xf: {  	[smem:$0x3FAC] =	sst s7  }
0x10: {  	[smem:$0x3FAD] =	sst s8  }
0x11: {  	[smem:$0x3FAE] =	sst s9;
	s0 =	simm.s32 @!p0 $0x0  }
0x12: {  	s1 =	sld [smem:$0x3F94];
	s0 =	simm.s32 @p0 $0x1  }
0x13: {  	[smem:$0x3FAF] =	sst s0;
	s0 =	simm.s32 @!p1 $0x0  }
0x14: {  	s2 =	sld [smem:$0x3F93];
	s0 =	simm.s32 @p1 $0x1  }
0x15: {  	[smem:$0x3FB0] =	sst s0;
	s0 =	simm.s32 @!p2 $0x0  }
0x16: {  	s3 =	sld [smem:$0x3FDB];
	s0 =	simm.s32 @p2 $0x1  }
0x17: {  	s4 =	simm.s32 $0x1BF5;
	[smem:$0x3FB2] =	sst s0  }
0x18: {  	s0 =	sld [smem:$0x3F95];
	_ =	swait.ge [sflag:s4], $0x0  }
0x19: {  	s7 =	sld [smem:$0x3F96]  }
0x1a: {  	s8 =	sadd.s32 $0xFFFFE003, lr  }
0x1b: {  	s9 =	sadd.s32 $0xFFFFFEF7, lr;
	s5 =	simm.s32 $0xFFFFFFFF;
	p2 =	slt.u32 s8, $0xFFFFF086  }
0x1c: {  	p1 =	slt.u32 s9, $0xF7A;
	s5 =	simm.s32 @!p2 $0x0  }
0x1d: {  	s5 =	simm.s32 @p1 $0x1;
	p0 =	seq.s32 s7, s2  }
0x1e: {  	s7 =	smul.u32 @!p0 $0xF7A, s2;
	p2 =	seq.s32 @!p0 s5, $0x0  }
0x1f: {  	s9 =	smul.u32 $0xF7A, s1;
	s8 =	simm.s32 @!p0 $0x1BF5;
	p2 =	por !p2, p0  }
0x20: {  	[sflag:s8] =	ssyncset.s32 @!p0 $0xFFFFF086;
	s6 =	sadd.s32 @!p0 s3, s7;
	s7 =	simm.s32 @!p0 $0x108  }
0x21: {  	s3 =	sadd.s32 s3, s9;
	s6 =	sadd.s32 @!p0 $0x88, s6;
	s7 =	simm.s32 @p2 $0x1082  }
0x22: {  	[simem:s7], [sflag:s8] =	dma.local @!p0 [hbm:s6], $0xF7A  }
0x23: {  	s9 =	sor.u32 $0xD0000000, s2;
	s6 =	simm.s32 $0x108;
	_ =	swait.ge @!p0 [sflag:s8], $0x0  }
0x24: {  	s3 =	sadd.s32 $0x88, s3;
	s6 =	simm.s32 @!p1 $0x1082;
	[sflag:s4] =	ssyncset.s32 $0xFFFFF086  }
0x25: {  	[simem:s6], [sflag:s4] =	dma.local [hbm:s3], $0xF7A  }
0x26: {  	[smem:$0x3F96] =	sst s1;
	(tag) =	ssettag s2;
	_ =	strace s9  }
0x27: {  	s1 =	sld [smem:$0x3FA6]  }
0x28: {  	s2 =	sld [smem:$0x3FA7]  }
0x29: {  	s4 =	sld [smem:$0x3FA9]  }
0x2a: {  	p0 =	seq.s32 s5, $0x0;
	s5 =	sld [smem:$0x3FAA]  }
0x2b: {  	s6 =	sld [smem:$0x3FAB]  }
0x2c: {  	s7 =	sld [smem:$0x3FAC]  }
0x2d: {  	s3 =	simm.s32 $0x108;
	s8 =	sld [smem:$0x3FAD]  }
0x2e: {  	s3 =	simm.s32 @!p0 $0x1082;
	s9 =	sld [smem:$0x3FAE]  }
0x2f: {  	lr =	sadd.s32 s0, s3;
	s0 =	sld [smem:$0x3FA5]  }
0x30: {  	s3 =	sld [smem:$0x3FA8]  }
0x31: {  	[smem:$0x3FB1] =	sst s10  }
0x32: {  	s10 =	sld [smem:$0x3FAF];
	_ =	sdelay $0x3  }
0x33: {  	p0 =	seq.s32 s10, $0x1;
	s10 =	sld [smem:$0x3FB1];
	_ =	sdelay $0x3  }
0x34: {  	[smem:$0x3FB1] =	sst s10  }
0x35: {  	s10 =	sld [smem:$0x3FB0];
	_ =	sdelay $0x3  }
0x36: {  	p1 =	seq.s32 s10, $0x1;
	s10 =	sld [smem:$0x3FB1];
	_ =	sdelay $0x3  }
0x37: {  	[smem:$0x3FB1] =	sst s10  }
0x38: {  	s10 =	sld [smem:$0x3FB2]  }
0x39: {  	_ = 	snop;
	(pc) =	sbr.ind lr, $3  }
0x3a: {  	_ = 	snop  }
0x3b: {  	_ = 	snop  }
0x3c: {  	p2 =	seq.s32 s10, $0x1;
	s10 =	sld [smem:$0x3FB1]  }
0x3d: {  	_ =	shalt  }
0x3e: {  	_ =	shalt  }
0x3f: {  	_ =	shalt  }
0x40: {  	_ =	shalt  }
0x41: {  	_ =	shalt  }
0x42: {  	_ =	shalt  }
0x43: {  	_ =	shalt  }
0x44: {  	_ =	shalt  }
0x45: {  	_ =	shalt  }
0x46: {  	_ =	shalt  }
0x47: {  	_ =	shalt  }
0x48: {  	_ =	shalt  }
0x49: {  	_ =	shalt  }
0x4a: {  	_ =	shalt  }
0x4b: {  	_ =	shalt  }
0x4c: {  	_ =	shalt  }
0x4d: {  	_ =	shalt  }
0x4e: {  	_ =	shalt  }
0x4f: {  	_ =	shalt  }
0x50: {  	_ =	shalt  }
0x51: {  	_ =	shalt  }
0x52: {  	_ =	shalt  }
0x53: {  	_ =	shalt  }
0x54: {  	_ =	shalt  }
0x55: {  	_ =	shalt  }
0x56: {  	_ =	shalt  }
0x57: {  	_ =	shalt  }
0x58: {  	_ =	shalt  }
0x59: {  	_ =	shalt  }
0x5a: {  	_ =	shalt  }
0x5b: {  	_ =	shalt  }
0x5c: {  	_ =	shalt  }
0x5d: {  	_ =	shalt  }
0x5e: {  	_ =	shalt  }
0x5f: {  	_ =	shalt  }
0x60: {  	_ =	shalt  }
0x61: {  	_ =	shalt  }
0x62: {  	_ =	shalt  }
0x63: {  	_ =	shalt  }
0x64: {  	_ =	shalt  }
0x65: {  	_ =	shalt  }
0x66: {  	_ =	shalt  }
0x67: {  	_ =	shalt  }
0x68: {  	_ =	shalt  }
0x69: {  	_ =	shalt  }
0x6a: {  	_ =	shalt  }
0x6b: {  	_ =	shalt  }
0x6c: {  	_ =	shalt  }
0x6d: {  	_ =	shalt  }
0x6e: {  	_ =	shalt  }
0x6f: {  	_ =	shalt  }
0x70: {  	_ =	shalt  }
0x71: {  	_ =	shalt  }
0x72: {  	_ =	shalt  }
0x73: {  	_ =	shalt  }
0x74: {  	_ =	shalt  }
0x75: {  	_ =	shalt  }
0x76: {  	_ =	shalt  }
0x77: {  	_ =	shalt  }
0x78: {  	_ =	shalt  }
0x79: {  	_ =	shalt  }
0x7a: {  	_ =	shalt  }
0x7b: {  	_ =	shalt  }
0x7c: {  	_ =	shalt  }
0x7d: {  	_ =	shalt  }
0x7e: {  	_ =	shalt  }
0x7f: {  	_ =	shalt  }
0x80: {  	_ =	shalt  }
0x81: {  	_ =	shalt  }
0x82: {  	_ =	shalt  }
0x83: {  	_ =	shalt  }
0x84: {  	_ =	shalt  }
0x85: {  	_ =	shalt  }
0x86: {  	_ =	shalt  }
0x87: {  	_ =	shalt  }
.Lfunc_end0:
.L_simem_size_0:
called_computation.2_lowered:
.L_overlay_start_0:
0x88: {  	s2 =	sld [smem:$0x3FD9]  }
0x89: {  	s3 =	sld [smem:$0x3FFE];
	_ =	sdelay $0x1  }
0x8a: {  	s1 =	srdreg.scid  }
0x8b: {  	s0 =	sand.u32 $0x1, s1  }
0x8c: {  	s16 =	sshll.u32 s0, $0xA;
	s2 =	sadd.s32 s3, s2  }
0x8d: {  	s2 =	sadd.s32 s2, s16  }
0x8e: {  	[smem:$0x3FBD] =	sst s2  }
0x8f: {  	_ = 	snop  }
0x90: {  	(tm) =	ssettm $0x1  }
0x91: {  	s17 =	sld [smem:$0x3FFB];
	_ =	sdelay $0x3  }
0x92: {  	_ =	strace s17  }
0x93: {  	s2 =	sld [smem:$0x3FFC];
	_ =	sdelay $0x3  }
0x94: {  	_ =	strace s2  }
0x95: {  	s2 =	sld [smem:$0x3FFD];
	_ =	sdelay $0x3  }
0x96: {  	_ =	strace s2  }
0x97: {  	_ =	strace $0x8FFFFFFF  }
0x98: {  	s18 =	sld [smem:$0x3FDB];
	_ =	sdelay $0x1  }
0x99: {  	s19 =	simm.s32 $_scs_section_size  }
0x9a: {  	s4 =	simm.s32 $_size__tile_overlayer_lowered;
	s5 =	simm.s32 $_tile_overlayer_lowered  }
0x9b: {  	s22 =	simm.s32 $0x1BFF;
	s21 =	sshll.u32 s5, $0x1;
	s2 =	sadd.s32 s19, s18  }
0x9c: {  	s6 =	simm.s32 $0x0;
	s20 =	sshll.u32 s4, $0x1;
	s4 =	sadd.s32 s21, s2  }
0x9d: {  	[timem:s6], [sflag:s22] =	dma.local [hbm:s4], s20  }
0x9e: {  	_ =	swait.ge [sflag:s22], s20  }
0x9f: {  	s3 =	ssub.s32 $0x0, s20;
	[sflag:s22] =	ssyncset.done $0x0  }
0xa0: {  	[sflag:s22] =	ssyncadd.s32 s3;
	_ =	sdelay $0x1  }
0xa1: {  	s23 =	simm.s32 $0x1B8B  }
0xa2: {  	_ =	swait.ge [sflag:s23], $0x1  }
0xa3: {  	[sflag:s23] =	ssyncset.done $0x0  }
0xa4: {  	s25 =	simm.s32 $0x1B8E;
	s24 =	sld [smem:$0x3FFE];
	[sflag:s23] =	ssyncadd.s32 $0xFFFFFFFF  }
0xa5: {  	s26 =	simm.s32 $execute0_lowered;
	[smem:$0x3FD2] =	sst s25  }
0xa6: {  	s4 =	sshll.u32 s26, $0x1;
	_ =	strace $0x8000004C;
	[dreg:$0x1] =	wrdreg $0xFFFFFFFF  }
0xa7: {  	s28 =	simm.s32 $_size_execute0_lowered;
	s2 =	sadd.s32 s2, s4;
	[dreg:$0x0] =	wrdreg $0x0  }
0xa8: {  	s4 =	sshll.u32 s28, $0x1;
	[dreg:$0x2] =	wrdreg s2  }
0xa9: {  	[dreg:$0x3] =	wrdreg s4  }
0xaa: {  	[dreg:$0x4] =	wrdreg $0xC0  }
0xab: {  	_ =	task [dreg:s6], $0x5FFFF  }
0xac: {  	[dreg:$0x1] =	wrdreg $0xFFFFFFFF  }
0xad: {  	[dreg:$0x0] =	wrdreg $0x60  }
0xae: {  	[dreg:$0x2] =	wrdreg s24  }
0xaf: {  	[dreg:$0x3] =	wrdreg $0x0  }
0xb0: {  	[dreg:$0x4] =	wrdreg $0x9  }
0xb1: {  	_ =	task.clear_ibuf [dreg:s6], $0x5FFFF;
	_ =	strace $0x9000004C  }
0xb2: {  	s29 =	simm.s32 $0x9;
	_ =	strace $0x8000004E  }
0xb3: {  	_ =	swait.ge [sflag:s29], $0x1  }
0xb4: {  	[sflag:s29] =	ssyncadd.s32 $0xFFFFFFFF  }
0xb5: {  	_ =	strace $0x9000004E  }
0xb6: {  	_ =	sfence  }
0xb7: {  	s30 =	sld [smem:$0x0];
	_ =	sdelay $0x2  }
0xb8: {  	s31 =	sshll.u32 s1, $0xD;
	s1 =	sshrl.u32 s1, $0x2  }
0xb9: {  	s3 =	sand.u32 $0x4000, s31;
	s1 =	sadd.s32 s1, s30  }
0xba: {  	s0 =	sor.u32 s3, s0;
	s1 =	sshll.u32 s1, $0x11  }
0xbb: {  	s0 =	sor.u32 s1, s0  }
0xbc: {  	s0 =	sadd.s32 $0x8F2B, s0  }
0xbd: {  	[sflag:s0] =	ssyncadd.remote.s32 $0x1  }
0xbe: {  	_ =	sfence.sel $0xFFFF  }
0xbf: {  	[dreg:$0x0] =	wrdreg $0xFFFFFFFF;
	(pc) =	sbr.abs _section_cstart, $3  }
0xc0: {  	[dreg:$0x1] =	wrdreg $0xFFFFFFFF  }
0xc1: {  	_ =	task.clear_ibuf [dreg:s6], $0x2FFFF;
	_ =	strace $0x9FFFFFFF  }
0xc2: {  	(tm) =	ssettm $0x7FFFFFFF  }
0xc3: {  	_ =	shalt  }
tec
execute0_lowered:
.L_overlay_start_1:
0x0: {  	(tag) =	ssettag $0x1  }
0x1: {  	s0 =	rddreg [dreg:$0x0]  }
0x2: {  	s1 =	srdreg.scid;
	s2 =	rddreg [dreg:$0x1]  }
0x3: {  	s11 =	stileid.u32;
	s3 =	simm.s32 $0x0;
	s12 =	simm.s32 $0x14400  }
0x4: {  	s13 =	simm.s32 $0x80;
	s14 =	simm.s32 $0x14800;
	s15 =	simm.s32 $0x14080  }
0x5: {  	s16 =	simm.s32 $0x18800;
	s17 =	simm.s32 $0x1;
	s18 =	simm.s32 $0x3  }
0x6: {  	s19 =	simm.s32 $0x14100;
	s20 =	simm.s32 $0x2;
	s21 =	simm.s32 $0x14480  }
0x7: {  	s28 =	simm.s32 $0x14280;
	s29 =	simm.s32 $0x14600;
	s6 =	smul.u32 $0x14000, s11  }
0x8: {  	s30 =	simm.s32 $0x14300;
	s31 =	simm.s32 $0x14680;
	s22 =	smul.u32 $0x50000, s11  }
0x9: {  	s1 =	sand.u32 $0x1, s1;
	[smem:$0x7FF] =	sst s3;
	s10 =	smul.u32 $0x500, s11  }
0xa: {  	s4 =	sadd.s32 $0x16400, s0;
	s24 =	sshll.u32 s11, $0x6;
	s5 =	smul.u32 $0x5000, s1  }
0xb: {  	s11 =	simm.s32 $0x14000;
	s7 =	smul.u32 $0x140000, s1;
	s1 =	ssub.s32 $0x2, s1  }
0xc: {  	_ =	strace $0x8000004D;
	s8 =	sshrl.u32 s6, $0x3;
	s9 =	sshrl.u32 s1, $0x1  }
0xd: {  	s5 =	sadd.s32 s5, s0;
	s6 =	sadd.s32 s6, s7;
	s8 =	sadd.s32 s8, s0  }
0xe: {  	s7 =	sshrl.u32 s22, $0x2;
	s1 =	ssub.s32 s1, s9;
	s22 =	simm.s32 $0x4  }
0xf: {  	s6 =	sshrl.u32 s6, $0x3;
	s7 =	sadd.s32 s7, s2;
	s23 =	sadd.s32 $0x3E400, s8  }
0x10: {  	s5 =	sadd.s32 s10, s5;
	s8 =	sor.u32 $0x1C05, s24;
	s1 =	smax.u32 s1, $0x1  }
0x11: {  	s10 =	simm.s32 $0x5;
	s24 =	simm.s32 $0x14500;
	[dreg:$0x5] =	wrdreg s23  }
0x12: {  	s0 =	sadd.s32 s6, s0;
	s25 =	sadd.s32 $0x2400, s5;
	[dreg:$0x8] =	wrdreg s1  }
0x13: {  	s26 =	sadd.s32 $0xC400, s5;
	s9 =	sshrl.u32 s7, $0x3;
	[dreg:$0x6] =	wrdreg s8  }
0x14: {  	s23 =	simm.s32 $0x14180;
	s1 =	simm.s32 $0x14700;
	[dreg:$0x3] =	wrdreg s25  }
0x15: {  	s5 =	simm.s32 $0x14780;
	s7 =	simm.s32 $0x0;
	[dreg:$0x4] =	wrdreg s26  }
0x16: {  	s0 =	sadd.s32 $0x66400, s0;
	s25 =	simm.s32 $0x14200;
	[dreg:$0x9] =	wrdreg s9  }
0x17: {  	s26 =	simm.s32 $0x14580;
	[dreg:$0x7] =	wrdreg s0;
	s0 =	simm.s32 $0x14380  }
.LBB2_1:
0x18: {  	s6 =	rddreg [dreg:$0x5]  }
0x19: {  	[spmem:s9], [sflag:s8] =	dma.local [hbm:s6], $0x2800  }
0x1a: {  	_ =	swait.ge [sflag:s10], $0x2800  }
0x1b: {  	[sflag:s10] =	ssyncset.done $0x0  }
0x1c: {  	[sflag:s10] =	ssyncadd.s32 $0xFFFFD800  }
0x1d: {  	[bflag:$0x0] =	sbarrier.arrive $0xFFFF  }
0x1e: {  	s6 =	rddreg [dreg:$0x4]  }
0x1f: {  	s8 =	sadd.s32 $0x0, s6  }
0x20: {  	[tilespmem:s11], [sflag:$0x5] =	stream.linear.gather [hbm4b:s8+s3], $0x400, $0x38;
	[tilespmem:$0x1C800] =	vst v63  }
0x21: {  	_ =	swait.ge [sflag:s10], $0x400  }
0x22: {  	s9 =	rddreg [dreg:$0x3];
	[sflag:s10] =	ssyncset.done $0x0  }
0x23: {  	[sflag:s10] =	ssyncadd.s32 $0xFFFFFC00;
	s8 =	sadd.s32 $0x0, s9  }
0x24: {  	[tilespmem:s12], [sflag:$0x5] =	stream.linear.gather [hbm4b:s8+s3], $0x400, $0x38;
	[tilespmem:$0x1C800] =	vst v63  }
0x25: {  	_ =	swait.ge [sflag:s10], $0x400  }
0x26: {  	[sflag:s10] =	ssyncset.done $0x0  }
0x27: {  	[sflag:s10] =	ssyncadd.s32 $0xFFFFFC00  }
0x28: {  	[tilespmem:s14], [sflag:$0x1] =	stream.indirect.gather [hbm4b:s4+s13], $0x80, s11, s13, $0xb8;
	[tilespmem:$0x1C800] =	vst v63  }
0x29: {  	_ = 	snop  }
0x2a: {  	[tilespmem:s16], [sflag:$0x2] =	stream.indirect.gather [hbm4b:s4+s13], $0x80, s15, s13, $0xb8;
	[tilespmem:$0x1C800] =	vst v63  }
0x2b: {  	_ =	swait.ge [sflag:s17], $0x4000  }
0x2c: {  	[sflag:s17] =	ssyncset.done $0x0  }
0x2d: {  	[sflag:s17] =	ssyncadd.s32 $0xFFFFC000  }
0x2e: {  	[spmem:s2] =	stream.indirect.scatter.add.f32 [tilespmem:s14], [sflag:$0x3], $0x80, s12, s13, $0xb8;
	[tilespmem:$0x1C800] =	vst v63  }
0x2f: {  	_ =	swait.ge [sflag:s18], $0x4000  }
0x30: {  	[sflag:s18] =	ssyncset.done $0x0  }
0x31: {  	[sflag:s18] =	ssyncadd.s32 $0xFFFFC000  }
0x32: {  	[tilespmem:s14], [sflag:$0x1] =	stream.indirect.gather [hbm4b:s4+s13], $0x80, s19, s13, $0xb8;
	[tilespmem:$0x1C800] =	vst v63  }
0x33: {  	_ =	swait.ge [sflag:s20], $0x4000  }
0x34: {  	[sflag:s20] =	ssyncset.done $0x0  }
0x35: {  	[sflag:s20] =	ssyncadd.s32 $0xFFFFC000  }
0x36: {  	[spmem:s2] =	stream.indirect.scatter.add.f32 [tilespmem:s16], [sflag:$0x4], $0x80, s21, s13, $0xb8;
	[tilespmem:$0x1C800] =	vst v63  }
0x37: {  	_ =	swait.ge [sflag:s22], $0x4000  }
0x38: {  	[sflag:s22] =	ssyncset.done $0x0  }
0x39: {  	[sflag:s22] =	ssyncadd.s32 $0xFFFFC000  }
0x3a: {  	[tilespmem:s16], [sflag:$0x2] =	stream.indirect.gather [hbm4b:s4+s13], $0x80, s23, s13, $0xb8;
	[tilespmem:$0x1C800] =	vst v63  }
0x3b: {  	_ =	swait.ge [sflag:s17], $0x4000  }
0x3c: {  	[sflag:s17] =	ssyncset.done $0x0  }
0x3d: {  	[sflag:s17] =	ssyncadd.s32 $0xFFFFC000  }
0x3e: {  	[spmem:s2] =	stream.indirect.scatter.add.f32 [tilespmem:s14], [sflag:$0x3], $0x80, s24, s13, $0xb8;
	[tilespmem:$0x1C800] =	vst v63  }
0x3f: {  	_ =	swait.ge [sflag:s18], $0x4000  }
0x40: {  	[sflag:s18] =	ssyncset.done $0x0  }
0x41: {  	[sflag:s18] =	ssyncadd.s32 $0xFFFFC000  }
0x42: {  	[tilespmem:s14], [sflag:$0x1] =	stream.indirect.gather [hbm4b:s4+s13], $0x80, s25, s13, $0xb8;
	[tilespmem:$0x1C800] =	vst v63  }
0x43: {  	_ =	swait.ge [sflag:s20], $0x4000  }
0x44: {  	[sflag:s20] =	ssyncset.done $0x0  }
0x45: {  	[sflag:s20] =	ssyncadd.s32 $0xFFFFC000  }
0x46: {  	[spmem:s2] =	stream.indirect.scatter.add.f32 [tilespmem:s16], [sflag:$0x4], $0x80, s26, s13, $0xb8;
	[tilespmem:$0x1C800] =	vst v63  }
0x47: {  	_ =	swait.ge [sflag:s22], $0x4000  }
0x48: {  	[sflag:s22] =	ssyncset.done $0x0  }
0x49: {  	[sflag:s22] =	ssyncadd.s32 $0xFFFFC000  }
0x4a: {  	[tilespmem:s16], [sflag:$0x2] =	stream.indirect.gather [hbm4b:s4+s13], $0x80, s28, s13, $0xb8;
	[tilespmem:$0x1C800] =	vst v63  }
0x4b: {  	_ =	swait.ge [sflag:s17], $0x4000  }
0x4c: {  	[sflag:s17] =	ssyncset.done $0x0  }
0x4d: {  	[sflag:s17] =	ssyncadd.s32 $0xFFFFC000  }
0x4e: {  	[spmem:s2] =	stream.indirect.scatter.add.f32 [tilespmem:s14], [sflag:$0x3], $0x80, s29, s13, $0xb8;
	[tilespmem:$0x1C800] =	vst v63  }
0x4f: {  	_ =	swait.ge [sflag:s18], $0x4000  }
0x50: {  	[sflag:s18] =	ssyncset.done $0x0  }
0x51: {  	[sflag:s18] =	ssyncadd.s32 $0xFFFFC000  }
0x52: {  	[tilespmem:s14], [sflag:$0x1] =	stream.indirect.gather [hbm4b:s4+s13], $0x80, s30, s13, $0xb8;
	[tilespmem:$0x1C800] =	vst v63  }
0x53: {  	_ =	swait.ge [sflag:s20], $0x4000  }
0x54: {  	[sflag:s20] =	ssyncset.done $0x0  }
0x55: {  	[sflag:s20] =	ssyncadd.s32 $0xFFFFC000  }
0x56: {  	[spmem:s2] =	stream.indirect.scatter.add.f32 [tilespmem:s16], [sflag:$0x4], $0x80, s31, s13, $0xb8;
	[tilespmem:$0x1C800] =	vst v63  }
0x57: {  	_ =	swait.ge [sflag:s22], $0x4000  }
0x58: {  	[sflag:s22] =	ssyncset.done $0x0  }
0x59: {  	[sflag:s22] =	ssyncadd.s32 $0xFFFFC000  }
0x5a: {  	[tilespmem:s16], [sflag:$0x2] =	stream.indirect.gather [hbm4b:s4+s13], $0x80, s0, s13, $0xb8;
	[tilespmem:$0x1C800] =	vst v63  }
0x5b: {  	_ =	swait.ge [sflag:s17], $0x4000  }
0x5c: {  	[sflag:s17] =	ssyncset.done $0x0  }
0x5d: {  	[sflag:s17] =	ssyncadd.s32 $0xFFFFC000  }
0x5e: {  	[spmem:s2] =	stream.indirect.scatter.add.f32 [tilespmem:s14], [sflag:$0x3], $0x80, s1, s13, $0xb8;
	[tilespmem:$0x1C800] =	vst v63  }
0x5f: {  	_ =	swait.ge [sflag:s20], $0x4000  }
0x60: {  	[sflag:s20] =	ssyncset.done $0x0  }
0x61: {  	[sflag:s20] =	ssyncadd.s32 $0xFFFFC000  }
0x62: {  	[spmem:s2] =	stream.indirect.scatter.add.f32 [tilespmem:s16], [sflag:$0x4], $0x80, s5, s13, $0xb8;
	[tilespmem:$0x1C800] =	vst v63  }
0x63: {  	_ =	swait.ge [sflag:s18], $0x4000  }
0x64: {  	[sflag:s18] =	ssyncset.done $0x0  }
0x65: {  	[sflag:s18] =	ssyncadd.s32 $0xFFFFC000  }
0x66: {  	_ =	swait.ge [sflag:s22], $0x4000  }
0x67: {  	s8 =	simm.s32 $0x80;
	[sflag:s22] =	ssyncset.done $0x0  }
.LBB2_2:
0x68: {  	s6 =	rddreg [dreg:$0x4];
	s9 =	smov.u32 s8  }
0x69: {  	[sflag:s22] =	ssyncadd.s32 $0xFFFFC000;
	s6 =	sadd.s32 s9, s6  }
0x6a: {  	[tilespmem:s11], [sflag:$0x5] =	stream.linear.gather [hbm4b:s6+s3], $0x400, $0x38;
	[tilespmem:$0x1C800] =	vst v63  }
0x6b: {  	_ =	swait.ge [sflag:s10], $0x400  }
0x6c: {  	s6 =	rddreg [dreg:$0x3];
	[sflag:s10] =	ssyncset.done $0x0  }
0x6d: {  	[sflag:s10] =	ssyncadd.s32 $0xFFFFFC00;
	s6 =	sadd.s32 s9, s6  }
0x6e: {  	[tilespmem:s12], [sflag:$0x5] =	stream.linear.gather [hbm4b:s6+s3], $0x400, $0x38;
	[tilespmem:$0x1C800] =	vst v63  }
0x6f: {  	_ =	swait.ge [sflag:s10], $0x400  }
0x70: {  	[sflag:s10] =	ssyncset.done $0x0  }
0x71: {  	[sflag:s10] =	ssyncadd.s32 $0xFFFFFC00  }
0x72: {  	[tilespmem:s14], [sflag:$0x1] =	stream.indirect.gather [hbm4b:s4+s13], $0x80, s11, s13, $0xb8;
	[tilespmem:$0x1C800] =	vst v63  }
0x73: {  	_ = 	snop  }
0x74: {  	[tilespmem:s16], [sflag:$0x2] =	stream.indirect.gather [hbm4b:s4+s13], $0x80, s15, s13, $0xb8;
	[tilespmem:$0x1C800] =	vst v63  }
0x75: {  	_ =	swait.ge [sflag:s17], $0x4000  }
0x76: {  	[sflag:s17] =	ssyncset.done $0x0  }
0x77: {  	[sflag:s17] =	ssyncadd.s32 $0xFFFFC000  }
0x78: {  	[spmem:s2] =	stream.indirect.scatter.add.f32 [tilespmem:s14], [sflag:$0x3], $0x80, s12, s13, $0xb8;
	[tilespmem:$0x1C800] =	vst v63  }
0x79: {  	_ =	swait.ge [sflag:s18], $0x4000  }
0x7a: {  	[sflag:s18] =	ssyncset.done $0x0  }
0x7b: {  	[sflag:s18] =	ssyncadd.s32 $0xFFFFC000  }
0x7c: {  	[tilespmem:s14], [sflag:$0x1] =	stream.indirect.gather [hbm4b:s4+s13], $0x80, s19, s13, $0xb8;
	[tilespmem:$0x1C800] =	vst v63  }
0x7d: {  	_ =	swait.ge [sflag:s20], $0x4000  }
0x7e: {  	[sflag:s20] =	ssyncset.done $0x0  }
0x7f: {  	[sflag:s20] =	ssyncadd.s32 $0xFFFFC000  }
0x80: {  	[spmem:s2] =	stream.indirect.scatter.add.f32 [tilespmem:s16], [sflag:$0x4], $0x80, s21, s13, $0xb8;
	[tilespmem:$0x1C800] =	vst v63  }
0x81: {  	_ =	swait.ge [sflag:s22], $0x4000  }
0x82: {  	[sflag:s22] =	ssyncset.done $0x0  }
0x83: {  	[sflag:s22] =	ssyncadd.s32 $0xFFFFC000  }
0x84: {  	[tilespmem:s16], [sflag:$0x2] =	stream.indirect.gather [hbm4b:s4+s13], $0x80, s23, s13, $0xb8;
	[tilespmem:$0x1C800] =	vst v63  }
0x85: {  	_ =	swait.ge [sflag:s17], $0x4000  }
0x86: {  	[sflag:s17] =	ssyncset.done $0x0  }
0x87: {  	[sflag:s17] =	ssyncadd.s32 $0xFFFFC000  }
0x88: {  	[spmem:s2] =	stream.indirect.scatter.add.f32 [tilespmem:s14], [sflag:$0x3], $0x80, s24, s13, $0xb8;
	[tilespmem:$0x1C800] =	vst v63  }
0x89: {  	_ =	swait.ge [sflag:s18], $0x4000  }
0x8a: {  	[sflag:s18] =	ssyncset.done $0x0  }
0x8b: {  	[sflag:s18] =	ssyncadd.s32 $0xFFFFC000  }
0x8c: {  	[tilespmem:s14], [sflag:$0x1] =	stream.indirect.gather [hbm4b:s4+s13], $0x80, s25, s13, $0xb8;
	[tilespmem:$0x1C800] =	vst v63  }
0x8d: {  	_ =	swait.ge [sflag:s20], $0x4000  }
0x8e: {  	[sflag:s20] =	ssyncset.done $0x0  }
0x8f: {  	[sflag:s20] =	ssyncadd.s32 $0xFFFFC000  }
0x90: {  	[spmem:s2] =	stream.indirect.scatter.add.f32 [tilespmem:s16], [sflag:$0x4], $0x80, s26, s13, $0xb8;
	[tilespmem:$0x1C800] =	vst v63  }
0x91: {  	_ =	swait.ge [sflag:s22], $0x4000  }
0x92: {  	[sflag:s22] =	ssyncset.done $0x0  }
0x93: {  	[sflag:s22] =	ssyncadd.s32 $0xFFFFC000  }
0x94: {  	[tilespmem:s16], [sflag:$0x2] =	stream.indirect.gather [hbm4b:s4+s13], $0x80, s28, s13, $0xb8;
	[tilespmem:$0x1C800] =	vst v63  }
0x95: {  	_ =	swait.ge [sflag:s17], $0x4000  }
0x96: {  	[sflag:s17] =	ssyncset.done $0x0  }
0x97: {  	[sflag:s17] =	ssyncadd.s32 $0xFFFFC000  }
0x98: {  	[spmem:s2] =	stream.indirect.scatter.add.f32 [tilespmem:s14], [sflag:$0x3], $0x80, s29, s13, $0xb8;
	[tilespmem:$0x1C800] =	vst v63  }
0x99: {  	_ =	swait.ge [sflag:s18], $0x4000  }
0x9a: {  	[sflag:s18] =	ssyncset.done $0x0  }
0x9b: {  	[sflag:s18] =	ssyncadd.s32 $0xFFFFC000  }
0x9c: {  	[tilespmem:s14], [sflag:$0x1] =	stream.indirect.gather [hbm4b:s4+s13], $0x80, s30, s13, $0xb8;
	[tilespmem:$0x1C800] =	vst v63  }
0x9d: {  	_ =	swait.ge [sflag:s20], $0x4000  }
0x9e: {  	[sflag:s20] =	ssyncset.done $0x0  }
0x9f: {  	[sflag:s20] =	ssyncadd.s32 $0xFFFFC000  }
0xa0: {  	[spmem:s2] =	stream.indirect.scatter.add.f32 [tilespmem:s16], [sflag:$0x4], $0x80, s31, s13, $0xb8;
	[tilespmem:$0x1C800] =	vst v63  }
0xa1: {  	_ =	swait.ge [sflag:s22], $0x4000  }
0xa2: {  	[sflag:s22] =	ssyncset.done $0x0  }
0xa3: {  	[sflag:s22] =	ssyncadd.s32 $0xFFFFC000  }
0xa4: {  	[tilespmem:s16], [sflag:$0x2] =	stream.indirect.gather [hbm4b:s4+s13], $0x80, s0, s13, $0xb8;
	[tilespmem:$0x1C800] =	vst v63  }
0xa5: {  	_ =	swait.ge [sflag:s17], $0x4000  }
0xa6: {  	[sflag:s17] =	ssyncset.done $0x0  }
0xa7: {  	[sflag:s17] =	ssyncadd.s32 $0xFFFFC000  }
0xa8: {  	[spmem:s2] =	stream.indirect.scatter.add.f32 [tilespmem:s14], [sflag:$0x3], $0x80, s1, s13, $0xb8;
	[tilespmem:$0x1C800] =	vst v63  }
0xa9: {  	_ =	swait.ge [sflag:s20], $0x4000  }
0xaa: {  	[sflag:s20] =	ssyncset.done $0x0  }
0xab: {  	p0 =	sne.s32 s8, $0x480;
	[sflag:s20] =	ssyncadd.s32 $0xFFFFC000  }
0xac: {  	[spmem:s2] =	stream.indirect.scatter.add.f32 [tilespmem:s16], [sflag:$0x4], $0x80, s5, s13, $0xb8;
	[tilespmem:$0x1C800] =	vst v63  }
.Ltmp0:
0xad: {  	_ =	swait.ge [sflag:s18], $0x4000;
	(pc) =	sbr.rel @p0 .LBB2_2-.Ltmp0, $4  }
0xae: {  	[sflag:s18] =	ssyncset.done $0x0  }
0xaf: {  	[sflag:s18] =	ssyncadd.s32 $0xFFFFC000  }
0xb0: {  	_ =	swait.ge [sflag:s22], $0x4000  }
0xb1: {  	s8 =	sadd.s32 $0x80, s8;
	[sflag:s22] =	ssyncset.done $0x0  }
0xb2: {  	[sflag:s22] =	ssyncadd.s32 $0xFFFFC000  }
0xb3: {  	[bflag:$0x0] =	sbarrier.arrive $0xFFFF  }
0xb4: {  	s8 =	rddreg [dreg:$0x6]  }
0xb5: {  	s6 =	rddreg [dreg:$0x7]  }
0xb6: {  	s9 =	rddreg [dreg:$0x9]  }
0xb7: {  	[hbm:s6], [sflag:s8] =	dma.local [spmem:s9], $0x2800  }
0xb8: {  	_ =	swait.ge [sflag:s10], $0x2800  }
0xb9: {  	s7 =	sadd.s32 $0x1, s7;
	s6 =	rddreg [dreg:$0x8]  }
0xba: {  	p0 =	sne.s32 s7, s6  }
.Ltmp1:
0xbb: {  	_ = 	snop;
	(pc) =	sbr.rel @p0 .LBB2_1-.Ltmp1, $3  }
0xbc: {  	_ =	sdelay $0x1  }
0xbd: {  	[sflag:s10] =	ssyncset.done $0x0  }
0xbe: {  	[sflag:s10] =	ssyncadd.s32 $0xFFFFD800  }
0xbf: {  	_ =	sfence.sel $0x180000  }
0xc0: {  	[bflag:$0x0] =	sbarrier.arrive $0xFFFF  }
0xc1: {  	_ =	strace $0x9000004D  }
0xc2: {  	s0 =	stileid.u32;
	[bflag:$0x2] =	sbarrier.arrive $0xFFFF  }
0xc3: {  	p0 =	sne.s32 s0, $0x0;
	s0 =	rddreg [dreg:$0x2]  }
0xc4: {  	s0 =	sadd.s32 @!p0 $0x100000, s0  }
0xc5: {  	[sflag:s0] =	ssyncadd.tile.s32 @!p0 $0x1;
	_ =	shalt  }
.Lfunc_end2:
_tile_overlayer_lowered:
.L_overlay_start_2:
0xc6: {  	(tag) =	ssettag $0x2  }
0xc7: {  	s0 =	rddreg [dreg:$0x0];
	s2 =	stileid.u32  }
0xc8: {  	s1 =	rddreg [dreg:$0x1];
	p0 =	sne.s32 s2, $0x0  }
0xc9: {  	s3 =	rddreg [dreg:$0x2];
	[bflag:$0x3] =	sbarrier.arrive $0xFFFF;
	s2 =	simm.s32 @!p0 $0x1C05  }
0xca: {  	[timem:s3], [sflag:s2] =	dma.local @!p0 [hbm:s0], s1  }
0xcb: {  	s0 =	simm.s32 @!p0 $0x5  }
0xcc: {  	_ =	swait.ge @!p0 [sflag:s0], s1  }
0xcd: {  	s1 =	ssub.s32 @!p0 $0x0, s1;
	[sflag:s0] =	ssyncset.done @!p0 $0x0  }
0xce: {  	[sflag:s0] =	ssyncadd.s32 @!p0 s1  }
0xcf: {  	[bflag:$0x3] =	sbarrier.arrive $0xFFFF  }
0xd0: {  	_ =	shalt  }

// kernel: kernel.8.cloned.1.call-start
scs
__scs_entry_jumppad:
0x0: {  	(pc) =	sbr.rel $0x88, $3  }
0x1: {  	(tag) =	ssettag $0x0;
	lr =	simm.s32 $0x1  }
0x2: {  	[smem:$0x3F96] =	sst lr;
	_ =	strace $0xD0000000  }
0x3: {  	_ = 	snop  }
0x4: {  	_ = 	snop  }
0x5: {  	_ = 	snop  }
0x6: {  	_ = 	snop  }
0x7: {  	_ = 	snop  }
__scs_overlays_trampoline_lowered:
0x8: {  	[smem:$0x3FA5] =	sst s0  }
0x9: {  	[smem:$0x3FA6] =	sst s1  }
0xa: {  	[smem:$0x3FA7] =	sst s2  }
0xb: {  	[smem:$0x3FA8] =	sst s3  }
0xc: {  	[smem:$0x3FA9] =	sst s4  }
0xd: {  	[smem:$0x3FAA] =	sst s5  }
0xe: {  	[smem:$0x3FAB] =	sst s6  }
0xf: {  	[smem:$0x3FAC] =	sst s7  }
0x10: {  	[smem:$0x3FAD] =	sst s8  }
0x11: {  	[smem:$0x3FAE] =	sst s9;
	s0 =	simm.s32 @!p0 $0x0  }
0x12: {  	s1 =	sld [smem:$0x3F94];
	s0 =	simm.s32 @p0 $0x1  }
0x13: {  	[smem:$0x3FAF] =	sst s0;
	s0 =	simm.s32 @!p1 $0x0  }
0x14: {  	s2 =	sld [smem:$0x3F93];
	s0 =	simm.s32 @p1 $0x1  }
0x15: {  	[smem:$0x3FB0] =	sst s0;
	s0 =	simm.s32 @!p2 $0x0  }
0x16: {  	s3 =	sld [smem:$0x3FDB];
	s0 =	simm.s32 @p2 $0x1  }
0x17: {  	s4 =	simm.s32 $0x1BF5;
	[smem:$0x3FB2] =	sst s0  }
0x18: {  	s0 =	sld [smem:$0x3F95];
	_ =	swait.ge [sflag:s4], $0x0  }
0x19: {  	s7 =	sld [smem:$0x3F96]  }
0x1a: {  	s8 =	sadd.s32 $0xFFFFE003, lr  }
0x1b: {  	s9 =	sadd.s32 $0xFFFFFEF7, lr;
	s5 =	simm.s32 $0xFFFFFFFF;
	p2 =	slt.u32 s8, $0xFFFFF086  }
0x1c: {  	p1 =	slt.u32 s9, $0xF7A;
	s5 =	simm.s32 @!p2 $0x0  }
0x1d: {  	s5 =	simm.s32 @p1 $0x1;
	p0 =	seq.s32 s7, s2  }
0x1e: {  	s7 =	smul.u32 @!p0 $0xF7A, s2;
	p2 =	seq.s32 @!p0 s5, $0x0  }
0x1f: {  	s9 =	smul.u32 $0xF7A, s1;
	s8 =	simm.s32 @!p0 $0x1BF5;
	p2 =	por !p2, p0  }
0x20: {  	[sflag:s8] =	ssyncset.s32 @!p0 $0xFFFFF086;
	s6 =	sadd.s32 @!p0 s3, s7;
	s7 =	simm.s32 @!p0 $0x108  }
0x21: {  	s3 =	sadd.s32 s3, s9;
	s6 =	sadd.s32 @!p0 $0x88, s6;
	s7 =	simm.s32 @p2 $0x1082  }
0x22: {  	[simem:s7], [sflag:s8] =	dma.local @!p0 [hbm:s6], $0xF7A  }
0x23: {  	s9 =	sor.u32 $0xD0000000, s2;
	s6 =	simm.s32 $0x108;
	_ =	swait.ge @!p0 [sflag:s8], $0x0  }
0x24: {  	s3 =	sadd.s32 $0x88, s3;
	s6 =	simm.s32 @!p1 $0x1082;
	[sflag:s4] =	ssyncset.s32 $0xFFFFF086  }
0x25: {  	[simem:s6], [sflag:s4] =	dma.local [hbm:s3], $0xF7A  }
0x26: {  	[smem:$0x3F96] =	sst s1;
	(tag) =	ssettag s2;
	_ =	strace s9  }
0x27: {  	s1 =	sld [smem:$0x3FA6]  }
0x28: {  	s2 =	sld [smem:$0x3FA7]  }
0x29: {  	s4 =	sld [smem:$0x3FA9]  }
0x2a: {  	p0 =	seq.s32 s5, $0x0;
	s5 =	sld [smem:$0x3FAA]  }
0x2b: {  	s6 =	sld [smem:$0x3FAB]  }
0x2c: {  	s7 =	sld [smem:$0x3FAC]  }
0x2d: {  	s3 =	simm.s32 $0x108;
	s8 =	sld [smem:$0x3FAD]  }
0x2e: {  	s3 =	simm.s32 @!p0 $0x1082;
	s9 =	sld [smem:$0x3FAE]  }
0x2f: {  	lr =	sadd.s32 s0, s3;
	s0 =	sld [smem:$0x3FA5]  }
0x30: {  	s3 =	sld [smem:$0x3FA8]  }
0x31: {  	[smem:$0x3FB1] =	sst s10  }
0x32: {  	s10 =	sld [smem:$0x3FAF];
	_ =	sdelay $0x3  }
0x33: {  	p0 =	seq.s32 s10, $0x1;
	s10 =	sld [smem:$0x3FB1];
	_ =	sdelay $0x3  }
0x34: {  	[smem:$0x3FB1] =	sst s10  }
0x35: {  	s10 =	sld [smem:$0x3FB0];
	_ =	sdelay $0x3  }
0x36: {  	p1 =	seq.s32 s10, $0x1;
	s10 =	sld [smem:$0x3FB1];
	_ =	sdelay $0x3  }
0x37: {  	[smem:$0x3FB1] =	sst s10  }
0x38: {  	s10 =	sld [smem:$0x3FB2]  }
0x39: {  	_ = 	snop;
	(pc) =	sbr.ind lr, $3  }
0x3a: {  	_ = 	snop  }
0x3b: {  	_ = 	snop  }
0x3c: {  	p2 =	seq.s32 s10, $0x1;
	s10 =	sld [smem:$0x3FB1]  }
0x3d: {  	_ =	shalt  }
0x3e: {  	_ =	shalt  }
0x3f: {  	_ =	shalt  }
0x40: {  	_ =	shalt  }
0x41: {  	_ =	shalt  }
0x42: {  	_ =	shalt  }
0x43: {  	_ =	shalt  }
0x44: {  	_ =	shalt  }
0x45: {  	_ =	shalt  }
0x46: {  	_ =	shalt  }
0x47: {  	_ =	shalt  }
0x48: {  	_ =	shalt  }
0x49: {  	_ =	shalt  }
0x4a: {  	_ =	shalt  }
0x4b: {  	_ =	shalt  }
0x4c: {  	_ =	shalt  }
0x4d: {  	_ =	shalt  }
0x4e: {  	_ =	shalt  }
0x4f: {  	_ =	shalt  }
0x50: {  	_ =	shalt  }
0x51: {  	_ =	shalt  }
0x52: {  	_ =	shalt  }
0x53: {  	_ =	shalt  }
0x54: {  	_ =	shalt  }
0x55: {  	_ =	shalt  }
0x56: {  	_ =	shalt  }
0x57: {  	_ =	shalt  }
0x58: {  	_ =	shalt  }
0x59: {  	_ =	shalt  }
0x5a: {  	_ =	shalt  }
0x5b: {  	_ =	shalt  }
0x5c: {  	_ =	shalt  }
0x5d: {  	_ =	shalt  }
0x5e: {  	_ =	shalt  }
0x5f: {  	_ =	shalt  }
0x60: {  	_ =	shalt  }
0x61: {  	_ =	shalt  }
0x62: {  	_ =	shalt  }
0x63: {  	_ =	shalt  }
0x64: {  	_ =	shalt  }
0x65: {  	_ =	shalt  }
0x66: {  	_ =	shalt  }
0x67: {  	_ =	shalt  }
0x68: {  	_ =	shalt  }
0x69: {  	_ =	shalt  }
0x6a: {  	_ =	shalt  }
0x6b: {  	_ =	shalt  }
0x6c: {  	_ =	shalt  }
0x6d: {  	_ =	shalt  }
0x6e: {  	_ =	shalt  }
0x6f: {  	_ =	shalt  }
0x70: {  	_ =	shalt  }
0x71: {  	_ =	shalt  }
0x72: {  	_ =	shalt  }
0x73: {  	_ =	shalt  }
0x74: {  	_ =	shalt  }
0x75: {  	_ =	shalt  }
0x76: {  	_ =	shalt  }
0x77: {  	_ =	shalt  }
0x78: {  	_ =	shalt  }
0x79: {  	_ =	shalt  }
0x7a: {  	_ =	shalt  }
0x7b: {  	_ =	shalt  }
0x7c: {  	_ =	shalt  }
0x7d: {  	_ =	shalt  }
0x7e: {  	_ =	shalt  }
0x7f: {  	_ =	shalt  }
0x80: {  	_ =	shalt  }
0x81: {  	_ =	shalt  }
0x82: {  	_ =	shalt  }
0x83: {  	_ =	shalt  }
0x84: {  	_ =	shalt  }
0x85: {  	_ =	shalt  }
0x86: {  	_ =	shalt  }
0x87: {  	_ =	shalt  }
.Lfunc_end0:
.L_simem_size_0:
called_computation_lowered:
.L_overlay_start_0:
0x88: {  	s2 =	sld [smem:$0x3FD9]  }
0x89: {  	s3 =	sld [smem:$0x3FFE];
	_ =	sdelay $0x1  }
0x8a: {  	s1 =	srdreg.scid  }
0x8b: {  	s0 =	sand.u32 $0x1, s1  }
0x8c: {  	s17 =	sshll.u32 s0, $0xA;
	s2 =	sadd.s32 s3, s2  }
0x8d: {  	s2 =	sadd.s32 s2, s17  }
0x8e: {  	[smem:$0x3FBD] =	sst s2  }
0x8f: {  	_ = 	snop  }
0x90: {  	(tm) =	ssettm $0x1  }
0x91: {  	s18 =	sld [smem:$0x3FFB];
	_ =	sdelay $0x3  }
0x92: {  	_ =	strace s18  }
0x93: {  	s2 =	sld [smem:$0x3FFC];
	_ =	sdelay $0x3  }
0x94: {  	_ =	strace s2  }
0x95: {  	s2 =	sld [smem:$0x3FFD];
	_ =	sdelay $0x3  }
0x96: {  	_ =	strace s2  }
0x97: {  	_ =	strace $0x8FFFFFFF  }
0x98: {  	s19 =	sld [smem:$0x3FDB];
	_ =	sdelay $0x1  }
0x99: {  	s20 =	simm.s32 $_scs_section_size  }
0x9a: {  	s4 =	simm.s32 $_size__tile_overlayer_lowered;
	s5 =	simm.s32 $_tile_overlayer_lowered  }
0x9b: {  	s6 =	simm.s32 $0x1BFF;
	s21 =	sshll.u32 s5, $0x1;
	s3 =	sadd.s32 s20, s19  }
0x9c: {  	s22 =	simm.s32 $0x0;
	s4 =	sshll.u32 s4, $0x1;
	s5 =	sadd.s32 s21, s3  }
0x9d: {  	[timem:s22], [sflag:s6] =	dma.local [hbm:s5], s4  }
0x9e: {  	_ =	swait.ge [sflag:s6], s4  }
0x9f: {  	s4 =	ssub.s32 $0x0, s4;
	[sflag:s6] =	ssyncset.done $0x0  }
0xa0: {  	[sflag:s6] =	ssyncadd.s32 s4;
	_ =	sdelay $0x1  }
0xa1: {  	s23 =	simm.s32 $0x1B8B  }
0xa2: {  	_ =	swait.ge [sflag:s23], $0x1  }
0xa3: {  	[sflag:s23] =	ssyncset.done $0x0  }
0xa4: {  	[sflag:s23] =	ssyncadd.s32 $0xFFFFFFFF  }
0xa5: {  	s4 =	sld [smem:$0x0]  }
0xa6: {  	s5 =	sand.u32 $0xFFFFFFFE, s1  }
0xa7: {  	p0 =	sne.s32 s1, s5  }
0xa8: {  	s5 =	sshll.u32 @p0 s5, $0xE  }
0xa9: {  	s5 =	sadd.s32 @p0 $0x11B8D, s5;
	s6 =	sshll.u32 @p0 s4, $0x11  }
0xaa: {  	s5 =	sor.u32 @p0 s6, s5  }
0xab: {  	[sflag:s5] =	ssyncadd.remote.s32 @p0 $0x1;
	_ =	sdelay $0x1  }
0xac: {  	s5 =	simm.s32 @p0 $0x1B8D  }
0xad: {  	_ =	swait.eq @p0 [sflag:s5], $0x1  }
0xae: {  	[sflag:s5] =	ssyncadd.s32 @p0 $0xFFFFFFFF  }
0xaf: {  	s6 =	sshll.u32 @!p0 s1, $0xE  }
0xb0: {  	s6 =	sor.u32 @!p0 $0x4000, s6;
	s5 =	simm.s32 @!p0 $0x1B8D  }
0xb1: {  	s4 =	sshll.u32 @!p0 s4, $0x11;
	s6 =	sadd.s32 @!p0 $0x11B8D, s6;
	_ =	swait.eq @!p0 [sflag:s5], $0x1  }
0xb2: {  	s4 =	sor.u32 @!p0 s4, s6;
	[sflag:s5] =	ssyncadd.s32 @!p0 $0xFFFFFFFF  }
0xb3: {  	s25 =	simm.s32 $0x1B8E;
	s24 =	sld [smem:$0x3FFE];
	[sflag:s4] =	ssyncadd.remote.s32 @!p0 $0x1  }
0xb4: {  	s26 =	simm.s32 $execute0_lowered;
	[smem:$0x3FD2] =	sst s25  }
0xb5: {  	s5 =	sshll.u32 s26, $0x1;
	_ =	strace $0x80000049;
	[dreg:$0x1] =	wrdreg $0xFFFFFFFF  }
0xb6: {  	s28 =	simm.s32 $_size_execute0_lowered;
	s3 =	sadd.s32 s3, s5;
	[dreg:$0x0] =	wrdreg $0x0  }
0xb7: {  	s5 =	sshll.u32 s28, $0x1;
	[dreg:$0x2] =	wrdreg s3  }
0xb8: {  	[dreg:$0x3] =	wrdreg s5  }
0xb9: {  	[dreg:$0x4] =	wrdreg $0xC0  }
0xba: {  	_ =	task [dreg:s22], $0x5FFFF  }
0xbb: {  	[dreg:$0x1] =	wrdreg $0xFFFFFFFF  }
0xbc: {  	[dreg:$0x0] =	wrdreg $0x60  }
0xbd: {  	[dreg:$0x2] =	wrdreg s24  }
0xbe: {  	[dreg:$0x3] =	wrdreg $0x0  }
0xbf: {  	[dreg:$0x4] =	wrdreg $0x9  }
0xc0: {  	_ =	task.clear_ibuf [dreg:s22], $0x5FFFF;
	_ =	strace $0x90000049  }
0xc1: {  	s29 =	simm.s32 $0x9;
	_ =	strace $0x8000004B  }
0xc2: {  	_ =	swait.ge [sflag:s29], $0x1  }
0xc3: {  	[sflag:s29] =	ssyncadd.s32 $0xFFFFFFFF  }
0xc4: {  	_ =	strace $0x9000004B  }
0xc5: {  	_ =	sfence  }
0xc6: {  	s30 =	sld [smem:$0x0];
	_ =	sdelay $0x2  }
0xc7: {  	s31 =	sshll.u32 s1, $0xD;
	s1 =	sshrl.u32 s1, $0x2  }
0xc8: {  	s4 =	sand.u32 $0x4000, s31;
	s1 =	sadd.s32 s1, s30  }
0xc9: {  	s0 =	sor.u32 s4, s0;
	s1 =	sshll.u32 s1, $0x11  }
0xca: {  	s0 =	sor.u32 s1, s0  }
0xcb: {  	s0 =	sadd.s32 $0x8F2B, s0  }
0xcc: {  	[sflag:s0] =	ssyncadd.remote.s32 $0x1  }
0xcd: {  	_ =	sfence.sel $0xFFFF  }
0xce: {  	[dreg:$0x0] =	wrdreg $0xFFFFFFFF;
	(pc) =	sbr.abs _section_cstart, $3  }
0xcf: {  	[dreg:$0x1] =	wrdreg $0xFFFFFFFF  }
0xd0: {  	_ =	task.clear_ibuf [dreg:s22], $0x2FFFF;
	_ =	strace $0x9FFFFFFF  }
0xd1: {  	(tm) =	ssettm $0x7FFFFFFF  }
tec
execute0_lowered:
.L_overlay_start_1:
0x0: {  	(tag) =	ssettag $0x1  }
0x1: {  	s5 =	rddreg [dreg:$0x0];
	s0 =	srdreg.scid  }
0x2: {  	s2 =	rddreg [dreg:$0x1];
	s1 =	stileid.u32  }
0x3: {  	s3 =	simm.s32 $0x0;
	s13 =	simm.s32 $0x14000;
	s14 =	simm.s32 $0x80  }
0x4: {  	s15 =	simm.s32 $0x14080;
	s16 =	simm.s32 $0x14100;
	s17 =	simm.s32 $0x14180  }
0x5: {  	s18 =	simm.s32 $0x14200;
	s19 =	simm.s32 $0x14280;
	s7 =	smul.u32 $0x14000, s1  }
0x6: {  	s20 =	simm.s32 $0x14300;
	s21 =	simm.s32 $0x14380;
	s26 =	smul.u32 $0x50000, s1  }
0x7: {  	s6 =	sand.u32 $0x1, s0;
	s0 =	rddreg [dreg:$0x2];
	s30 =	smul.u32 $0x500, s1  }
0x8: {  	s22 =	simm.s32 $0x0;
	[smem:$0x7FF] =	sst s3;
	s4 =	smul.u32 $0x5000, s6  }
0x9: {  	s31 =	sshll.u32 s1, $0x6;
	s8 =	smul.u32 $0x140000, s6;
	s6 =	ssub.s32 $0x2, s6  }
0xa: {  	_ =	strace $0x8000004A;
	s10 =	sshrl.u32 s7, $0x3;
	s28 =	sshrl.u32 s6, $0x1  }
0xb: {  	s29 =	sshrl.u32 s26, $0x2;
	s9 =	sadd.s32 s4, s5;
	s4 =	sadd.s32 $0xB6400, s5  }
0xc: {  	s7 =	sadd.s32 s7, s8;
	s10 =	sadd.s32 s10, s5;
	s11 =	ssub.s32 s6, s28  }
0xd: {  	s12 =	sadd.s32 s29, s2;
	s6 =	sor.u32 $0x1C01, s31;
	s7 =	sshrl.u32 s7, $0x3  }
0xe: {  	s9 =	sadd.s32 s30, s9;
	s8 =	smax.u32 s11, $0x1;
	s11 =	simm.s32 $0x1  }
0xf: {  	s7 =	sadd.s32 s7, s5;
	s5 =	sadd.s32 $0x3E400, s10;
	s9 =	sadd.s32 $0x2400, s9  }
0x10: {  	s10 =	sshrl.u32 s12, $0x3;
	s12 =	simm.s32 $0x14400;
	s7 =	sadd.s32 $0xB6C00, s7  }
.LBB2_1:
0x11: {  	[spmem:s10], [sflag:s6] =	dma.local [hbm:s5], $0x2800  }
0x12: {  	_ =	swait.ge [sflag:s11], $0x2800  }
0x13: {  	[sflag:s11] =	ssyncset.done $0x0  }
0x14: {  	[sflag:s11] =	ssyncadd.s32 $0xFFFFD800  }
0x15: {  	[tilespmem:s12], [sflag:$0x1] =	stream.linear.gather [hbm4b:s4+s3], $0x4000, $0x38;
	[tilespmem:$0x18400] =	vst v63  }
0x16: {  	_ =	swait.ge [sflag:s11], $0x4000  }
0x17: {  	[sflag:s11] =	ssyncset.done $0x0  }
0x18: {  	[sflag:s11] =	ssyncadd.s32 $0xFFFFC000  }
0x19: {  	s23 =	sadd.s32 $0x0, s9;
	[bflag:$0x0] =	sbarrier.arrive $0xFFFF  }
0x1a: {  	[tilespmem:s13], [sflag:$0x1] =	stream.linear.gather [hbm4b:s23+s3], $0x400, $0x38;
	[tilespmem:$0x18400] =	vst v63  }
0x1b: {  	_ =	swait.ge [sflag:s11], $0x400  }
0x1c: {  	[sflag:s11] =	ssyncset.done $0x0  }
0x1d: {  	[sflag:s11] =	ssyncadd.s32 $0xFFFFFC00  }
0x1e: {  	[spmem:s2] =	stream.indirect.scatter.add.f32 [tilespmem:s12], [sflag:$0x1], $0x80, s13, s14, $0xb8;
	[tilespmem:$0x18400] =	vst v63  }
0x1f: {  	_ =	swait.ge [sflag:s11], $0x4000  }
0x20: {  	[sflag:s11] =	ssyncset.done $0x0  }
0x21: {  	[sflag:s11] =	ssyncadd.s32 $0xFFFFC000  }
0x22: {  	[spmem:s2] =	stream.indirect.scatter.add.f32 [tilespmem:s12], [sflag:$0x1], $0x80, s15, s14, $0xb8;
	[tilespmem:$0x18400] =	vst v63  }
0x23: {  	_ =	swait.ge [sflag:s11], $0x4000  }
0x24: {  	[sflag:s11] =	ssyncset.done $0x0  }
0x25: {  	[sflag:s11] =	ssyncadd.s32 $0xFFFFC000  }
0x26: {  	[spmem:s2] =	stream.indirect.scatter.add.f32 [tilespmem:s12], [sflag:$0x1], $0x80, s16, s14, $0xb8;
	[tilespmem:$0x18400] =	vst v63  }
0x27: {  	_ =	swait.ge [sflag:s11], $0x4000  }
0x28: {  	[sflag:s11] =	ssyncset.done $0x0  }
0x29: {  	[sflag:s11] =	ssyncadd.s32 $0xFFFFC000  }
0x2a: {  	[spmem:s2] =	stream.indirect.scatter.add.f32 [tilespmem:s12], [sflag:$0x1], $0x80, s17, s14, $0xb8;
	[tilespmem:$0x18400] =	vst v63  }
0x2b: {  	_ =	swait.ge [sflag:s11], $0x4000  }
0x2c: {  	[sflag:s11] =	ssyncset.done $0x0  }
0x2d: {  	[sflag:s11] =	ssyncadd.s32 $0xFFFFC000  }
0x2e: {  	[spmem:s2] =	stream.indirect.scatter.add.f32 [tilespmem:s12], [sflag:$0x1], $0x80, s18, s14, $0xb8;
	[tilespmem:$0x18400] =	vst v63  }
0x2f: {  	_ =	swait.ge [sflag:s11], $0x4000  }
0x30: {  	[sflag:s11] =	ssyncset.done $0x0  }
0x31: {  	[sflag:s11] =	ssyncadd.s32 $0xFFFFC000  }
0x32: {  	[spmem:s2] =	stream.indirect.scatter.add.f32 [tilespmem:s12], [sflag:$0x1], $0x80, s19, s14, $0xb8;
	[tilespmem:$0x18400] =	vst v63  }
0x33: {  	_ =	swait.ge [sflag:s11], $0x4000  }
0x34: {  	[sflag:s11] =	ssyncset.done $0x0  }
0x35: {  	[sflag:s11] =	ssyncadd.s32 $0xFFFFC000  }
0x36: {  	[spmem:s2] =	stream.indirect.scatter.add.f32 [tilespmem:s12], [sflag:$0x1], $0x80, s20, s14, $0xb8;
	[tilespmem:$0x18400] =	vst v63  }
0x37: {  	_ =	swait.ge [sflag:s11], $0x4000  }
0x38: {  	[sflag:s11] =	ssyncset.done $0x0  }
0x39: {  	[sflag:s11] =	ssyncadd.s32 $0xFFFFC000  }
0x3a: {  	[spmem:s2] =	stream.indirect.scatter.add.f32 [tilespmem:s12], [sflag:$0x1], $0x80, s21, s14, $0xb8;
	[tilespmem:$0x18400] =	vst v63  }
0x3b: {  	_ =	swait.ge [sflag:s11], $0x4000  }
0x3c: {  	s25 =	simm.s32 $0x100;
	s23 =	simm.s32 $0x80;
	[sflag:s11] =	ssyncset.done $0x0  }
.LBB2_2:
0x3d: {  	s26 =	sadd.s32 s23, s9  }
0x3e: {  	[sflag:s11] =	ssyncadd.s32 $0xFFFFC000;
	s23 =	smov.u32 s25;
	s24 =	sadd.s32 $0x80, s25  }
0x3f: {  	[tilespmem:s13], [sflag:$0x1] =	stream.linear.gather [hbm4b:s26+s3], $0x400, $0x38;
	[tilespmem:$0x18400] =	vst v63  }
0x40: {  	p0 =	sne.s32 s25, $0x480;
	_ =	swait.ge [sflag:s11], $0x400  }
0x41: {  	[sflag:s11] =	ssyncset.done $0x0  }
0x42: {  	[sflag:s11] =	ssyncadd.s32 $0xFFFFFC00  }
0x43: {  	[spmem:s2] =	stream.indirect.scatter.add.f32 [tilespmem:s12], [sflag:$0x1], $0x80, s13, s14, $0xb8;
	[tilespmem:$0x18400] =	vst v63  }
0x44: {  	_ =	swait.ge [sflag:s11], $0x4000  }
0x45: {  	[sflag:s11] =	ssyncset.done $0x0  }
0x46: {  	[sflag:s11] =	ssyncadd.s32 $0xFFFFC000  }
0x47: {  	[spmem:s2] =	stream.indirect.scatter.add.f32 [tilespmem:s12], [sflag:$0x1], $0x80, s15, s14, $0xb8;
	[tilespmem:$0x18400] =	vst v63  }
0x48: {  	_ =	swait.ge [sflag:s11], $0x4000  }
0x49: {  	[sflag:s11] =	ssyncset.done $0x0  }
0x4a: {  	[sflag:s11] =	ssyncadd.s32 $0xFFFFC000  }
0x4b: {  	[spmem:s2] =	stream.indirect.scatter.add.f32 [tilespmem:s12], [sflag:$0x1], $0x80, s16, s14, $0xb8;
	[tilespmem:$0x18400] =	vst v63  }
0x4c: {  	_ =	swait.ge [sflag:s11], $0x4000  }
0x4d: {  	[sflag:s11] =	ssyncset.done $0x0  }
0x4e: {  	[sflag:s11] =	ssyncadd.s32 $0xFFFFC000  }
0x4f: {  	[spmem:s2] =	stream.indirect.scatter.add.f32 [tilespmem:s12], [sflag:$0x1], $0x80, s17, s14, $0xb8;
	[tilespmem:$0x18400] =	vst v63  }
0x50: {  	_ =	swait.ge [sflag:s11], $0x4000  }
0x51: {  	[sflag:s11] =	ssyncset.done $0x0  }
0x52: {  	[sflag:s11] =	ssyncadd.s32 $0xFFFFC000  }
0x53: {  	[spmem:s2] =	stream.indirect.scatter.add.f32 [tilespmem:s12], [sflag:$0x1], $0x80, s18, s14, $0xb8;
	[tilespmem:$0x18400] =	vst v63  }
0x54: {  	_ =	swait.ge [sflag:s11], $0x4000  }
0x55: {  	[sflag:s11] =	ssyncset.done $0x0  }
0x56: {  	[sflag:s11] =	ssyncadd.s32 $0xFFFFC000  }
0x57: {  	[spmem:s2] =	stream.indirect.scatter.add.f32 [tilespmem:s12], [sflag:$0x1], $0x80, s19, s14, $0xb8;
	[tilespmem:$0x18400] =	vst v63  }
0x58: {  	_ =	swait.ge [sflag:s11], $0x4000  }
0x59: {  	[sflag:s11] =	ssyncset.done $0x0  }
0x5a: {  	[sflag:s11] =	ssyncadd.s32 $0xFFFFC000  }
0x5b: {  	[spmem:s2] =	stream.indirect.scatter.add.f32 [tilespmem:s12], [sflag:$0x1], $0x80, s20, s14, $0xb8;
	[tilespmem:$0x18400] =	vst v63  }
0x5c: {  	_ =	swait.ge [sflag:s11], $0x4000  }
.Ltmp0:
0x5d: {  	[sflag:s11] =	ssyncset.done $0x0;
	(pc) =	sbr.rel @p0 .LBB2_2-.Ltmp0, $4  }
0x5e: {  	[sflag:s11] =	ssyncadd.s32 $0xFFFFC000  }
0x5f: {  	[spmem:s2] =	stream.indirect.scatter.add.f32 [tilespmem:s12], [sflag:$0x1], $0x80, s21, s14, $0xb8;
	[tilespmem:$0x18400] =	vst v63  }
0x60: {  	_ =	swait.ge [sflag:s11], $0x4000  }
0x61: {  	s25 =	smov.u32 s24;
	[sflag:s11] =	ssyncset.done $0x0  }
0x62: {  	s23 =	sadd.s32 s23, s9;
	[sflag:s11] =	ssyncadd.s32 $0xFFFFC000  }
0x63: {  	[tilespmem:s13], [sflag:$0x1] =	stream.linear.gather [hbm4b:s23+s3], $0x400, $0x38;
	[tilespmem:$0x18400] =	vst v63  }
0x64: {  	_ =	swait.ge [sflag:s11], $0x400  }
0x65: {  	[sflag:s11] =	ssyncset.done $0x0  }
0x66: {  	[sflag:s11] =	ssyncadd.s32 $0xFFFFFC00  }
0x67: {  	[spmem:s2] =	stream.indirect.scatter.add.f32 [tilespmem:s12], [sflag:$0x1], $0x80, s13, s14, $0xb8;
	[tilespmem:$0x18400] =	vst v63  }
0x68: {  	_ =	swait.ge [sflag:s11], $0x4000  }
0x69: {  	[sflag:s11] =	ssyncset.done $0x0  }
0x6a: {  	[sflag:s11] =	ssyncadd.s32 $0xFFFFC000  }
0x6b: {  	[spmem:s2] =	stream.indirect.scatter.add.f32 [tilespmem:s12], [sflag:$0x1], $0x80, s15, s14, $0xb8;
	[tilespmem:$0x18400] =	vst v63  }
0x6c: {  	_ =	swait.ge [sflag:s11], $0x4000  }
0x6d: {  	[sflag:s11] =	ssyncset.done $0x0  }
0x6e: {  	[sflag:s11] =	ssyncadd.s32 $0xFFFFC000  }
0x6f: {  	[spmem:s2] =	stream.indirect.scatter.add.f32 [tilespmem:s12], [sflag:$0x1], $0x80, s16, s14, $0xb8;
	[tilespmem:$0x18400] =	vst v63  }
0x70: {  	_ =	swait.ge [sflag:s11], $0x4000  }
0x71: {  	[sflag:s11] =	ssyncset.done $0x0  }
0x72: {  	[sflag:s11] =	ssyncadd.s32 $0xFFFFC000  }
0x73: {  	[spmem:s2] =	stream.indirect.scatter.add.f32 [tilespmem:s12], [sflag:$0x1], $0x80, s17, s14, $0xb8;
	[tilespmem:$0x18400] =	vst v63  }
0x74: {  	_ =	swait.ge [sflag:s11], $0x4000  }
0x75: {  	[sflag:s11] =	ssyncset.done $0x0  }
0x76: {  	[sflag:s11] =	ssyncadd.s32 $0xFFFFC000  }
0x77: {  	[spmem:s2] =	stream.indirect.scatter.add.f32 [tilespmem:s12], [sflag:$0x1], $0x80, s18, s14, $0xb8;
	[tilespmem:$0x18400] =	vst v63  }
0x78: {  	_ =	swait.ge [sflag:s11], $0x4000  }
0x79: {  	[sflag:s11] =	ssyncset.done $0x0  }
0x7a: {  	[sflag:s11] =	ssyncadd.s32 $0xFFFFC000  }
0x7b: {  	[spmem:s2] =	stream.indirect.scatter.add.f32 [tilespmem:s12], [sflag:$0x1], $0x80, s19, s14, $0xb8;
	[tilespmem:$0x18400] =	vst v63  }
0x7c: {  	_ =	swait.ge [sflag:s11], $0x4000  }
0x7d: {  	[sflag:s11] =	ssyncset.done $0x0  }
0x7e: {  	[sflag:s11] =	ssyncadd.s32 $0xFFFFC000  }
0x7f: {  	[spmem:s2] =	stream.indirect.scatter.add.f32 [tilespmem:s12], [sflag:$0x1], $0x80, s20, s14, $0xb8;
	[tilespmem:$0x18400] =	vst v63  }
0x80: {  	_ =	swait.ge [sflag:s11], $0x4000  }
0x81: {  	[sflag:s11] =	ssyncset.done $0x0  }
0x82: {  	[sflag:s11] =	ssyncadd.s32 $0xFFFFC000  }
0x83: {  	[spmem:s2] =	stream.indirect.scatter.add.f32 [tilespmem:s12], [sflag:$0x1], $0x80, s21, s14, $0xb8;
	[tilespmem:$0x18400] =	vst v63  }
0x84: {  	_ =	swait.ge [sflag:s11], $0x4000  }
0x85: {  	s22 =	sadd.s32 $0x1, s22;
	[sflag:s11] =	ssyncset.done $0x0  }
0x86: {  	p0 =	sne.s32 s22, s8;
	[sflag:s11] =	ssyncadd.s32 $0xFFFFC000  }
.Ltmp1:
0x87: {  	[bflag:$0x0] =	sbarrier.arrive $0xFFFF;
	(pc) =	sbr.rel @p0 .LBB2_1-.Ltmp1, $4  }
0x88: {  	[hbm:s7], [sflag:s6] =	dma.local [spmem:s10], $0x2800  }
0x89: {  	_ =	swait.ge [sflag:s11], $0x2800  }
0x8a: {  	[sflag:s11] =	ssyncset.done $0x0  }
0x8b: {  	[sflag:s11] =	ssyncadd.s32 $0xFFFFD800  }
0x8c: {  	_ =	sfence.sel $0x180000  }
0x8d: {  	[bflag:$0x0] =	sbarrier.arrive $0xFFFF  }
0x8e: {  	p0 =	sne.s32 s1, $0x0;
	_ =	strace $0x9000004A  }
0x8f: {  	s0 =	sadd.s32 @!p0 $0x100000, s0;
	[bflag:$0x2] =	sbarrier.arrive $0xFFFF  }
0x90: {  	[sflag:s0] =	ssyncadd.tile.s32 @!p0 $0x1;
	_ =	shalt  }
.Lfunc_end2:
_tile_overlayer_lowered:
.L_overlay_start_2:
0x91: {  	(tag) =	ssettag $0x2  }
0x92: {  	s0 =	rddreg [dreg:$0x0];
	s2 =	stileid.u32  }
0x93: {  	s1 =	rddreg [dreg:$0x1];
	p0 =	sne.s32 s2, $0x0  }
0x94: {  	s3 =	rddreg [dreg:$0x2];
	[bflag:$0x3] =	sbarrier.arrive $0xFFFF;
	s2 =	simm.s32 @!p0 $0x1C01  }
0x95: {  	[timem:s3], [sflag:s2] =	dma.local @!p0 [hbm:s0], s1  }
0x96: {  	s0 =	simm.s32 @!p0 $0x1  }
0x97: {  	_ =	swait.ge @!p0 [sflag:s0], s1  }
0x98: {  	s1 =	ssub.s32 @!p0 $0x0, s1;
	[sflag:s0] =	ssyncset.done @!p0 $0x0  }
0x99: {  	[sflag:s0] =	ssyncadd.s32 @!p0 s1  }
0x9a: {  	[bflag:$0x3] =	sbarrier.arrive $0xFFFF  }
0x9b: {  	_ =	shalt  }

</sc_bundles>
